<compile_context>
chip_gen: v7x
topology: tpu7x:2x2x1
jax: 0.10.2.dev20260603
libtpu: 0.0.44.dev20260713+nightly
codegen_flags: <defaults>
</compile_context>

<pallas_src>
import functools

import jax
import jax.numpy as jnp
from jax import lax
from jax.experimental import pallas as pl
from jax.experimental.pallas import tpu as pltpu
from jax.experimental.pallas import tpu_sc as plsc

NC = 2
NS = 16
NW = NC * NS
CH = 80
ZR = 32
SENT = 2147483647


def _mesh():
    return plsc.VectorSubcoreMesh(core_axis_name="c", subcore_axis_name="s")


def _zero_shared(acc, zbuf, sem, sid, npad, d):
    zvec = jnp.zeros((16,), jnp.float32)

    def zrow(i, _):
        for j in range(d // 16):
            zbuf[i, pl.ds(16 * j, 16)] = zvec
        return 0

    lax.fori_loop(0, ZR, zrow, 0)
    rows_per_tile = npad // NS
    base = sid * rows_per_tile

    def zissue(i, _):
        pltpu.make_async_copy(zbuf, acc.at[pl.ds(base + i * ZR, ZR)], sem).start()
        return 0

    def zdrain(i, _):
        pltpu.make_async_copy(zbuf, acc.at[pl.ds(base, ZR)], sem).wait()
        return 0

    lax.fori_loop(0, rows_per_tile // ZR, zissue, 0)
    lax.fori_loop(0, rows_per_tile // ZR, zdrain, 0)


def _hop1_body(n_nodes, npad, d, ew, cap,
               ft_hbm, src_hbm, dst_hbm, dst2_hbm, pk_hbm,
               p_hbm, e3p_hbm, cnt_hbm,
               acc,
               src_c0, src_c1, dst_c0, dst_c1, dst2_c0, dst2_c1,
               pk_c0, pk_c1, sdst0, sdst1, sdst2_0, sdst2_1,
               rows0, rows1, e3p_v, zbuf, tmp_v,
               isem0, isem1, gsem0, gsem1, ssem0, ssem1):
    cid = lax.axis_index("c")
    sid = lax.axis_index("s")
    wid = cid * NS + sid
    dummy = n_nodes
    nch = ew // CH
    src_c = (src_c0, src_c1)
    dst_c = (dst_c0, dst_c1)
    dst2_c = (dst2_c0, dst2_c1)
    pk_c = (pk_c0, pk_c1)
    sdst = (sdst0, sdst1)
    sdst2 = (sdst2_0, sdst2_1)
    rows = (rows0, rows1)
    isem = (isem0, isem1)
    gsem = (gsem0, gsem1)
    ssem = (ssem0, ssem1)
    ebase = wid * ew

    def idx_copies(c, b):
        base = ebase + c * CH
        return (
            pltpu.make_async_copy(src_hbm.at[pl.ds(base, CH)], src_c[b], isem[b]),
            pltpu.make_async_copy(dst_hbm.at[pl.ds(base, CH)], dst_c[b], isem[b]),
            pltpu.make_async_copy(dst2_hbm.at[pl.ds(base, CH)], dst2_c[b], isem[b]),
            pltpu.make_async_copy(pk_hbm.at[pl.ds(base, CH)], pk_c[b], isem[b]),
        )

    def idx_issue(c, b):
        for cp in idx_copies(c, b):
            cp.start()

    def idx_wait(c, b):
        for cp in idx_copies(c, b):
            cp.wait()

    def gather_cps(b):
        return (pltpu.make_async_copy(ft_hbm.at[src_c[b]], rows[b], gsem[b]),)

    def scatter_cps(b):
        return (pltpu.make_async_copy(rows[b], acc.at[sdst[b]], ssem[b]),
                pltpu.make_async_copy(rows[b], acc.at[sdst2[b]], ssem[b]))

    with jax.named_scope("h1zero"):
        _zero_shared(acc, zbuf, gsem0, sid, npad, d)
        plsc.subcore_barrier()

    idx_issue(0, 0)
    idx_issue(1, 1)
    idx_wait(0, 0)
    for cp in gather_cps(0):
        cp.start()

    def iter_chunk(c, b, cnt):
        nb = 1 - b

        @pl.when(c > 0)
        def _():
            for cp in scatter_cps(nb):
                cp.wait()

        @pl.when(c + 1 < nch)
        def _():
            idx_wait(c + 1, nb)
            for cp in gather_cps(nb):
                cp.start()

        for g in range(CH // 16):
            sl = pl.ds(g * 16, 16)
            sdst[b][sl] = dst_c[b][sl]
            sdst2[b][sl] = dst2_c[b][sl]
            v = pk_c[b][sl]
            sk, sv = plsc.sort_key_val(v, v)
            e3p_v[pl.ds(cnt, 16)] = sv
            cnt = cnt + plsc.all_reduce_population_count(sk != SENT)[0]

        for cp in gather_cps(b):
            cp.wait()

        @pl.when(c + 2 < nch)
        def _():
            idx_issue(c + 2, b)

        for cp in scatter_cps(b):
            cp.start(add=True)
        return cnt

    def pair(m, cnt):
        cnt = iter_chunk(2 * m, 0, cnt)
        cnt = iter_chunk(2 * m + 1, 1, cnt)
        return cnt

    with jax.named_scope("h1loop"):
        cnt = lax.fori_loop(0, nch // 2, pair, jnp.int32(0))
        if nch % 2:
            cnt = iter_chunk(nch - 1, 0, cnt)
        for cp in scatter_cps((nch - 1) % 2):
            cp.wait()

    dvec = jnp.full((16,), dummy * 16384 + dummy, jnp.int32)
    for i in range(3 * CH // 16):
        e3p_v[pl.ds(cnt + i * 16, 16)] = dvec

    with jax.named_scope("h1wout"):
        pltpu.sync_copy(e3p_v, e3p_hbm.at[pl.ds(wid * cap, cap)])
        tmp_v[...] = jnp.full((16,), cnt, jnp.int32)
        pltpu.sync_copy(tmp_v, cnt_hbm.at[pl.ds(wid * 16, 16)])

        plsc.subcore_barrier()
        rows_per_tile = npad // NS
        r0 = sid * rows_per_tile
        pltpu.sync_copy(acc.at[pl.ds(r0, rows_per_tile)],
                        p_hbm.at[pl.ds(cid * npad + r0, rows_per_tile)])


def _hop2_body(npad, d, cap,
               twohop_hbm, e3p_hbm, cnt_hbm,
               r_hbm, acc,
               pk_c0, pk_c1, pk_c2, src0, src1, src2, dstv0, dstv1, dstv2,
               rows0, rows1, rows2, zbuf, cnt_v,
               isem0, isem1, isem2, gsem0, gsem1, gsem2,
               ssem0, ssem1, ssem2):
    cid = lax.axis_index("c")
    sid = lax.axis_index("s")
    wid = cid * NS + sid
    pk_c = (pk_c0, pk_c1, pk_c2)
    srcv = (src0, src1, src2)
    dstv = (dstv0, dstv1, dstv2)
    rows = (rows0, rows1, rows2)
    isem = (isem0, isem1, isem2)
    gsem = (gsem0, gsem1, gsem2)
    ssem = (ssem0, ssem1, ssem2)

    def idx_cp(c, b):
        return pltpu.make_async_copy(
            e3p_hbm.at[pl.ds(wid * cap + c * CH, CH)], pk_c[b], isem[b])

    def unpack(b):
        for g in range(CH // 16):
            sl = pl.ds(g * 16, 16)
            v = pk_c[b][sl]
            srcv[b][sl] = v >> 14
            dstv[b][sl] = v & 16383

    def gather_cp(b):
        return pltpu.make_async_copy(twohop_hbm.at[srcv[b]], rows[b], gsem[b])

    def scatter_cp(b):
        return pltpu.make_async_copy(rows[b], acc.at[dstv[b]], ssem[b])

    with jax.named_scope("h2zero"):
        _zero_shared(acc, zbuf, gsem0, sid, npad, d)
        plsc.subcore_barrier()

    pltpu.sync_copy(cnt_hbm.at[pl.ds(wid * 16, 16)], cnt_v)
    n = cnt_v[...][0]
    trips = (n + CH - 1) // CH

    def chunk(c, _):
        idx_cp(c, 0).start()
        idx_cp(c, 0).wait()
        unpack(0)
        gather_cp(0).start()
        gather_cp(0).wait()
        scatter_cp(0).start(add=True)
        scatter_cp(0).wait()
        return 0

    with jax.named_scope("h2loop"):
        lax.fori_loop(0, trips, chunk, 0)

    with jax.named_scope("h2wout"):
        plsc.subcore_barrier()
        rows_per_tile = npad // NS
        r0 = sid * rows_per_tile
        pltpu.sync_copy(acc.at[pl.ds(r0, rows_per_tile)],
                        r_hbm.at[pl.ds(cid * npad + r0, rows_per_tile)])


def _prep_tc(dummy, x_ref, w_ref, src_ref, dst_ref, ef_ref,
             ft_ref, dst2_ref, pk_ref):
    y = x_ref[...] * w_ref[...]
    ft_ref[...] = jnp.where(y > 0, y, jnp.exp(y) - 1.0)
    e = ef_ref[...]
    s = src_ref[...]
    t = dst_ref[...]
    m2 = (e == 0) | (e == 4) | (e == 5)
    dst2_ref[...] = jnp.where(m2, t, dummy)
    pk_ref[...] = jnp.where(e == 3, s * 16384 + t, SENT)


def _add_tc(a_ref, b_ref, o_ref):
    o_ref[...] = a_ref[...] + b_ref[...]


def kernel(graph_embedding, edge_index, e_feat, weight):
    n_nodes, d = graph_embedding.shape
    n_edges = e_feat.shape[0]
    assert n_edges % (NW * CH) == 0 and d % 16 == 0
    ew = n_edges // NW
    npad = ((n_nodes + 16 + NS * ZR - 1) // (NS * ZR)) * (NS * ZR)
    cap = ew + 3 * CH

    src = edge_index[0]
    dst = edge_index[1]

    ft, dst2, pk = pl.pallas_call(
        functools.partial(_prep_tc, n_nodes),
        out_shape=[
            jax.ShapeDtypeStruct((n_nodes, d), jnp.float32),
            jax.ShapeDtypeStruct((n_edges // 128, 128), jnp.int32),
            jax.ShapeDtypeStruct((n_edges // 128, 128), jnp.int32),
        ],
    )(graph_embedding, weight, src.reshape(-1, 128), dst.reshape(-1, 128),
      e_feat.reshape(-1, 128))

    hop1 = functools.partial(
        pl.kernel,
        out_type=[
            jax.ShapeDtypeStruct((NC * npad, d), jnp.float32),
            jax.ShapeDtypeStruct((NW * cap,), jnp.int32),
            jax.ShapeDtypeStruct((NW * 16,), jnp.int32),
        ],
        mesh=_mesh(),
        compiler_params=pltpu.CompilerParams(needs_layout_passes=False),
        scratch_types=(
            [pltpu.VMEM_SHARED((npad, d), jnp.float32)]
            + [pltpu.VMEM((CH,), jnp.int32)] * 12
            + [pltpu.VMEM((CH, d), jnp.float32)] * 2
            + [pltpu.VMEM((cap,), jnp.int32),
               pltpu.VMEM((ZR, d), jnp.float32),
               pltpu.VMEM((16,), jnp.int32)]
            + [pltpu.SemaphoreType.DMA] * 6
        ),
    )(functools.partial(_hop1_body, n_nodes, npad, d, ew, cap))
    p, e3p, cnt = hop1(ft, src, dst, dst2.reshape(-1), pk.reshape(-1))

    twohop = pl.pallas_call(
        _add_tc,
        out_shape=jax.ShapeDtypeStruct((npad, d), jnp.float32),
    )(p[:npad], p[npad:])

    hop2 = functools.partial(
        pl.kernel,
        out_type=jax.ShapeDtypeStruct((NC * npad, d), jnp.float32),
        mesh=_mesh(),
        compiler_params=pltpu.CompilerParams(needs_layout_passes=False),
        scratch_types=(
            [pltpu.VMEM_SHARED((npad, d), jnp.float32)]
            + [pltpu.VMEM((CH,), jnp.int32)] * 9
            + [pltpu.VMEM((CH, d), jnp.float32)] * 3
            + [pltpu.VMEM((ZR, d), jnp.float32),
               pltpu.VMEM((16,), jnp.int32)]
            + [pltpu.SemaphoreType.DMA] * 9
        ),
    )(functools.partial(_hop2_body, npad, d, cap))
    r = hop2(twohop, e3p, cnt)

    res = pl.pallas_call(
        _add_tc,
        out_shape=jax.ShapeDtypeStruct((n_nodes, d), jnp.float32),
    )(r[:n_nodes], r[npad:npad + n_nodes])
    return res

# --- scband reference (transcript-rebuilt; emitter-appended) ---
"""Pipeline reference for scband-dblp-hnode-prompt-layer-feature-weighted-sum-21534966022312 (READ-ONLY COPY).

The authoritative reference and input builder live on the scoring server;
editing this copy changes nothing except your own understanding.
"""

import jax, jax.numpy as jnp
import numpy as np

N_NODES = 10000
N_EDGES = 320000
D = 128


def setup_inputs(seed: int = 0) -> dict:
    key = jax.random.key(seed)
    k1, k2, k3, k4 = jax.random.split(key, 4)
    graph_embedding = jax.random.normal(k1, (N_NODES, D), dtype=jnp.float32)
    edge_index = jax.random.randint(k2, (2, N_EDGES), 0, N_NODES, dtype=jnp.int32)
    e_feat = jax.random.randint(k3, (N_EDGES,), 0, 6, dtype=jnp.int32)
    # learned parameter: self.weight of shape (1, input_dim), xavier_uniform init
    limit = float(np.sqrt(6.0 / (1 + D)))
    weight = jax.random.uniform(k4, (1, D), dtype=jnp.float32, minval=-limit, maxval=limit)
    return {"graph_embedding": graph_embedding, "edge_index": edge_index, "e_feat": e_feat, "weight": weight}


def reference(graph_embedding, edge_index, e_feat, weight):
    # e_feat reshaped to (E, 1) float, as in the torch module
    e = e_feat.reshape(-1, 1).astype(jnp.float32)
    # emb = emb0 = emb3 = emb4 = emb5 = elu(graph_embedding * weight)
    ft = jax.nn.elu(graph_embedding * weight)
    src = edge_index[0]
    dst = edge_index[1]
    ft_src = ft[src]  # gather src node features per edge
    zeros = jnp.zeros_like(ft_src)
    # message_func_twohop: m = ft + (e==0)*ft0 + (e==4)*ft4 + (e==5)*ft5 (all emb tensors identical)
    msg = ft_src \
        + jnp.where(e == 0.0, ft_src, zeros) \
        + jnp.where(e == 4.0, ft_src, zeros) \
        + jnp.where(e == 5.0, ft_src, zeros)
    ft_twohop = jax.ops.segment_sum(msg, dst, num_segments=N_NODES)
    # second hop: srcdata ft_twohop <- dstdata ft_twohop, then gather per edge
    msg2 = jnp.where(e == 3.0, ft_twohop[src], zeros)
    res = jax.ops.segment_sum(msg2, dst, num_segments=N_NODES)
    return res

if __name__ == "__main__":
    import jax
    _d = setup_inputs()
    print(jax.jit(kernel)(*tuple(_d.values())))

</pallas_src>

<mosaic_0001>
#map = affine_map<(d0, d1) -> (0, 0)>
#map1 = affine_map<(d0, d1) -> (0)>
module attributes {stable_mosaic.version = 14 : i64} {
  func.func @_hop1_body(%arg0: i32, %arg1: i32, %arg2: memref<10000x128xf32, #tpu.memory_space<hbm>>, %arg3: memref<320000xi32, #tpu.memory_space<hbm>>, %arg4: memref<320000xi32, #tpu.memory_space<hbm>>, %arg5: memref<320000xi32, #tpu.memory_space<hbm>>, %arg6: memref<320000xi32, #tpu.memory_space<hbm>>, %arg7: memref<20480x128xf32, #tpu.memory_space<hbm>>, %arg8: memref<327680xi32, #tpu.memory_space<hbm>>, %arg9: memref<512xi32, #tpu.memory_space<hbm>>, %arg10: memref<10240x128xf32, #tpu.memory_space<vmem_shared>>, %arg11: memref<80xi32, #tpu.memory_space<vmem>>, %arg12: memref<80xi32, #tpu.memory_space<vmem>>, %arg13: memref<80xi32, #tpu.memory_space<vmem>>, %arg14: memref<80xi32, #tpu.memory_space<vmem>>, %arg15: memref<80xi32, #tpu.memory_space<vmem>>, %arg16: memref<80xi32, #tpu.memory_space<vmem>>, %arg17: memref<80xi32, #tpu.memory_space<vmem>>, %arg18: memref<80xi32, #tpu.memory_space<vmem>>, %arg19: memref<80xi32, #tpu.memory_space<vmem>>, %arg20: memref<80xi32, #tpu.memory_space<vmem>>, %arg21: memref<80xi32, #tpu.memory_space<vmem>>, %arg22: memref<80xi32, #tpu.memory_space<vmem>>, %arg23: memref<80x128xf32, #tpu.memory_space<vmem>>, %arg24: memref<80x128xf32, #tpu.memory_space<vmem>>, %arg25: memref<10240xi32, #tpu.memory_space<vmem>>, %arg26: memref<32x128xf32, #tpu.memory_space<vmem>>, %arg27: memref<16xi32, #tpu.memory_space<vmem>>, %arg28: memref<!tpu.dma_semaphore, #tpu.memory_space<semaphore_mem>>, %arg29: memref<!tpu.dma_semaphore, #tpu.memory_space<semaphore_mem>>, %arg30: memref<!tpu.dma_semaphore, #tpu.memory_space<semaphore_mem>>, %arg31: memref<!tpu.dma_semaphore, #tpu.memory_space<semaphore_mem>>, %arg32: memref<!tpu.dma_semaphore, #tpu.memory_space<semaphore_mem>>, %arg33: memref<!tpu.dma_semaphore, #tpu.memory_space<semaphore_mem>>) attributes {dimension_semantics = [#tpu.dimension_semantics<core_parallel>, #tpu.dimension_semantics<subcore_parallel>], iteration_bounds = array<i64: 2, 16>, scalar_prefetch = 0 : i64, scratch_operands = 24 : i64, tpu.core_type = #tpu.core_type<sc_vector_subcore>, window_params = [{transform_indices = #map}, {transform_indices = #map1}, {transform_indices = #map1}, {transform_indices = #map1}, {transform_indices = #map1}, {transform_indices = #map}, {transform_indices = #map1}, {transform_indices = #map1}]} {
    %mul3A = arith.constant 16 : i32
    %mul3A_0 = arith.muli %arg0, %mul3A : i32
    %add3A = arith.addi %mul3A_0, %arg1 : i32
    %mul3A_1 = arith.constant 10000 : i32
    %mul3A_2 = arith.muli %add3A, %mul3A_1 : i32
    %broadcast_in_dim3A = arith.constant 0.000000e+00 : f32
    "tpu.trace_start"() <{level = 10 : i32, message = "h1zero"}> : () -> ()
    %broadcast_in_dim3A_3 = vector.broadcast %broadcast_in_dim3A : f32 to vector<16xf32>
    %scan3A = arith.constant 0 : i32
    %scan3A_4 = arith.constant 0 : i32
    %scan3A_5 = arith.constant 32 : i32
    %scan3A_6 = arith.addi %scan3A_4, %scan3A_5 : i32
    %scan3A_7 = arith.constant 1 : i32
    %scan3A_8 = scf.for %scan3A_288 = %scan3A_4 to %scan3A_6 step %scan3A_7 iter_args(%scan3A_289 = %scan3A) -> (i32)  : i32 {
      %swap3A_290 = arith.index_cast %scan3A_288 : i32 to index
      %swap3A_291 = arith.constant 0 : index
      %swap3A_292 = tpu.vector_load %arg26[%swap3A_290, %swap3A_291] {strides = array<i32>} : memref<32x128xf32, #tpu.memory_space<vmem>>, vector<16xf32>,
      tpu.vector_store %arg26[%swap3A_290, %swap3A_291], %broadcast_in_dim3A_3 {strides = array<i32>} : memref<32x128xf32, #tpu.memory_space<vmem>>, vector<16xf32>,
      %swap3A_293 = arith.index_cast %scan3A_288 : i32 to index
      %swap3A_294 = arith.constant 16 : index
      %swap3A_295 = tpu.vector_load %arg26[%swap3A_293, %swap3A_294] {strides = array<i32>} : memref<32x128xf32, #tpu.memory_space<vmem>>, vector<16xf32>,
      tpu.vector_store %arg26[%swap3A_293, %swap3A_294], %broadcast_in_dim3A_3 {strides = array<i32>} : memref<32x128xf32, #tpu.memory_space<vmem>>, vector<16xf32>,
      %swap3A_296 = arith.index_cast %scan3A_288 : i32 to index
      %swap3A_297 = arith.constant 32 : index
      %swap3A_298 = tpu.vector_load %arg26[%swap3A_296, %swap3A_297] {strides = array<i32>} : memref<32x128xf32, #tpu.memory_space<vmem>>, vector<16xf32>,
      tpu.vector_store %arg26[%swap3A_296, %swap3A_297], %broadcast_in_dim3A_3 {strides = array<i32>} : memref<32x128xf32, #tpu.memory_space<vmem>>, vector<16xf32>,
      %swap3A_299 = arith.index_cast %scan3A_288 : i32 to index
      %swap3A_300 = arith.constant 48 : index
      %swap3A_301 = tpu.vector_load %arg26[%swap3A_299, %swap3A_300] {strides = array<i32>} : memref<32x128xf32, #tpu.memory_space<vmem>>, vector<16xf32>,
      tpu.vector_store %arg26[%swap3A_299, %swap3A_300], %broadcast_in_dim3A_3 {strides = array<i32>} : memref<32x128xf32, #tpu.memory_space<vmem>>, vector<16xf32>,
      %swap3A_302 = arith.index_cast %scan3A_288 : i32 to index
      %swap3A_303 = arith.constant 64 : index
      %swap3A_304 = tpu.vector_load %arg26[%swap3A_302, %swap3A_303] {strides = array<i32>} : memref<32x128xf32, #tpu.memory_space<vmem>>, vector<16xf32>,
      tpu.vector_store %arg26[%swap3A_302, %swap3A_303], %broadcast_in_dim3A_3 {strides = array<i32>} : memref<32x128xf32, #tpu.memory_space<vmem>>, vector<16xf32>,
      %swap3A_305 = arith.index_cast %scan3A_288 : i32 to index
      %swap3A_306 = arith.constant 80 : index
      %swap3A_307 = tpu.vector_load %arg26[%swap3A_305, %swap3A_306] {strides = array<i32>} : memref<32x128xf32, #tpu.memory_space<vmem>>, vector<16xf32>,
      tpu.vector_store %arg26[%swap3A_305, %swap3A_306], %broadcast_in_dim3A_3 {strides = array<i32>} : memref<32x128xf32, #tpu.memory_space<vmem>>, vector<16xf32>,
      %swap3A_308 = arith.index_cast %scan3A_288 : i32 to index
      %swap3A_309 = arith.constant 96 : index
      %swap3A_310 = tpu.vector_load %arg26[%swap3A_308, %swap3A_309] {strides = array<i32>} : memref<32x128xf32, #tpu.memory_space<vmem>>, vector<16xf32>,
      tpu.vector_store %arg26[%swap3A_308, %swap3A_309], %broadcast_in_dim3A_3 {strides = array<i32>} : memref<32x128xf32, #tpu.memory_space<vmem>>, vector<16xf32>,
      %swap3A_311 = arith.index_cast %scan3A_288 : i32 to index
      %swap3A_312 = arith.constant 112 : index
      %swap3A_313 = tpu.vector_load %arg26[%swap3A_311, %swap3A_312] {strides = array<i32>} : memref<32x128xf32, #tpu.memory_space<vmem>>, vector<16xf32>,
      tpu.vector_store %arg26[%swap3A_311, %swap3A_312], %broadcast_in_dim3A_3 {strides = array<i32>} : memref<32x128xf32, #tpu.memory_space<vmem>>, vector<16xf32>,
      %scan3A_314 = arith.constant 0 : i32
      scf.yield %scan3A_314 : i32
    }
    %scan3A_9 = arith.constant 32 : i32
    %mul3A_10 = arith.constant 640 : i32
    %mul3A_11 = arith.muli %arg1, %mul3A_10 : i32
    %scan3A_12 = arith.constant 0 : i32
    %scan3A_13 = arith.constant 0 : i32
    %scan3A_14 = arith.constant 20 : i32
    %scan3A_15 = arith.addi %scan3A_13, %scan3A_14 : i32
    %scan3A_16 = arith.constant 1 : i32
    %scan3A_17 = scf.for %scan3A_288 = %scan3A_13 to %scan3A_15 step %scan3A_16 iter_args(%scan3A_289 = %scan3A_12) -> (i32)  : i32 {
      %mul3A_290 = arith.constant 32 : i32
      %mul3A_291 = arith.muli %scan3A_288, %mul3A_290 : i32
      %add3A_292 = arith.addi %mul3A_11, %mul3A_291 : i32
      %dma_start3A_293 = arith.constant 0 : i32
      %dma_start3A_294 = tpu.memref_slice %arg10[%add3A_292, %dma_start3A_293] : memref<10240x128xf32, #tpu.memory_space<vmem_shared>> -> memref<32x128xf32, #tpu.memory_space<vmem_shared>>
      %dma_start3A_295 = arith.constant 0 : i32
      %dma_start3A_296 = tpu.memref_slice %arg10[%add3A_292, %dma_start3A_295] : memref<10240x128xf32, #tpu.memory_space<vmem_shared>> -> memref<32x128xf32, #tpu.memory_space<vmem_shared>>
      tpu.enqueue_dma source(%arg26 : memref<32x128xf32, #tpu.memory_space<vmem>>) target(%dma_start3A_296 : memref<32x128xf32, #tpu.memory_space<vmem_shared>>) target_semaphore(%arg30 : memref<!tpu.dma_semaphore, #tpu.memory_space<semaphore_mem>>)
      %scan3A_297 = arith.constant 0 : i32
      scf.yield %scan3A_297 : i32
    }
    %scan3A_18 = arith.constant 20 : i32
    %scan3A_19 = arith.constant 0 : i32
    %scan3A_20 = arith.constant 0 : i32
    %scan3A_21 = arith.constant 20 : i32
    %scan3A_22 = arith.addi %scan3A_20, %scan3A_21 : i32
    %scan3A_23 = arith.constant 1 : i32
    %scan3A_24 = scf.for %scan3A_288 = %scan3A_20 to %scan3A_22 step %scan3A_23 iter_args(%scan3A_289 = %scan3A_19) -> (i32)  : i32 {
      %dma_wait3A_290 = arith.constant 0 : i32
      %dma_wait3A_291 = tpu.memref_slice %arg10[%mul3A_11, %dma_wait3A_290] : memref<10240x128xf32, #tpu.memory_space<vmem_shared>> -> memref<32x128xf32, #tpu.memory_space<vmem_shared>>
      %dma_wait3A_292 = arith.constant 0 : i32
      %dma_wait3A_293 = tpu.memref_slice %arg10[%mul3A_11, %dma_wait3A_292] : memref<10240x128xf32, #tpu.memory_space<vmem_shared>> -> memref<32x128xf32, #tpu.memory_space<vmem_shared>>
      tpu.wait_dma2 semaphore(%arg30 : memref<!tpu.dma_semaphore, #tpu.memory_space<semaphore_mem>>) src(%arg26 : memref<32x128xf32, #tpu.memory_space<vmem>>) dst(%dma_wait3A_293 : memref<32x128xf32, #tpu.memory_space<vmem_shared>>)
      %scan3A_294 = arith.constant 0 : i32
      scf.yield %scan3A_294 : i32
    }
    %scan3A_25 = arith.constant 20 : i32
    %barrier3A = arith.constant 0 : index
    tpu.barrier barrier_id(%barrier3A)
    "tpu.trace_stop"() : () -> ()
    %add3A_26 = arith.constant 0 : i32
    %add3A_27 = arith.addi %mul3A_2, %add3A_26 : i32
    %dma_start3A = tpu.memref_slice %arg3[%add3A_27] : memref<320000xi32, #tpu.memory_space<hbm>> -> memref<80xi32, #tpu.memory_space<hbm>>
    %dma_start3A_28 = tpu.memref_slice %arg3[%add3A_27] : memref<320000xi32, #tpu.memory_space<hbm>> -> memref<80xi32, #tpu.memory_space<hbm>>
    tpu.enqueue_dma source(%dma_start3A_28 : memref<80xi32, #tpu.memory_space<hbm>>) target(%arg11 : memref<80xi32, #tpu.memory_space<vmem>>) target_semaphore(%arg28 : memref<!tpu.dma_semaphore, #tpu.memory_space<semaphore_mem>>)
    %dma_start3A_29 = tpu.memref_slice %arg4[%add3A_27] : memref<320000xi32, #tpu.memory_space<hbm>> -> memref<80xi32, #tpu.memory_space<hbm>>
    %dma_start3A_30 = tpu.memref_slice %arg4[%add3A_27] : memref<320000xi32, #tpu.memory_space<hbm>> -> memref<80xi32, #tpu.memory_space<hbm>>
    tpu.enqueue_dma source(%dma_start3A_30 : memref<80xi32, #tpu.memory_space<hbm>>) target(%arg13 : memref<80xi32, #tpu.memory_space<vmem>>) target_semaphore(%arg28 : memref<!tpu.dma_semaphore, #tpu.memory_space<semaphore_mem>>)
    %dma_start3A_31 = tpu.memref_slice %arg5[%add3A_27] : memref<320000xi32, #tpu.memory_space<hbm>> -> memref<80xi32, #tpu.memory_space<hbm>>
    %dma_start3A_32 = tpu.memref_slice %arg5[%add3A_27] : memref<320000xi32, #tpu.memory_space<hbm>> -> memref<80xi32, #tpu.memory_space<hbm>>
    tpu.enqueue_dma source(%dma_start3A_32 : memref<80xi32, #tpu.memory_space<hbm>>) target(%arg15 : memref<80xi32, #tpu.memory_space<vmem>>) target_semaphore(%arg28 : memref<!tpu.dma_semaphore, #tpu.memory_space<semaphore_mem>>)
    %dma_start3A_33 = tpu.memref_slice %arg6[%add3A_27] : memref<320000xi32, #tpu.memory_space<hbm>> -> memref<80xi32, #tpu.memory_space<hbm>>
    %dma_start3A_34 = tpu.memref_slice %arg6[%add3A_27] : memref<320000xi32, #tpu.memory_space<hbm>> -> memref<80xi32, #tpu.memory_space<hbm>>
    tpu.enqueue_dma source(%dma_start3A_34 : memref<80xi32, #tpu.memory_space<hbm>>) target(%arg17 : memref<80xi32, #tpu.memory_space<vmem>>) target_semaphore(%arg28 : memref<!tpu.dma_semaphore, #tpu.memory_space<semaphore_mem>>)
    %add3A_35 = arith.constant 80 : i32
    %add3A_36 = arith.addi %mul3A_2, %add3A_35 : i32
    %dma_start3A_37 = tpu.memref_slice %arg3[%add3A_36] : memref<320000xi32, #tpu.memory_space<hbm>> -> memref<80xi32, #tpu.memory_space<hbm>>
    %dma_start3A_38 = tpu.memref_slice %arg3[%add3A_36] : memref<320000xi32, #tpu.memory_space<hbm>> -> memref<80xi32, #tpu.memory_space<hbm>>
    tpu.enqueue_dma source(%dma_start3A_38 : memref<80xi32, #tpu.memory_space<hbm>>) target(%arg12 : memref<80xi32, #tpu.memory_space<vmem>>) target_semaphore(%arg29 : memref<!tpu.dma_semaphore, #tpu.memory_space<semaphore_mem>>)
    %dma_start3A_39 = tpu.memref_slice %arg4[%add3A_36] : memref<320000xi32, #tpu.memory_space<hbm>> -> memref<80xi32, #tpu.memory_space<hbm>>
    %dma_start3A_40 = tpu.memref_slice %arg4[%add3A_36] : memref<320000xi32, #tpu.memory_space<hbm>> -> memref<80xi32, #tpu.memory_space<hbm>>
    tpu.enqueue_dma source(%dma_start3A_40 : memref<80xi32, #tpu.memory_space<hbm>>) target(%arg14 : memref<80xi32, #tpu.memory_space<vmem>>) target_semaphore(%arg29 : memref<!tpu.dma_semaphore, #tpu.memory_space<semaphore_mem>>)
    %dma_start3A_41 = tpu.memref_slice %arg5[%add3A_36] : memref<320000xi32, #tpu.memory_space<hbm>> -> memref<80xi32, #tpu.memory_space<hbm>>
    %dma_start3A_42 = tpu.memref_slice %arg5[%add3A_36] : memref<320000xi32, #tpu.memory_space<hbm>> -> memref<80xi32, #tpu.memory_space<hbm>>
    tpu.enqueue_dma source(%dma_start3A_42 : memref<80xi32, #tpu.memory_space<hbm>>) target(%arg16 : memref<80xi32, #tpu.memory_space<vmem>>) target_semaphore(%arg29 : memref<!tpu.dma_semaphore, #tpu.memory_space<semaphore_mem>>)
    %dma_start3A_43 = tpu.memref_slice %arg6[%add3A_36] : memref<320000xi32, #tpu.memory_space<hbm>> -> memref<80xi32, #tpu.memory_space<hbm>>
    %dma_start3A_44 = tpu.memref_slice %arg6[%add3A_36] : memref<320000xi32, #tpu.memory_space<hbm>> -> memref<80xi32, #tpu.memory_space<hbm>>
    tpu.enqueue_dma source(%dma_start3A_44 : memref<80xi32, #tpu.memory_space<hbm>>) target(%arg18 : memref<80xi32, #tpu.memory_space<vmem>>) target_semaphore(%arg29 : memref<!tpu.dma_semaphore, #tpu.memory_space<semaphore_mem>>)
    %add3A_45 = arith.constant 0 : i32
    %add3A_46 = arith.addi %mul3A_2, %add3A_45 : i32
    %dma_wait3A = tpu.memref_slice %arg3[%add3A_46] : memref<320000xi32, #tpu.memory_space<hbm>> -> memref<80xi32, #tpu.memory_space<hbm>>
    %dma_wait3A_47 = tpu.memref_slice %arg3[%add3A_46] : memref<320000xi32, #tpu.memory_space<hbm>> -> memref<80xi32, #tpu.memory_space<hbm>>
    tpu.wait_dma2 semaphore(%arg28 : memref<!tpu.dma_semaphore, #tpu.memory_space<semaphore_mem>>) src(%dma_wait3A_47 : memref<80xi32, #tpu.memory_space<hbm>>) dst(%arg11 : memref<80xi32, #tpu.memory_space<vmem>>)
    %dma_wait3A_48 = tpu.memref_slice %arg4[%add3A_46] : memref<320000xi32, #tpu.memory_space<hbm>> -> memref<80xi32, #tpu.memory_space<hbm>>
    %dma_wait3A_49 = tpu.memref_slice %arg4[%add3A_46] : memref<320000xi32, #tpu.memory_space<hbm>> -> memref<80xi32, #tpu.memory_space<hbm>>
    tpu.wait_dma2 semaphore(%arg28 : memref<!tpu.dma_semaphore, #tpu.memory_space<semaphore_mem>>) src(%dma_wait3A_49 : memref<80xi32, #tpu.memory_space<hbm>>) dst(%arg13 : memref<80xi32, #tpu.memory_space<vmem>>)
    %dma_wait3A_50 = tpu.memref_slice %arg5[%add3A_46] : memref<320000xi32, #tpu.memory_space<hbm>> -> memref<80xi32, #tpu.memory_space<hbm>>
    %dma_wait3A_51 = tpu.memref_slice %arg5[%add3A_46] : memref<320000xi32, #tpu.memory_space<hbm>> -> memref<80xi32, #tpu.memory_space<hbm>>
    tpu.wait_dma2 semaphore(%arg28 : memref<!tpu.dma_semaphore, #tpu.memory_space<semaphore_mem>>) src(%dma_wait3A_51 : memref<80xi32, #tpu.memory_space<hbm>>) dst(%arg15 : memref<80xi32, #tpu.memory_space<vmem>>)
    %dma_wait3A_52 = tpu.memref_slice %arg6[%add3A_46] : memref<320000xi32, #tpu.memory_space<hbm>> -> memref<80xi32, #tpu.memory_space<hbm>>
    %dma_wait3A_53 = tpu.memref_slice %arg6[%add3A_46] : memref<320000xi32, #tpu.memory_space<hbm>> -> memref<80xi32, #tpu.memory_space<hbm>>
    tpu.wait_dma2 semaphore(%arg28 : memref<!tpu.dma_semaphore, #tpu.memory_space<semaphore_mem>>) src(%dma_wait3A_53 : memref<80xi32, #tpu.memory_space<hbm>>) dst(%arg17 : memref<80xi32, #tpu.memory_space<vmem>>)
    %dma_start3A_54 = arith.constant 0 : i32
    %dma_start3A_55 = arith.constant 0 : i32
    %dma_start3A_56 = tpu.memref_slice %arg2[%dma_start3A_54, %dma_start3A_55] : memref<10000x128xf32, #tpu.memory_space<hbm>> -> memref<10000x128xf32, #tpu.memory_space<hbm>>
    tpu.enqueue_indirect_dma source(%dma_start3A_56 : memref<10000x128xf32, #tpu.memory_space<hbm>>) target(%arg23 : memref<80x128xf32, #tpu.memory_space<vmem>>) offsets(%arg11 : memref<80xi32, #tpu.memory_space<vmem>>) semaphore(%arg30 : memref<!tpu.dma_semaphore, #tpu.memory_space<semaphore_mem>>)
    "tpu.trace_start"() <{level = 10 : i32, message = "h1loop"}> : () -> ()
    %scan3A_57 = arith.constant 0 : i32
    %scan3A_58 = arith.constant 0 : i32
    %scan3A_59 = arith.constant 62 : i32
    %scan3A_60 = arith.addi %scan3A_58, %scan3A_59 : i32
    %scan3A_61 = arith.constant 1 : i32
    %scan3A_62 = scf.for %scan3A_288 = %scan3A_58 to %scan3A_60 step %scan3A_61 iter_args(%scan3A_289 = %scan3A_57) -> (i32)  : i32 {
      %mul3A_290 = arith.constant 2 : i32
      %mul3A_291 = arith.muli %mul3A_290, %scan3A_288 : i32
      %gt3A = arith.constant 0 : i32
      %gt3A_292 = arith.cmpi sgt, %mul3A_291, %gt3A : i32
      %convert_element_type3A = arith.extui %gt3A_292 : i1 to i32
      %cond3A = arith.constant 0 : i32
      %cond3A_293 = arith.cmpi ne, %convert_element_type3A, %cond3A : i32
      scf.if %cond3A_293 {
        %dma_wait3A_618 = arith.constant 0 : i32
        %dma_wait3A_619 = arith.constant 0 : i32
        %dma_wait3A_620 = tpu.memref_slice %arg10[%dma_wait3A_618, %dma_wait3A_619] : memref<10240x128xf32, #tpu.memory_space<vmem_shared>> -> memref<10240x128xf32, #tpu.memory_space<vmem_shared>>
        tpu.wait_indirect_dma semaphore(%arg33 : memref<!tpu.dma_semaphore, #tpu.memory_space<semaphore_mem>>) src(%arg24 : memref<80x128xf32, #tpu.memory_space<vmem>>) dst(%dma_wait3A_620 : memref<10240x128xf32, #tpu.memory_space<vmem_shared>>)
        %dma_wait3A_621 = arith.constant 0 : i32
        %dma_wait3A_622 = arith.constant 0 : i32
        %dma_wait3A_623 = tpu.memref_slice %arg10[%dma_wait3A_621, %dma_wait3A_622] : memref<10240x128xf32, #tpu.memory_space<vmem_shared>> -> memref<10240x128xf32, #tpu.memory_space<vmem_shared>>
        tpu.wait_indirect_dma semaphore(%arg33 : memref<!tpu.dma_semaphore, #tpu.memory_space<semaphore_mem>>) src(%arg24 : memref<80x128xf32, #tpu.memory_space<vmem>>) dst(%dma_wait3A_623 : memref<10240x128xf32, #tpu.memory_space<vmem_shared>>)
      } else {
      }
      %add3A_294 = arith.constant 1 : i32
      %add3A_295 = arith.addi %mul3A_291, %add3A_294 : i32
      %lt3A = arith.constant 125 : i32
      %lt3A_296 = arith.cmpi slt, %add3A_295, %lt3A : i32
      %convert_element_type3A_297 = arith.extui %lt3A_296 : i1 to i32
      %cond3A_298 = arith.constant 0 : i32
      %cond3A_299 = arith.cmpi ne, %convert_element_type3A_297, %cond3A_298 : i32
      scf.if %cond3A_299 {
        %add3A_618 = arith.constant 1 : i32
        %add3A_619 = arith.addi %mul3A_291, %add3A_618 : i32
        %mul3A_620 = arith.constant 80 : i32
        %mul3A_621 = arith.muli %add3A_619, %mul3A_620 : i32
        %add3A_622 = arith.addi %mul3A_2, %mul3A_621 : i32
        %dma_wait3A_623 = tpu.memref_slice %arg3[%add3A_622] : memref<320000xi32, #tpu.memory_space<hbm>> -> memref<80xi32, #tpu.memory_space<hbm>>
        %dma_wait3A_624 = tpu.memref_slice %arg3[%add3A_622] : memref<320000xi32, #tpu.memory_space<hbm>> -> memref<80xi32, #tpu.memory_space<hbm>>
        tpu.wait_dma2 semaphore(%arg29 : memref<!tpu.dma_semaphore, #tpu.memory_space<semaphore_mem>>) src(%dma_wait3A_624 : memref<80xi32, #tpu.memory_space<hbm>>) dst(%arg12 : memref<80xi32, #tpu.memory_space<vmem>>)
        %dma_wait3A_625 = tpu.memref_slice %arg4[%add3A_622] : memref<320000xi32, #tpu.memory_space<hbm>> -> memref<80xi32, #tpu.memory_space<hbm>>
        %dma_wait3A_626 = tpu.memref_slice %arg4[%add3A_622] : memref<320000xi32, #tpu.memory_space<hbm>> -> memref<80xi32, #tpu.memory_space<hbm>>
        tpu.wait_dma2 semaphore(%arg29 : memref<!tpu.dma_semaphore, #tpu.memory_space<semaphore_mem>>) src(%dma_wait3A_626 : memref<80xi32, #tpu.memory_space<hbm>>) dst(%arg14 : memref<80xi32, #tpu.memory_space<vmem>>)
        %dma_wait3A_627 = tpu.memref_slice %arg5[%add3A_622] : memref<320000xi32, #tpu.memory_space<hbm>> -> memref<80xi32, #tpu.memory_space<hbm>>
        %dma_wait3A_628 = tpu.memref_slice %arg5[%add3A_622] : memref<320000xi32, #tpu.memory_space<hbm>> -> memref<80xi32, #tpu.memory_space<hbm>>
        tpu.wait_dma2 semaphore(%arg29 : memref<!tpu.dma_semaphore, #tpu.memory_space<semaphore_mem>>) src(%dma_wait3A_628 : memref<80xi32, #tpu.memory_space<hbm>>) dst(%arg16 : memref<80xi32, #tpu.memory_space<vmem>>)
        %dma_wait3A_629 = tpu.memref_slice %arg6[%add3A_622] : memref<320000xi32, #tpu.memory_space<hbm>> -> memref<80xi32, #tpu.memory_space<hbm>>
        %dma_wait3A_630 = tpu.memref_slice %arg6[%add3A_622] : memref<320000xi32, #tpu.memory_space<hbm>> -> memref<80xi32, #tpu.memory_space<hbm>>
        tpu.wait_dma2 semaphore(%arg29 : memref<!tpu.dma_semaphore, #tpu.memory_space<semaphore_mem>>) src(%dma_wait3A_630 : memref<80xi32, #tpu.memory_space<hbm>>) dst(%arg18 : memref<80xi32, #tpu.memory_space<vmem>>)
        %dma_start3A_631 = arith.constant 0 : i32
        %dma_start3A_632 = arith.constant 0 : i32
        %dma_start3A_633 = tpu.memref_slice %arg2[%dma_start3A_631, %dma_start3A_632] : memref<10000x128xf32, #tpu.memory_space<hbm>> -> memref<10000x128xf32, #tpu.memory_space<hbm>>
        tpu.enqueue_indirect_dma source(%dma_start3A_633 : memref<10000x128xf32, #tpu.memory_space<hbm>>) target(%arg24 : memref<80x128xf32, #tpu.memory_space<vmem>>) offsets(%arg12 : memref<80xi32, #tpu.memory_space<vmem>>) semaphore(%arg31 : memref<!tpu.dma_semaphore, #tpu.memory_space<semaphore_mem>>)
      } else {
      }
      %get3A_300 = arith.constant 0 : index
      %get3A_301 = tpu.vector_load %arg13[%get3A_300] {strides = array<i32>} : memref<80xi32, #tpu.memory_space<vmem>>, vector<16xi32>,
      %swap3A_302 = arith.constant 0 : index
      %swap3A_303 = tpu.vector_load %arg19[%swap3A_302] {strides = array<i32>} : memref<80xi32, #tpu.memory_space<vmem>>, vector<16xi32>,
      tpu.vector_store %arg19[%swap3A_302], %get3A_301 {strides = array<i32>} : memref<80xi32, #tpu.memory_space<vmem>>, vector<16xi32>,
      %get3A_304 = arith.constant 0 : index
      %get3A_305 = tpu.vector_load %arg15[%get3A_304] {strides = array<i32>} : memref<80xi32, #tpu.memory_space<vmem>>, vector<16xi32>,
      %swap3A_306 = arith.constant 0 : index
      %swap3A_307 = tpu.vector_load %arg21[%swap3A_306] {strides = array<i32>} : memref<80xi32, #tpu.memory_space<vmem>>, vector<16xi32>,
      tpu.vector_store %arg21[%swap3A_306], %get3A_305 {strides = array<i32>} : memref<80xi32, #tpu.memory_space<vmem>>, vector<16xi32>,
      %get3A_308 = arith.constant 0 : index
      %get3A_309 = tpu.vector_load %arg17[%get3A_308] {strides = array<i32>} : memref<80xi32, #tpu.memory_space<vmem>>, vector<16xi32>,
      %masked_sort3A_310 = arith.constant dense<true> : vector<16xi1>
      %masked_sort3A_311 = arith.constant -2147483648 : i32
      %masked_sort3A_312 = vector.broadcast %masked_sort3A_311 : i32 to vector<16xi32>
      %masked_sort3A_313 = arith.xori %get3A_309, %masked_sort3A_312 : vector<16xi32>
      %masked_sort3A_314, %masked_sort3A_315, %masked_sort3A_316 = tpu.sort %masked_sort3A_313, %get3A_309 masked %masked_sort3A_310 : (vector<16xi32>, vector<16xi32>, vector<16xi1>) -> (vector<16xi1>, vector<16xi32>, vector<16xi32>)
      %masked_sort3A_317 = arith.xori %masked_sort3A_315, %masked_sort3A_312 : vector<16xi32>
      %swap3A_318 = arith.index_cast %scan3A_289 : i32 to index
      %swap3A_319 = tpu.vector_load %arg25[%swap3A_318] {strides = array<i32>} : memref<10240xi32, #tpu.memory_space<vmem>>, vector<16xi32>,
      tpu.vector_store %arg25[%swap3A_318], %masked_sort3A_316 {strides = array<i32>} : memref<10240xi32, #tpu.memory_space<vmem>>, vector<16xi32>,
      %ne3A_320 = arith.constant 2147483647 : i32
      %ne3A_321 = vector.broadcast %ne3A_320 : i32 to vector<16xi32>
      %ne3A_322 = arith.cmpi ne, %masked_sort3A_317, %ne3A_321 : vector<16xi32>
      %all_reduce_population_count3A_323 = tpu.all_reduce %ne3A_322 {dim = 0 : i64, kind = #tpu.reduction_kind<sum>} : vector<16xi1> -> vector<16xi32>
      %slice3A_324 = vector.extract_strided_slice %all_reduce_population_count3A_323 {offsets = [0], sizes = [1], strides = [1]} : vector<16xi32> to vector<1xi32>
      %squeeze3A_325 = vector.extract %slice3A_324[0] : i32 from vector<1xi32>
      %add3A_326 = arith.addi %scan3A_289, %squeeze3A_325 : i32
      %get3A_327 = arith.constant 16 : index
      %get3A_328 = tpu.vector_load %arg13[%get3A_327] {strides = array<i32>} : memref<80xi32, #tpu.memory_space<vmem>>, vector<16xi32>,
      %swap3A_329 = arith.constant 16 : index
      %swap3A_330 = tpu.vector_load %arg19[%swap3A_329] {strides = array<i32>} : memref<80xi32, #tpu.memory_space<vmem>>, vector<16xi32>,
      tpu.vector_store %arg19[%swap3A_329], %get3A_328 {strides = array<i32>} : memref<80xi32, #tpu.memory_space<vmem>>, vector<16xi32>,
      %get3A_331 = arith.constant 16 : index
      %get3A_332 = tpu.vector_load %arg15[%get3A_331] {strides = array<i32>} : memref<80xi32, #tpu.memory_space<vmem>>, vector<16xi32>,
      %swap3A_333 = arith.constant 16 : index
      %swap3A_334 = tpu.vector_load %arg21[%swap3A_333] {strides = array<i32>} : memref<80xi32, #tpu.memory_space<vmem>>, vector<16xi32>,
      tpu.vector_store %arg21[%swap3A_333], %get3A_332 {strides = array<i32>} : memref<80xi32, #tpu.memory_space<vmem>>, vector<16xi32>,
      %get3A_335 = arith.constant 16 : index
      %get3A_336 = tpu.vector_load %arg17[%get3A_335] {strides = array<i32>} : memref<80xi32, #tpu.memory_space<vmem>>, vector<16xi32>,
      %masked_sort3A_337 = arith.constant dense<true> : vector<16xi1>
      %masked_sort3A_338 = arith.constant -2147483648 : i32
      %masked_sort3A_339 = vector.broadcast %masked_sort3A_338 : i32 to vector<16xi32>
      %masked_sort3A_340 = arith.xori %get3A_336, %masked_sort3A_339 : vector<16xi32>
      %masked_sort3A_341, %masked_sort3A_342, %masked_sort3A_343 = tpu.sort %masked_sort3A_340, %get3A_336 masked %masked_sort3A_337 : (vector<16xi32>, vector<16xi32>, vector<16xi1>) -> (vector<16xi1>, vector<16xi32>, vector<16xi32>)
      %masked_sort3A_344 = arith.xori %masked_sort3A_342, %masked_sort3A_339 : vector<16xi32>
      %swap3A_345 = arith.index_cast %add3A_326 : i32 to index
      %swap3A_346 = tpu.vector_load %arg25[%swap3A_345] {strides = array<i32>} : memref<10240xi32, #tpu.memory_space<vmem>>, vector<16xi32>,
      tpu.vector_store %arg25[%swap3A_345], %masked_sort3A_343 {strides = array<i32>} : memref<10240xi32, #tpu.memory_space<vmem>>, vector<16xi32>,
      %ne3A_347 = arith.constant 2147483647 : i32
      %ne3A_348 = vector.broadcast %ne3A_347 : i32 to vector<16xi32>
      %ne3A_349 = arith.cmpi ne, %masked_sort3A_344, %ne3A_348 : vector<16xi32>
      %all_reduce_population_count3A_350 = tpu.all_reduce %ne3A_349 {dim = 0 : i64, kind = #tpu.reduction_kind<sum>} : vector<16xi1> -> vector<16xi32>
      %slice3A_351 = vector.extract_strided_slice %all_reduce_population_count3A_350 {offsets = [0], sizes = [1], strides = [1]} : vector<16xi32> to vector<1xi32>
      %squeeze3A_352 = vector.extract %slice3A_351[0] : i32 from vector<1xi32>
      %add3A_353 = arith.addi %add3A_326, %squeeze3A_352 : i32
      %get3A_354 = arith.constant 32 : index
      %get3A_355 = tpu.vector_load %arg13[%get3A_354] {strides = array<i32>} : memref<80xi32, #tpu.memory_space<vmem>>, vector<16xi32>,
      %swap3A_356 = arith.constant 32 : index
      %swap3A_357 = tpu.vector_load %arg19[%swap3A_356] {strides = array<i32>} : memref<80xi32, #tpu.memory_space<vmem>>, vector<16xi32>,
      tpu.vector_store %arg19[%swap3A_356], %get3A_355 {strides = array<i32>} : memref<80xi32, #tpu.memory_space<vmem>>, vector<16xi32>,
      %get3A_358 = arith.constant 32 : index
      %get3A_359 = tpu.vector_load %arg15[%get3A_358] {strides = array<i32>} : memref<80xi32, #tpu.memory_space<vmem>>, vector<16xi32>,
      %swap3A_360 = arith.constant 32 : index
      %swap3A_361 = tpu.vector_load %arg21[%swap3A_360] {strides = array<i32>} : memref<80xi32, #tpu.memory_space<vmem>>, vector<16xi32>,
      tpu.vector_store %arg21[%swap3A_360], %get3A_359 {strides = array<i32>} : memref<80xi32, #tpu.memory_space<vmem>>, vector<16xi32>,
      %get3A_362 = arith.constant 32 : index
      %get3A_363 = tpu.vector_load %arg17[%get3A_362] {strides = array<i32>} : memref<80xi32, #tpu.memory_space<vmem>>, vector<16xi32>,
      %masked_sort3A_364 = arith.constant dense<true> : vector<16xi1>
      %masked_sort3A_365 = arith.constant -2147483648 : i32
      %masked_sort3A_366 = vector.broadcast %masked_sort3A_365 : i32 to vector<16xi32>
      %masked_sort3A_367 = arith.xori %get3A_363, %masked_sort3A_366 : vector<16xi32>
      %masked_sort3A_368, %masked_sort3A_369, %masked_sort3A_370 = tpu.sort %masked_sort3A_367, %get3A_363 masked %masked_sort3A_364 : (vector<16xi32>, vector<16xi32>, vector<16xi1>) -> (vector<16xi1>, vector<16xi32>, vector<16xi32>)
      %masked_sort3A_371 = arith.xori %masked_sort3A_369, %masked_sort3A_366 : vector<16xi32>
      %swap3A_372 = arith.index_cast %add3A_353 : i32 to index
      %swap3A_373 = tpu.vector_load %arg25[%swap3A_372] {strides = array<i32>} : memref<10240xi32, #tpu.memory_space<vmem>>, vector<16xi32>,
      tpu.vector_store %arg25[%swap3A_372], %masked_sort3A_370 {strides = array<i32>} : memref<10240xi32, #tpu.memory_space<vmem>>, vector<16xi32>,
      %ne3A_374 = arith.constant 2147483647 : i32
      %ne3A_375 = vector.broadcast %ne3A_374 : i32 to vector<16xi32>
      %ne3A_376 = arith.cmpi ne, %masked_sort3A_371, %ne3A_375 : vector<16xi32>
      %all_reduce_population_count3A_377 = tpu.all_reduce %ne3A_376 {dim = 0 : i64, kind = #tpu.reduction_kind<sum>} : vector<16xi1> -> vector<16xi32>
      %slice3A_378 = vector.extract_strided_slice %all_reduce_population_count3A_377 {offsets = [0], sizes = [1], strides = [1]} : vector<16xi32> to vector<1xi32>
      %squeeze3A_379 = vector.extract %slice3A_378[0] : i32 from vector<1xi32>
      %add3A_380 = arith.addi %add3A_353, %squeeze3A_379 : i32
      %get3A_381 = arith.constant 48 : index
      %get3A_382 = tpu.vector_load %arg13[%get3A_381] {strides = array<i32>} : memref<80xi32, #tpu.memory_space<vmem>>, vector<16xi32>,
      %swap3A_383 = arith.constant 48 : index
      %swap3A_384 = tpu.vector_load %arg19[%swap3A_383] {strides = array<i32>} : memref<80xi32, #tpu.memory_space<vmem>>, vector<16xi32>,
      tpu.vector_store %arg19[%swap3A_383], %get3A_382 {strides = array<i32>} : memref<80xi32, #tpu.memory_space<vmem>>, vector<16xi32>,
      %get3A_385 = arith.constant 48 : index
      %get3A_386 = tpu.vector_load %arg15[%get3A_385] {strides = array<i32>} : memref<80xi32, #tpu.memory_space<vmem>>, vector<16xi32>,
      %swap3A_387 = arith.constant 48 : index
      %swap3A_388 = tpu.vector_load %arg21[%swap3A_387] {strides = array<i32>} : memref<80xi32, #tpu.memory_space<vmem>>, vector<16xi32>,
      tpu.vector_store %arg21[%swap3A_387], %get3A_386 {strides = array<i32>} : memref<80xi32, #tpu.memory_space<vmem>>, vector<16xi32>,
      %get3A_389 = arith.constant 48 : index
      %get3A_390 = tpu.vector_load %arg17[%get3A_389] {strides = array<i32>} : memref<80xi32, #tpu.memory_space<vmem>>, vector<16xi32>,
      %masked_sort3A_391 = arith.constant dense<true> : vector<16xi1>
      %masked_sort3A_392 = arith.constant -2147483648 : i32
      %masked_sort3A_393 = vector.broadcast %masked_sort3A_392 : i32 to vector<16xi32>
      %masked_sort3A_394 = arith.xori %get3A_390, %masked_sort3A_393 : vector<16xi32>
      %masked_sort3A_395, %masked_sort3A_396, %masked_sort3A_397 = tpu.sort %masked_sort3A_394, %get3A_390 masked %masked_sort3A_391 : (vector<16xi32>, vector<16xi32>, vector<16xi1>) -> (vector<16xi1>, vector<16xi32>, vector<16xi32>)
      %masked_sort3A_398 = arith.xori %masked_sort3A_396, %masked_sort3A_393 : vector<16xi32>
      %swap3A_399 = arith.index_cast %add3A_380 : i32 to index
      %swap3A_400 = tpu.vector_load %arg25[%swap3A_399] {strides = array<i32>} : memref<10240xi32, #tpu.memory_space<vmem>>, vector<16xi32>,
      tpu.vector_store %arg25[%swap3A_399], %masked_sort3A_397 {strides = array<i32>} : memref<10240xi32, #tpu.memory_space<vmem>>, vector<16xi32>,
      %ne3A_401 = arith.constant 2147483647 : i32
      %ne3A_402 = vector.broadcast %ne3A_401 : i32 to vector<16xi32>
      %ne3A_403 = arith.cmpi ne, %masked_sort3A_398, %ne3A_402 : vector<16xi32>
      %all_reduce_population_count3A_404 = tpu.all_reduce %ne3A_403 {dim = 0 : i64, kind = #tpu.reduction_kind<sum>} : vector<16xi1> -> vector<16xi32>
      %slice3A_405 = vector.extract_strided_slice %all_reduce_population_count3A_404 {offsets = [0], sizes = [1], strides = [1]} : vector<16xi32> to vector<1xi32>
      %squeeze3A_406 = vector.extract %slice3A_405[0] : i32 from vector<1xi32>
      %add3A_407 = arith.addi %add3A_380, %squeeze3A_406 : i32
      %get3A_408 = arith.constant 64 : index
      %get3A_409 = tpu.vector_load %arg13[%get3A_408] {strides = array<i32>} : memref<80xi32, #tpu.memory_space<vmem>>, vector<16xi32>,
      %swap3A_410 = arith.constant 64 : index
      %swap3A_411 = tpu.vector_load %arg19[%swap3A_410] {strides = array<i32>} : memref<80xi32, #tpu.memory_space<vmem>>, vector<16xi32>,
      tpu.vector_store %arg19[%swap3A_410], %get3A_409 {strides = array<i32>} : memref<80xi32, #tpu.memory_space<vmem>>, vector<16xi32>,
      %get3A_412 = arith.constant 64 : index
      %get3A_413 = tpu.vector_load %arg15[%get3A_412] {strides = array<i32>} : memref<80xi32, #tpu.memory_space<vmem>>, vector<16xi32>,
      %swap3A_414 = arith.constant 64 : index
      %swap3A_415 = tpu.vector_load %arg21[%swap3A_414] {strides = array<i32>} : memref<80xi32, #tpu.memory_space<vmem>>, vector<16xi32>,
      tpu.vector_store %arg21[%swap3A_414], %get3A_413 {strides = array<i32>} : memref<80xi32, #tpu.memory_space<vmem>>, vector<16xi32>,
      %get3A_416 = arith.constant 64 : index
      %get3A_417 = tpu.vector_load %arg17[%get3A_416] {strides = array<i32>} : memref<80xi32, #tpu.memory_space<vmem>>, vector<16xi32>,
      %masked_sort3A_418 = arith.constant dense<true> : vector<16xi1>
      %masked_sort3A_419 = arith.constant -2147483648 : i32
      %masked_sort3A_420 = vector.broadcast %masked_sort3A_419 : i32 to vector<16xi32>
      %masked_sort3A_421 = arith.xori %get3A_417, %masked_sort3A_420 : vector<16xi32>
      %masked_sort3A_422, %masked_sort3A_423, %masked_sort3A_424 = tpu.sort %masked_sort3A_421, %get3A_417 masked %masked_sort3A_418 : (vector<16xi32>, vector<16xi32>, vector<16xi1>) -> (vector<16xi1>, vector<16xi32>, vector<16xi32>)
      %masked_sort3A_425 = arith.xori %masked_sort3A_423, %masked_sort3A_420 : vector<16xi32>
      %swap3A_426 = arith.index_cast %add3A_407 : i32 to index
      %swap3A_427 = tpu.vector_load %arg25[%swap3A_426] {strides = array<i32>} : memref<10240xi32, #tpu.memory_space<vmem>>, vector<16xi32>,
      tpu.vector_store %arg25[%swap3A_426], %masked_sort3A_424 {strides = array<i32>} : memref<10240xi32, #tpu.memory_space<vmem>>, vector<16xi32>,
      %ne3A_428 = arith.constant 2147483647 : i32
      %ne3A_429 = vector.broadcast %ne3A_428 : i32 to vector<16xi32>
      %ne3A_430 = arith.cmpi ne, %masked_sort3A_425, %ne3A_429 : vector<16xi32>
      %all_reduce_population_count3A_431 = tpu.all_reduce %ne3A_430 {dim = 0 : i64, kind = #tpu.reduction_kind<sum>} : vector<16xi1> -> vector<16xi32>
      %slice3A_432 = vector.extract_strided_slice %all_reduce_population_count3A_431 {offsets = [0], sizes = [1], strides = [1]} : vector<16xi32> to vector<1xi32>
      %squeeze3A_433 = vector.extract %slice3A_432[0] : i32 from vector<1xi32>
      %add3A_434 = arith.addi %add3A_407, %squeeze3A_433 : i32
      %dma_wait3A_435 = arith.constant 0 : i32
      %dma_wait3A_436 = arith.constant 0 : i32
      %dma_wait3A_437 = tpu.memref_slice %arg2[%dma_wait3A_435, %dma_wait3A_436] : memref<10000x128xf32, #tpu.memory_space<hbm>> -> memref<10000x128xf32, #tpu.memory_space<hbm>>
      tpu.wait_indirect_dma semaphore(%arg30 : memref<!tpu.dma_semaphore, #tpu.memory_space<semaphore_mem>>) src(%dma_wait3A_437 : memref<10000x128xf32, #tpu.memory_space<hbm>>) dst(%arg23 : memref<80x128xf32, #tpu.memory_space<vmem>>)
      %add3A_438 = arith.constant 2 : i32
      %add3A_439 = arith.addi %mul3A_291, %add3A_438 : i32
      %lt3A_440 = arith.constant 125 : i32
      %lt3A_441 = arith.cmpi slt, %add3A_439, %lt3A_440 : i32
      %convert_element_type3A_442 = arith.extui %lt3A_441 : i1 to i32
      %cond3A_443 = arith.constant 0 : i32
      %cond3A_444 = arith.cmpi ne, %convert_element_type3A_442, %cond3A_443 : i32
      scf.if %cond3A_444 {
        %add3A_618 = arith.constant 2 : i32
        %add3A_619 = arith.addi %mul3A_291, %add3A_618 : i32
        %mul3A_620 = arith.constant 80 : i32
        %mul3A_621 = arith.muli %add3A_619, %mul3A_620 : i32
        %add3A_622 = arith.addi %mul3A_2, %mul3A_621 : i32
        %dma_start3A_623 = tpu.memref_slice %arg3[%add3A_622] : memref<320000xi32, #tpu.memory_space<hbm>> -> memref<80xi32, #tpu.memory_space<hbm>>
        %dma_start3A_624 = tpu.memref_slice %arg3[%add3A_622] : memref<320000xi32, #tpu.memory_space<hbm>> -> memref<80xi32, #tpu.memory_space<hbm>>
        tpu.enqueue_dma source(%dma_start3A_624 : memref<80xi32, #tpu.memory_space<hbm>>) target(%arg11 : memref<80xi32, #tpu.memory_space<vmem>>) target_semaphore(%arg28 : memref<!tpu.dma_semaphore, #tpu.memory_space<semaphore_mem>>)
        %dma_start3A_625 = tpu.memref_slice %arg4[%add3A_622] : memref<320000xi32, #tpu.memory_space<hbm>> -> memref<80xi32, #tpu.memory_space<hbm>>
        %dma_start3A_626 = tpu.memref_slice %arg4[%add3A_622] : memref<320000xi32, #tpu.memory_space<hbm>> -> memref<80xi32, #tpu.memory_space<hbm>>
        tpu.enqueue_dma source(%dma_start3A_626 : memref<80xi32, #tpu.memory_space<hbm>>) target(%arg13 : memref<80xi32, #tpu.memory_space<vmem>>) target_semaphore(%arg28 : memref<!tpu.dma_semaphore, #tpu.memory_space<semaphore_mem>>)
        %dma_start3A_627 = tpu.memref_slice %arg5[%add3A_622] : memref<320000xi32, #tpu.memory_space<hbm>> -> memref<80xi32, #tpu.memory_space<hbm>>
        %dma_start3A_628 = tpu.memref_slice %arg5[%add3A_622] : memref<320000xi32, #tpu.memory_space<hbm>> -> memref<80xi32, #tpu.memory_space<hbm>>
        tpu.enqueue_dma source(%dma_start3A_628 : memref<80xi32, #tpu.memory_space<hbm>>) target(%arg15 : memref<80xi32, #tpu.memory_space<vmem>>) target_semaphore(%arg28 : memref<!tpu.dma_semaphore, #tpu.memory_space<semaphore_mem>>)
        %dma_start3A_629 = tpu.memref_slice %arg6[%add3A_622] : memref<320000xi32, #tpu.memory_space<hbm>> -> memref<80xi32, #tpu.memory_space<hbm>>
        %dma_start3A_630 = tpu.memref_slice %arg6[%add3A_622] : memref<320000xi32, #tpu.memory_space<hbm>> -> memref<80xi32, #tpu.memory_space<hbm>>
        tpu.enqueue_dma source(%dma_start3A_630 : memref<80xi32, #tpu.memory_space<hbm>>) target(%arg17 : memref<80xi32, #tpu.memory_space<vmem>>) target_semaphore(%arg28 : memref<!tpu.dma_semaphore, #tpu.memory_space<semaphore_mem>>)
      } else {
      }
      %dma_start3A_445 = arith.constant 0 : i32
      %dma_start3A_446 = arith.constant 0 : i32
      %dma_start3A_447 = tpu.memref_slice %arg10[%dma_start3A_445, %dma_start3A_446] : memref<10240x128xf32, #tpu.memory_space<vmem_shared>> -> memref<10240x128xf32, #tpu.memory_space<vmem_shared>>
      tpu.enqueue_indirect_dma source(%arg23 : memref<80x128xf32, #tpu.memory_space<vmem>>) target(%dma_start3A_447 : memref<10240x128xf32, #tpu.memory_space<vmem_shared>>) offsets(%arg19 : memref<80xi32, #tpu.memory_space<vmem>>) semaphore(%arg32 : memref<!tpu.dma_semaphore, #tpu.memory_space<semaphore_mem>>) {add = true}
      %dma_start3A_448 = arith.constant 0 : i32
      %dma_start3A_449 = arith.constant 0 : i32
      %dma_start3A_450 = tpu.memref_slice %arg10[%dma_start3A_448, %dma_start3A_449] : memref<10240x128xf32, #tpu.memory_space<vmem_shared>> -> memref<10240x128xf32, #tpu.memory_space<vmem_shared>>
      tpu.enqueue_indirect_dma source(%arg23 : memref<80x128xf32, #tpu.memory_space<vmem>>) target(%dma_start3A_450 : memref<10240x128xf32, #tpu.memory_space<vmem_shared>>) offsets(%arg21 : memref<80xi32, #tpu.memory_space<vmem>>) semaphore(%arg32 : memref<!tpu.dma_semaphore, #tpu.memory_space<semaphore_mem>>) {add = true}
      %mul3A_451 = arith.constant 2 : i32
      %mul3A_452 = arith.muli %mul3A_451, %scan3A_288 : i32
      %add3A_453 = arith.constant 1 : i32
      %add3A_454 = arith.addi %mul3A_452, %add3A_453 : i32
      %gt3A_455 = arith.constant 0 : i32
      %gt3A_456 = arith.cmpi sgt, %add3A_454, %gt3A_455 : i32
      %convert_element_type3A_457 = arith.extui %gt3A_456 : i1 to i32
      %cond3A_458 = arith.constant 0 : i32
      %cond3A_459 = arith.cmpi ne, %convert_element_type3A_457, %cond3A_458 : i32
      scf.if %cond3A_459 {
        %dma_wait3A_618 = arith.constant 0 : i32
        %dma_wait3A_619 = arith.constant 0 : i32
        %dma_wait3A_620 = tpu.memref_slice %arg10[%dma_wait3A_618, %dma_wait3A_619] : memref<10240x128xf32, #tpu.memory_space<vmem_shared>> -> memref<10240x128xf32, #tpu.memory_space<vmem_shared>>
        tpu.wait_indirect_dma semaphore(%arg32 : memref<!tpu.dma_semaphore, #tpu.memory_space<semaphore_mem>>) src(%arg23 : memref<80x128xf32, #tpu.memory_space<vmem>>) dst(%dma_wait3A_620 : memref<10240x128xf32, #tpu.memory_space<vmem_shared>>)
        %dma_wait3A_621 = arith.constant 0 : i32
        %dma_wait3A_622 = arith.constant 0 : i32
        %dma_wait3A_623 = tpu.memref_slice %arg10[%dma_wait3A_621, %dma_wait3A_622] : memref<10240x128xf32, #tpu.memory_space<vmem_shared>> -> memref<10240x128xf32, #tpu.memory_space<vmem_shared>>
        tpu.wait_indirect_dma semaphore(%arg32 : memref<!tpu.dma_semaphore, #tpu.memory_space<semaphore_mem>>) src(%arg23 : memref<80x128xf32, #tpu.memory_space<vmem>>) dst(%dma_wait3A_623 : memref<10240x128xf32, #tpu.memory_space<vmem_shared>>)
      } else {
      }
      %add3A_460 = arith.constant 1 : i32
      %add3A_461 = arith.addi %add3A_454, %add3A_460 : i32
      %lt3A_462 = arith.constant 125 : i32
      %lt3A_463 = arith.cmpi slt, %add3A_461, %lt3A_462 : i32
      %convert_element_type3A_464 = arith.extui %lt3A_463 : i1 to i32
      %cond3A_465 = arith.constant 0 : i32
      %cond3A_466 = arith.cmpi ne, %convert_element_type3A_464, %cond3A_465 : i32
      scf.if %cond3A_466 {
        %add3A_618 = arith.constant 1 : i32
        %add3A_619 = arith.addi %add3A_454, %add3A_618 : i32
        %mul3A_620 = arith.constant 80 : i32
        %mul3A_621 = arith.muli %add3A_619, %mul3A_620 : i32
        %add3A_622 = arith.addi %mul3A_2, %mul3A_621 : i32
        %dma_wait3A_623 = tpu.memref_slice %arg3[%add3A_622] : memref<320000xi32, #tpu.memory_space<hbm>> -> memref<80xi32, #tpu.memory_space<hbm>>
        %dma_wait3A_624 = tpu.memref_slice %arg3[%add3A_622] : memref<320000xi32, #tpu.memory_space<hbm>> -> memref<80xi32, #tpu.memory_space<hbm>>
        tpu.wait_dma2 semaphore(%arg28 : memref<!tpu.dma_semaphore, #tpu.memory_space<semaphore_mem>>) src(%dma_wait3A_624 : memref<80xi32, #tpu.memory_space<hbm>>) dst(%arg11 : memref<80xi32, #tpu.memory_space<vmem>>)
        %dma_wait3A_625 = tpu.memref_slice %arg4[%add3A_622] : memref<320000xi32, #tpu.memory_space<hbm>> -> memref<80xi32, #tpu.memory_space<hbm>>
        %dma_wait3A_626 = tpu.memref_slice %arg4[%add3A_622] : memref<320000xi32, #tpu.memory_space<hbm>> -> memref<80xi32, #tpu.memory_space<hbm>>
        tpu.wait_dma2 semaphore(%arg28 : memref<!tpu.dma_semaphore, #tpu.memory_space<semaphore_mem>>) src(%dma_wait3A_626 : memref<80xi32, #tpu.memory_space<hbm>>) dst(%arg13 : memref<80xi32, #tpu.memory_space<vmem>>)
        %dma_wait3A_627 = tpu.memref_slice %arg5[%add3A_622] : memref<320000xi32, #tpu.memory_space<hbm>> -> memref<80xi32, #tpu.memory_space<hbm>>
        %dma_wait3A_628 = tpu.memref_slice %arg5[%add3A_622] : memref<320000xi32, #tpu.memory_space<hbm>> -> memref<80xi32, #tpu.memory_space<hbm>>
        tpu.wait_dma2 semaphore(%arg28 : memref<!tpu.dma_semaphore, #tpu.memory_space<semaphore_mem>>) src(%dma_wait3A_628 : memref<80xi32, #tpu.memory_space<hbm>>) dst(%arg15 : memref<80xi32, #tpu.memory_space<vmem>>)
        %dma_wait3A_629 = tpu.memref_slice %arg6[%add3A_622] : memref<320000xi32, #tpu.memory_space<hbm>> -> memref<80xi32, #tpu.memory_space<hbm>>
        %dma_wait3A_630 = tpu.memref_slice %arg6[%add3A_622] : memref<320000xi32, #tpu.memory_space<hbm>> -> memref<80xi32, #tpu.memory_space<hbm>>
        tpu.wait_dma2 semaphore(%arg28 : memref<!tpu.dma_semaphore, #tpu.memory_space<semaphore_mem>>) src(%dma_wait3A_630 : memref<80xi32, #tpu.memory_space<hbm>>) dst(%arg17 : memref<80xi32, #tpu.memory_space<vmem>>)
        %dma_start3A_631 = arith.constant 0 : i32
        %dma_start3A_632 = arith.constant 0 : i32
        %dma_start3A_633 = tpu.memref_slice %arg2[%dma_start3A_631, %dma_start3A_632] : memref<10000x128xf32, #tpu.memory_space<hbm>> -> memref<10000x128xf32, #tpu.memory_space<hbm>>
        tpu.enqueue_indirect_dma source(%dma_start3A_633 : memref<10000x128xf32, #tpu.memory_space<hbm>>) target(%arg23 : memref<80x128xf32, #tpu.memory_space<vmem>>) offsets(%arg11 : memref<80xi32, #tpu.memory_space<vmem>>) semaphore(%arg30 : memref<!tpu.dma_semaphore, #tpu.memory_space<semaphore_mem>>)
      } else {
      }
      %get3A_467 = arith.constant 0 : index
      %get3A_468 = tpu.vector_load %arg14[%get3A_467] {strides = array<i32>} : memref<80xi32, #tpu.memory_space<vmem>>, vector<16xi32>,
      %swap3A_469 = arith.constant 0 : index
      %swap3A_470 = tpu.vector_load %arg20[%swap3A_469] {strides = array<i32>} : memref<80xi32, #tpu.memory_space<vmem>>, vector<16xi32>,
      tpu.vector_store %arg20[%swap3A_469], %get3A_468 {strides = array<i32>} : memref<80xi32, #tpu.memory_space<vmem>>, vector<16xi32>,
      %get3A_471 = arith.constant 0 : index
      %get3A_472 = tpu.vector_load %arg16[%get3A_471] {strides = array<i32>} : memref<80xi32, #tpu.memory_space<vmem>>, vector<16xi32>,
      %swap3A_473 = arith.constant 0 : index
      %swap3A_474 = tpu.vector_load %arg22[%swap3A_473] {strides = array<i32>} : memref<80xi32, #tpu.memory_space<vmem>>, vector<16xi32>,
      tpu.vector_store %arg22[%swap3A_473], %get3A_472 {strides = array<i32>} : memref<80xi32, #tpu.memory_space<vmem>>, vector<16xi32>,
      %get3A_475 = arith.constant 0 : index
      %get3A_476 = tpu.vector_load %arg18[%get3A_475] {strides = array<i32>} : memref<80xi32, #tpu.memory_space<vmem>>, vector<16xi32>,
      %masked_sort3A_477 = arith.constant dense<true> : vector<16xi1>
      %masked_sort3A_478 = arith.constant -2147483648 : i32
      %masked_sort3A_479 = vector.broadcast %masked_sort3A_478 : i32 to vector<16xi32>
      %masked_sort3A_480 = arith.xori %get3A_476, %masked_sort3A_479 : vector<16xi32>
      %masked_sort3A_481, %masked_sort3A_482, %masked_sort3A_483 = tpu.sort %masked_sort3A_480, %get3A_476 masked %masked_sort3A_477 : (vector<16xi32>, vector<16xi32>, vector<16xi1>) -> (vector<16xi1>, vector<16xi32>, vector<16xi32>)
      %masked_sort3A_484 = arith.xori %masked_sort3A_482, %masked_sort3A_479 : vector<16xi32>
      %swap3A_485 = arith.index_cast %add3A_434 : i32 to index
      %swap3A_486 = tpu.vector_load %arg25[%swap3A_485] {strides = array<i32>} : memref<10240xi32, #tpu.memory_space<vmem>>, vector<16xi32>,
      tpu.vector_store %arg25[%swap3A_485], %masked_sort3A_483 {strides = array<i32>} : memref<10240xi32, #tpu.memory_space<vmem>>, vector<16xi32>,
      %ne3A_487 = arith.constant 2147483647 : i32
      %ne3A_488 = vector.broadcast %ne3A_487 : i32 to vector<16xi32>
      %ne3A_489 = arith.cmpi ne, %masked_sort3A_484, %ne3A_488 : vector<16xi32>
      %all_reduce_population_count3A_490 = tpu.all_reduce %ne3A_489 {dim = 0 : i64, kind = #tpu.reduction_kind<sum>} : vector<16xi1> -> vector<16xi32>
      %slice3A_491 = vector.extract_strided_slice %all_reduce_population_count3A_490 {offsets = [0], sizes = [1], strides = [1]} : vector<16xi32> to vector<1xi32>
      %squeeze3A_492 = vector.extract %slice3A_491[0] : i32 from vector<1xi32>
      %add3A_493 = arith.addi %add3A_434, %squeeze3A_492 : i32
      %get3A_494 = arith.constant 16 : index
      %get3A_495 = tpu.vector_load %arg14[%get3A_494] {strides = array<i32>} : memref<80xi32, #tpu.memory_space<vmem>>, vector<16xi32>,
      %swap3A_496 = arith.constant 16 : index
      %swap3A_497 = tpu.vector_load %arg20[%swap3A_496] {strides = array<i32>} : memref<80xi32, #tpu.memory_space<vmem>>, vector<16xi32>,
      tpu.vector_store %arg20[%swap3A_496], %get3A_495 {strides = array<i32>} : memref<80xi32, #tpu.memory_space<vmem>>, vector<16xi32>,
      %get3A_498 = arith.constant 16 : index
      %get3A_499 = tpu.vector_load %arg16[%get3A_498] {strides = array<i32>} : memref<80xi32, #tpu.memory_space<vmem>>, vector<16xi32>,
      %swap3A_500 = arith.constant 16 : index
      %swap3A_501 = tpu.vector_load %arg22[%swap3A_500] {strides = array<i32>} : memref<80xi32, #tpu.memory_space<vmem>>, vector<16xi32>,
      tpu.vector_store %arg22[%swap3A_500], %get3A_499 {strides = array<i32>} : memref<80xi32, #tpu.memory_space<vmem>>, vector<16xi32>,
      %get3A_502 = arith.constant 16 : index
      %get3A_503 = tpu.vector_load %arg18[%get3A_502] {strides = array<i32>} : memref<80xi32, #tpu.memory_space<vmem>>, vector<16xi32>,
      %masked_sort3A_504 = arith.constant dense<true> : vector<16xi1>
      %masked_sort3A_505 = arith.constant -2147483648 : i32
      %masked_sort3A_506 = vector.broadcast %masked_sort3A_505 : i32 to vector<16xi32>
      %masked_sort3A_507 = arith.xori %get3A_503, %masked_sort3A_506 : vector<16xi32>
      %masked_sort3A_508, %masked_sort3A_509, %masked_sort3A_510 = tpu.sort %masked_sort3A_507, %get3A_503 masked %masked_sort3A_504 : (vector<16xi32>, vector<16xi32>, vector<16xi1>) -> (vector<16xi1>, vector<16xi32>, vector<16xi32>)
      %masked_sort3A_511 = arith.xori %masked_sort3A_509, %masked_sort3A_506 : vector<16xi32>
      %swap3A_512 = arith.index_cast %add3A_493 : i32 to index
      %swap3A_513 = tpu.vector_load %arg25[%swap3A_512] {strides = array<i32>} : memref<10240xi32, #tpu.memory_space<vmem>>, vector<16xi32>,
      tpu.vector_store %arg25[%swap3A_512], %masked_sort3A_510 {strides = array<i32>} : memref<10240xi32, #tpu.memory_space<vmem>>, vector<16xi32>,
      %ne3A_514 = arith.constant 2147483647 : i32
      %ne3A_515 = vector.broadcast %ne3A_514 : i32 to vector<16xi32>
      %ne3A_516 = arith.cmpi ne, %masked_sort3A_511, %ne3A_515 : vector<16xi32>
      %all_reduce_population_count3A_517 = tpu.all_reduce %ne3A_516 {dim = 0 : i64, kind = #tpu.reduction_kind<sum>} : vector<16xi1> -> vector<16xi32>
      %slice3A_518 = vector.extract_strided_slice %all_reduce_population_count3A_517 {offsets = [0], sizes = [1], strides = [1]} : vector<16xi32> to vector<1xi32>
      %squeeze3A_519 = vector.extract %slice3A_518[0] : i32 from vector<1xi32>
      %add3A_520 = arith.addi %add3A_493, %squeeze3A_519 : i32
      %get3A_521 = arith.constant 32 : index
      %get3A_522 = tpu.vector_load %arg14[%get3A_521] {strides = array<i32>} : memref<80xi32, #tpu.memory_space<vmem>>, vector<16xi32>,
      %swap3A_523 = arith.constant 32 : index
      %swap3A_524 = tpu.vector_load %arg20[%swap3A_523] {strides = array<i32>} : memref<80xi32, #tpu.memory_space<vmem>>, vector<16xi32>,
      tpu.vector_store %arg20[%swap3A_523], %get3A_522 {strides = array<i32>} : memref<80xi32, #tpu.memory_space<vmem>>, vector<16xi32>,
      %get3A_525 = arith.constant 32 : index
      %get3A_526 = tpu.vector_load %arg16[%get3A_525] {strides = array<i32>} : memref<80xi32, #tpu.memory_space<vmem>>, vector<16xi32>,
      %swap3A_527 = arith.constant 32 : index
      %swap3A_528 = tpu.vector_load %arg22[%swap3A_527] {strides = array<i32>} : memref<80xi32, #tpu.memory_space<vmem>>, vector<16xi32>,
      tpu.vector_store %arg22[%swap3A_527], %get3A_526 {strides = array<i32>} : memref<80xi32, #tpu.memory_space<vmem>>, vector<16xi32>,
      %get3A_529 = arith.constant 32 : index
      %get3A_530 = tpu.vector_load %arg18[%get3A_529] {strides = array<i32>} : memref<80xi32, #tpu.memory_space<vmem>>, vector<16xi32>,
      %masked_sort3A_531 = arith.constant dense<true> : vector<16xi1>
      %masked_sort3A_532 = arith.constant -2147483648 : i32
      %masked_sort3A_533 = vector.broadcast %masked_sort3A_532 : i32 to vector<16xi32>
      %masked_sort3A_534 = arith.xori %get3A_530, %masked_sort3A_533 : vector<16xi32>
      %masked_sort3A_535, %masked_sort3A_536, %masked_sort3A_537 = tpu.sort %masked_sort3A_534, %get3A_530 masked %masked_sort3A_531 : (vector<16xi32>, vector<16xi32>, vector<16xi1>) -> (vector<16xi1>, vector<16xi32>, vector<16xi32>)
      %masked_sort3A_538 = arith.xori %masked_sort3A_536, %masked_sort3A_533 : vector<16xi32>
      %swap3A_539 = arith.index_cast %add3A_520 : i32 to index
      %swap3A_540 = tpu.vector_load %arg25[%swap3A_539] {strides = array<i32>} : memref<10240xi32, #tpu.memory_space<vmem>>, vector<16xi32>,
      tpu.vector_store %arg25[%swap3A_539], %masked_sort3A_537 {strides = array<i32>} : memref<10240xi32, #tpu.memory_space<vmem>>, vector<16xi32>,
      %ne3A_541 = arith.constant 2147483647 : i32
      %ne3A_542 = vector.broadcast %ne3A_541 : i32 to vector<16xi32>
      %ne3A_543 = arith.cmpi ne, %masked_sort3A_538, %ne3A_542 : vector<16xi32>
      %all_reduce_population_count3A_544 = tpu.all_reduce %ne3A_543 {dim = 0 : i64, kind = #tpu.reduction_kind<sum>} : vector<16xi1> -> vector<16xi32>
      %slice3A_545 = vector.extract_strided_slice %all_reduce_population_count3A_544 {offsets = [0], sizes = [1], strides = [1]} : vector<16xi32> to vector<1xi32>
      %squeeze3A_546 = vector.extract %slice3A_545[0] : i32 from vector<1xi32>
      %add3A_547 = arith.addi %add3A_520, %squeeze3A_546 : i32
      %get3A_548 = arith.constant 48 : index
      %get3A_549 = tpu.vector_load %arg14[%get3A_548] {strides = array<i32>} : memref<80xi32, #tpu.memory_space<vmem>>, vector<16xi32>,
      %swap3A_550 = arith.constant 48 : index
      %swap3A_551 = tpu.vector_load %arg20[%swap3A_550] {strides = array<i32>} : memref<80xi32, #tpu.memory_space<vmem>>, vector<16xi32>,
      tpu.vector_store %arg20[%swap3A_550], %get3A_549 {strides = array<i32>} : memref<80xi32, #tpu.memory_space<vmem>>, vector<16xi32>,
      %get3A_552 = arith.constant 48 : index
      %get3A_553 = tpu.vector_load %arg16[%get3A_552] {strides = array<i32>} : memref<80xi32, #tpu.memory_space<vmem>>, vector<16xi32>,
      %swap3A_554 = arith.constant 48 : index
      %swap3A_555 = tpu.vector_load %arg22[%swap3A_554] {strides = array<i32>} : memref<80xi32, #tpu.memory_space<vmem>>, vector<16xi32>,
      tpu.vector_store %arg22[%swap3A_554], %get3A_553 {strides = array<i32>} : memref<80xi32, #tpu.memory_space<vmem>>, vector<16xi32>,
      %get3A_556 = arith.constant 48 : index
      %get3A_557 = tpu.vector_load %arg18[%get3A_556] {strides = array<i32>} : memref<80xi32, #tpu.memory_space<vmem>>, vector<16xi32>,
      %masked_sort3A_558 = arith.constant dense<true> : vector<16xi1>
      %masked_sort3A_559 = arith.constant -2147483648 : i32
      %masked_sort3A_560 = vector.broadcast %masked_sort3A_559 : i32 to vector<16xi32>
      %masked_sort3A_561 = arith.xori %get3A_557, %masked_sort3A_560 : vector<16xi32>
      %masked_sort3A_562, %masked_sort3A_563, %masked_sort3A_564 = tpu.sort %masked_sort3A_561, %get3A_557 masked %masked_sort3A_558 : (vector<16xi32>, vector<16xi32>, vector<16xi1>) -> (vector<16xi1>, vector<16xi32>, vector<16xi32>)
      %masked_sort3A_565 = arith.xori %masked_sort3A_563, %masked_sort3A_560 : vector<16xi32>
      %swap3A_566 = arith.index_cast %add3A_547 : i32 to index
      %swap3A_567 = tpu.vector_load %arg25[%swap3A_566] {strides = array<i32>} : memref<10240xi32, #tpu.memory_space<vmem>>, vector<16xi32>,
      tpu.vector_store %arg25[%swap3A_566], %masked_sort3A_564 {strides = array<i32>} : memref<10240xi32, #tpu.memory_space<vmem>>, vector<16xi32>,
      %ne3A_568 = arith.constant 2147483647 : i32
      %ne3A_569 = vector.broadcast %ne3A_568 : i32 to vector<16xi32>
      %ne3A_570 = arith.cmpi ne, %masked_sort3A_565, %ne3A_569 : vector<16xi32>
      %all_reduce_population_count3A_571 = tpu.all_reduce %ne3A_570 {dim = 0 : i64, kind = #tpu.reduction_kind<sum>} : vector<16xi1> -> vector<16xi32>
      %slice3A_572 = vector.extract_strided_slice %all_reduce_population_count3A_571 {offsets = [0], sizes = [1], strides = [1]} : vector<16xi32> to vector<1xi32>
      %squeeze3A_573 = vector.extract %slice3A_572[0] : i32 from vector<1xi32>
      %add3A_574 = arith.addi %add3A_547, %squeeze3A_573 : i32
      %get3A_575 = arith.constant 64 : index
      %get3A_576 = tpu.vector_load %arg14[%get3A_575] {strides = array<i32>} : memref<80xi32, #tpu.memory_space<vmem>>, vector<16xi32>,
      %swap3A_577 = arith.constant 64 : index
      %swap3A_578 = tpu.vector_load %arg20[%swap3A_577] {strides = array<i32>} : memref<80xi32, #tpu.memory_space<vmem>>, vector<16xi32>,
      tpu.vector_store %arg20[%swap3A_577], %get3A_576 {strides = array<i32>} : memref<80xi32, #tpu.memory_space<vmem>>, vector<16xi32>,
      %get3A_579 = arith.constant 64 : index
      %get3A_580 = tpu.vector_load %arg16[%get3A_579] {strides = array<i32>} : memref<80xi32, #tpu.memory_space<vmem>>, vector<16xi32>,
      %swap3A_581 = arith.constant 64 : index
      %swap3A_582 = tpu.vector_load %arg22[%swap3A_581] {strides = array<i32>} : memref<80xi32, #tpu.memory_space<vmem>>, vector<16xi32>,
      tpu.vector_store %arg22[%swap3A_581], %get3A_580 {strides = array<i32>} : memref<80xi32, #tpu.memory_space<vmem>>, vector<16xi32>,
      %get3A_583 = arith.constant 64 : index
      %get3A_584 = tpu.vector_load %arg18[%get3A_583] {strides = array<i32>} : memref<80xi32, #tpu.memory_space<vmem>>, vector<16xi32>,
      %masked_sort3A_585 = arith.constant dense<true> : vector<16xi1>
      %masked_sort3A_586 = arith.constant -2147483648 : i32
      %masked_sort3A_587 = vector.broadcast %masked_sort3A_586 : i32 to vector<16xi32>
      %masked_sort3A_588 = arith.xori %get3A_584, %masked_sort3A_587 : vector<16xi32>
      %masked_sort3A_589, %masked_sort3A_590, %masked_sort3A_591 = tpu.sort %masked_sort3A_588, %get3A_584 masked %masked_sort3A_585 : (vector<16xi32>, vector<16xi32>, vector<16xi1>) -> (vector<16xi1>, vector<16xi32>, vector<16xi32>)
      %masked_sort3A_592 = arith.xori %masked_sort3A_590, %masked_sort3A_587 : vector<16xi32>
      %swap3A_593 = arith.index_cast %add3A_574 : i32 to index
      %swap3A_594 = tpu.vector_load %arg25[%swap3A_593] {strides = array<i32>} : memref<10240xi32, #tpu.memory_space<vmem>>, vector<16xi32>,
      tpu.vector_store %arg25[%swap3A_593], %masked_sort3A_591 {strides = array<i32>} : memref<10240xi32, #tpu.memory_space<vmem>>, vector<16xi32>,
      %ne3A_595 = arith.constant 2147483647 : i32
      %ne3A_596 = vector.broadcast %ne3A_595 : i32 to vector<16xi32>
      %ne3A_597 = arith.cmpi ne, %masked_sort3A_592, %ne3A_596 : vector<16xi32>
      %all_reduce_population_count3A_598 = tpu.all_reduce %ne3A_597 {dim = 0 : i64, kind = #tpu.reduction_kind<sum>} : vector<16xi1> -> vector<16xi32>
      %slice3A_599 = vector.extract_strided_slice %all_reduce_population_count3A_598 {offsets = [0], sizes = [1], strides = [1]} : vector<16xi32> to vector<1xi32>
      %squeeze3A_600 = vector.extract %slice3A_599[0] : i32 from vector<1xi32>
      %add3A_601 = arith.addi %add3A_574, %squeeze3A_600 : i32
      %dma_wait3A_602 = arith.constant 0 : i32
      %dma_wait3A_603 = arith.constant 0 : i32
      %dma_wait3A_604 = tpu.memref_slice %arg2[%dma_wait3A_602, %dma_wait3A_603] : memref<10000x128xf32, #tpu.memory_space<hbm>> -> memref<10000x128xf32, #tpu.memory_space<hbm>>
      tpu.wait_indirect_dma semaphore(%arg31 : memref<!tpu.dma_semaphore, #tpu.memory_space<semaphore_mem>>) src(%dma_wait3A_604 : memref<10000x128xf32, #tpu.memory_space<hbm>>) dst(%arg24 : memref<80x128xf32, #tpu.memory_space<vmem>>)
      %add3A_605 = arith.constant 2 : i32
      %add3A_606 = arith.addi %add3A_454, %add3A_605 : i32
      %lt3A_607 = arith.constant 125 : i32
      %lt3A_608 = arith.cmpi slt, %add3A_606, %lt3A_607 : i32
      %convert_element_type3A_609 = arith.extui %lt3A_608 : i1 to i32
      %cond3A_610 = arith.constant 0 : i32
      %cond3A_611 = arith.cmpi ne, %convert_element_type3A_609, %cond3A_610 : i32
      scf.if %cond3A_611 {
        %add3A_618 = arith.constant 2 : i32
        %add3A_619 = arith.addi %add3A_454, %add3A_618 : i32
        %mul3A_620 = arith.constant 80 : i32
        %mul3A_621 = arith.muli %add3A_619, %mul3A_620 : i32
        %add3A_622 = arith.addi %mul3A_2, %mul3A_621 : i32
        %dma_start3A_623 = tpu.memref_slice %arg3[%add3A_622] : memref<320000xi32, #tpu.memory_space<hbm>> -> memref<80xi32, #tpu.memory_space<hbm>>
        %dma_start3A_624 = tpu.memref_slice %arg3[%add3A_622] : memref<320000xi32, #tpu.memory_space<hbm>> -> memref<80xi32, #tpu.memory_space<hbm>>
        tpu.enqueue_dma source(%dma_start3A_624 : memref<80xi32, #tpu.memory_space<hbm>>) target(%arg12 : memref<80xi32, #tpu.memory_space<vmem>>) target_semaphore(%arg29 : memref<!tpu.dma_semaphore, #tpu.memory_space<semaphore_mem>>)
        %dma_start3A_625 = tpu.memref_slice %arg4[%add3A_622] : memref<320000xi32, #tpu.memory_space<hbm>> -> memref<80xi32, #tpu.memory_space<hbm>>
        %dma_start3A_626 = tpu.memref_slice %arg4[%add3A_622] : memref<320000xi32, #tpu.memory_space<hbm>> -> memref<80xi32, #tpu.memory_space<hbm>>
        tpu.enqueue_dma source(%dma_start3A_626 : memref<80xi32, #tpu.memory_space<hbm>>) target(%arg14 : memref<80xi32, #tpu.memory_space<vmem>>) target_semaphore(%arg29 : memref<!tpu.dma_semaphore, #tpu.memory_space<semaphore_mem>>)
        %dma_start3A_627 = tpu.memref_slice %arg5[%add3A_622] : memref<320000xi32, #tpu.memory_space<hbm>> -> memref<80xi32, #tpu.memory_space<hbm>>
        %dma_start3A_628 = tpu.memref_slice %arg5[%add3A_622] : memref<320000xi32, #tpu.memory_space<hbm>> -> memref<80xi32, #tpu.memory_space<hbm>>
        tpu.enqueue_dma source(%dma_start3A_628 : memref<80xi32, #tpu.memory_space<hbm>>) target(%arg16 : memref<80xi32, #tpu.memory_space<vmem>>) target_semaphore(%arg29 : memref<!tpu.dma_semaphore, #tpu.memory_space<semaphore_mem>>)
        %dma_start3A_629 = tpu.memref_slice %arg6[%add3A_622] : memref<320000xi32, #tpu.memory_space<hbm>> -> memref<80xi32, #tpu.memory_space<hbm>>
        %dma_start3A_630 = tpu.memref_slice %arg6[%add3A_622] : memref<320000xi32, #tpu.memory_space<hbm>> -> memref<80xi32, #tpu.memory_space<hbm>>
        tpu.enqueue_dma source(%dma_start3A_630 : memref<80xi32, #tpu.memory_space<hbm>>) target(%arg18 : memref<80xi32, #tpu.memory_space<vmem>>) target_semaphore(%arg29 : memref<!tpu.dma_semaphore, #tpu.memory_space<semaphore_mem>>)
      } else {
      }
      %dma_start3A_612 = arith.constant 0 : i32
      %dma_start3A_613 = arith.constant 0 : i32
      %dma_start3A_614 = tpu.memref_slice %arg10[%dma_start3A_612, %dma_start3A_613] : memref<10240x128xf32, #tpu.memory_space<vmem_shared>> -> memref<10240x128xf32, #tpu.memory_space<vmem_shared>>
      tpu.enqueue_indirect_dma source(%arg24 : memref<80x128xf32, #tpu.memory_space<vmem>>) target(%dma_start3A_614 : memref<10240x128xf32, #tpu.memory_space<vmem_shared>>) offsets(%arg20 : memref<80xi32, #tpu.memory_space<vmem>>) semaphore(%arg33 : memref<!tpu.dma_semaphore, #tpu.memory_space<semaphore_mem>>) {add = true}
      %dma_start3A_615 = arith.constant 0 : i32
      %dma_start3A_616 = arith.constant 0 : i32
      %dma_start3A_617 = tpu.memref_slice %arg10[%dma_start3A_615, %dma_start3A_616] : memref<10240x128xf32, #tpu.memory_space<vmem_shared>> -> memref<10240x128xf32, #tpu.memory_space<vmem_shared>>
      tpu.enqueue_indirect_dma source(%arg24 : memref<80x128xf32, #tpu.memory_space<vmem>>) target(%dma_start3A_617 : memref<10240x128xf32, #tpu.memory_space<vmem_shared>>) offsets(%arg22 : memref<80xi32, #tpu.memory_space<vmem>>) semaphore(%arg33 : memref<!tpu.dma_semaphore, #tpu.memory_space<semaphore_mem>>) {add = true}
      scf.yield %add3A_601 : i32
    }
    %scan3A_63 = arith.constant 62 : i32
    %dma_wait3A_64 = arith.constant 0 : i32
    %dma_wait3A_65 = arith.constant 0 : i32
    %dma_wait3A_66 = tpu.memref_slice %arg10[%dma_wait3A_64, %dma_wait3A_65] : memref<10240x128xf32, #tpu.memory_space<vmem_shared>> -> memref<10240x128xf32, #tpu.memory_space<vmem_shared>>
    tpu.wait_indirect_dma semaphore(%arg33 : memref<!tpu.dma_semaphore, #tpu.memory_space<semaphore_mem>>) src(%arg24 : memref<80x128xf32, #tpu.memory_space<vmem>>) dst(%dma_wait3A_66 : memref<10240x128xf32, #tpu.memory_space<vmem_shared>>)
    %dma_wait3A_67 = arith.constant 0 : i32
    %dma_wait3A_68 = arith.constant 0 : i32
    %dma_wait3A_69 = tpu.memref_slice %arg10[%dma_wait3A_67, %dma_wait3A_68] : memref<10240x128xf32, #tpu.memory_space<vmem_shared>> -> memref<10240x128xf32, #tpu.memory_space<vmem_shared>>
    tpu.wait_indirect_dma semaphore(%arg33 : memref<!tpu.dma_semaphore, #tpu.memory_space<semaphore_mem>>) src(%arg24 : memref<80x128xf32, #tpu.memory_space<vmem>>) dst(%dma_wait3A_69 : memref<10240x128xf32, #tpu.memory_space<vmem_shared>>)
    %get3A = arith.constant 0 : index
    %get3A_70 = tpu.vector_load %arg13[%get3A] {strides = array<i32>} : memref<80xi32, #tpu.memory_space<vmem>>, vector<16xi32>,
    %swap3A = arith.constant 0 : index
    %swap3A_71 = tpu.vector_load %arg19[%swap3A] {strides = array<i32>} : memref<80xi32, #tpu.memory_space<vmem>>, vector<16xi32>,
    tpu.vector_store %arg19[%swap3A], %get3A_70 {strides = array<i32>} : memref<80xi32, #tpu.memory_space<vmem>>, vector<16xi32>,
    %get3A_72 = arith.constant 0 : index
    %get3A_73 = tpu.vector_load %arg15[%get3A_72] {strides = array<i32>} : memref<80xi32, #tpu.memory_space<vmem>>, vector<16xi32>,
    %swap3A_74 = arith.constant 0 : index
    %swap3A_75 = tpu.vector_load %arg21[%swap3A_74] {strides = array<i32>} : memref<80xi32, #tpu.memory_space<vmem>>, vector<16xi32>,
    tpu.vector_store %arg21[%swap3A_74], %get3A_73 {strides = array<i32>} : memref<80xi32, #tpu.memory_space<vmem>>, vector<16xi32>,
    %get3A_76 = arith.constant 0 : index
    %get3A_77 = tpu.vector_load %arg17[%get3A_76] {strides = array<i32>} : memref<80xi32, #tpu.memory_space<vmem>>, vector<16xi32>,
    %masked_sort3A = arith.constant dense<true> : vector<16xi1>
    %masked_sort3A_78 = arith.constant -2147483648 : i32
    %masked_sort3A_79 = vector.broadcast %masked_sort3A_78 : i32 to vector<16xi32>
    %masked_sort3A_80 = arith.xori %get3A_77, %masked_sort3A_79 : vector<16xi32>
    %masked_sort3A_81, %masked_sort3A_82, %masked_sort3A_83 = tpu.sort %masked_sort3A_80, %get3A_77 masked %masked_sort3A : (vector<16xi32>, vector<16xi32>, vector<16xi1>) -> (vector<16xi1>, vector<16xi32>, vector<16xi32>)
    %masked_sort3A_84 = arith.xori %masked_sort3A_82, %masked_sort3A_79 : vector<16xi32>
    %swap3A_85 = arith.index_cast %scan3A_62 : i32 to index
    %swap3A_86 = tpu.vector_load %arg25[%swap3A_85] {strides = array<i32>} : memref<10240xi32, #tpu.memory_space<vmem>>, vector<16xi32>,
    tpu.vector_store %arg25[%swap3A_85], %masked_sort3A_83 {strides = array<i32>} : memref<10240xi32, #tpu.memory_space<vmem>>, vector<16xi32>,
    %ne3A = arith.constant 2147483647 : i32
    %ne3A_87 = vector.broadcast %ne3A : i32 to vector<16xi32>
    %ne3A_88 = arith.cmpi ne, %masked_sort3A_84, %ne3A_87 : vector<16xi32>
    %all_reduce_population_count3A = tpu.all_reduce %ne3A_88 {dim = 0 : i64, kind = #tpu.reduction_kind<sum>} : vector<16xi1> -> vector<16xi32>
    %slice3A = vector.extract_strided_slice %all_reduce_population_count3A {offsets = [0], sizes = [1], strides = [1]} : vector<16xi32> to vector<1xi32>
    %squeeze3A = vector.extract %slice3A[0] : i32 from vector<1xi32>
    %add3A_89 = arith.addi %scan3A_62, %squeeze3A : i32
    %get3A_90 = arith.constant 16 : index
    %get3A_91 = tpu.vector_load %arg13[%get3A_90] {strides = array<i32>} : memref<80xi32, #tpu.memory_space<vmem>>, vector<16xi32>,
    %swap3A_92 = arith.constant 16 : index
    %swap3A_93 = tpu.vector_load %arg19[%swap3A_92] {strides = array<i32>} : memref<80xi32, #tpu.memory_space<vmem>>, vector<16xi32>,
    tpu.vector_store %arg19[%swap3A_92], %get3A_91 {strides = array<i32>} : memref<80xi32, #tpu.memory_space<vmem>>, vector<16xi32>,
    %get3A_94 = arith.constant 16 : index
    %get3A_95 = tpu.vector_load %arg15[%get3A_94] {strides = array<i32>} : memref<80xi32, #tpu.memory_space<vmem>>, vector<16xi32>,
    %swap3A_96 = arith.constant 16 : index
    %swap3A_97 = tpu.vector_load %arg21[%swap3A_96] {strides = array<i32>} : memref<80xi32, #tpu.memory_space<vmem>>, vector<16xi32>,
    tpu.vector_store %arg21[%swap3A_96], %get3A_95 {strides = array<i32>} : memref<80xi32, #tpu.memory_space<vmem>>, vector<16xi32>,
    %get3A_98 = arith.constant 16 : index
    %get3A_99 = tpu.vector_load %arg17[%get3A_98] {strides = array<i32>} : memref<80xi32, #tpu.memory_space<vmem>>, vector<16xi32>,
    %masked_sort3A_100 = arith.constant dense<true> : vector<16xi1>
    %masked_sort3A_101 = arith.constant -2147483648 : i32
    %masked_sort3A_102 = vector.broadcast %masked_sort3A_101 : i32 to vector<16xi32>
    %masked_sort3A_103 = arith.xori %get3A_99, %masked_sort3A_102 : vector<16xi32>
    %masked_sort3A_104, %masked_sort3A_105, %masked_sort3A_106 = tpu.sort %masked_sort3A_103, %get3A_99 masked %masked_sort3A_100 : (vector<16xi32>, vector<16xi32>, vector<16xi1>) -> (vector<16xi1>, vector<16xi32>, vector<16xi32>)
    %masked_sort3A_107 = arith.xori %masked_sort3A_105, %masked_sort3A_102 : vector<16xi32>
    %swap3A_108 = arith.index_cast %add3A_89 : i32 to index
    %swap3A_109 = tpu.vector_load %arg25[%swap3A_108] {strides = array<i32>} : memref<10240xi32, #tpu.memory_space<vmem>>, vector<16xi32>,
    tpu.vector_store %arg25[%swap3A_108], %masked_sort3A_106 {strides = array<i32>} : memref<10240xi32, #tpu.memory_space<vmem>>, vector<16xi32>,
    %ne3A_110 = arith.constant 2147483647 : i32
    %ne3A_111 = vector.broadcast %ne3A_110 : i32 to vector<16xi32>
    %ne3A_112 = arith.cmpi ne, %masked_sort3A_107, %ne3A_111 : vector<16xi32>
    %all_reduce_population_count3A_113 = tpu.all_reduce %ne3A_112 {dim = 0 : i64, kind = #tpu.reduction_kind<sum>} : vector<16xi1> -> vector<16xi32>
    %slice3A_114 = vector.extract_strided_slice %all_reduce_population_count3A_113 {offsets = [0], sizes = [1], strides = [1]} : vector<16xi32> to vector<1xi32>
    %squeeze3A_115 = vector.extract %slice3A_114[0] : i32 from vector<1xi32>
    %add3A_116 = arith.addi %add3A_89, %squeeze3A_115 : i32
    %get3A_117 = arith.constant 32 : index
    %get3A_118 = tpu.vector_load %arg13[%get3A_117] {strides = array<i32>} : memref<80xi32, #tpu.memory_space<vmem>>, vector<16xi32>,
    %swap3A_119 = arith.constant 32 : index
    %swap3A_120 = tpu.vector_load %arg19[%swap3A_119] {strides = array<i32>} : memref<80xi32, #tpu.memory_space<vmem>>, vector<16xi32>,
    tpu.vector_store %arg19[%swap3A_119], %get3A_118 {strides = array<i32>} : memref<80xi32, #tpu.memory_space<vmem>>, vector<16xi32>,
    %get3A_121 = arith.constant 32 : index
    %get3A_122 = tpu.vector_load %arg15[%get3A_121] {strides = array<i32>} : memref<80xi32, #tpu.memory_space<vmem>>, vector<16xi32>,
    %swap3A_123 = arith.constant 32 : index
    %swap3A_124 = tpu.vector_load %arg21[%swap3A_123] {strides = array<i32>} : memref<80xi32, #tpu.memory_space<vmem>>, vector<16xi32>,
    tpu.vector_store %arg21[%swap3A_123], %get3A_122 {strides = array<i32>} : memref<80xi32, #tpu.memory_space<vmem>>, vector<16xi32>,
    %get3A_125 = arith.constant 32 : index
    %get3A_126 = tpu.vector_load %arg17[%get3A_125] {strides = array<i32>} : memref<80xi32, #tpu.memory_space<vmem>>, vector<16xi32>,
    %masked_sort3A_127 = arith.constant dense<true> : vector<16xi1>
    %masked_sort3A_128 = arith.constant -2147483648 : i32
    %masked_sort3A_129 = vector.broadcast %masked_sort3A_128 : i32 to vector<16xi32>
    %masked_sort3A_130 = arith.xori %get3A_126, %masked_sort3A_129 : vector<16xi32>
    %masked_sort3A_131, %masked_sort3A_132, %masked_sort3A_133 = tpu.sort %masked_sort3A_130, %get3A_126 masked %masked_sort3A_127 : (vector<16xi32>, vector<16xi32>, vector<16xi1>) -> (vector<16xi1>, vector<16xi32>, vector<16xi32>)
    %masked_sort3A_134 = arith.xori %masked_sort3A_132, %masked_sort3A_129 : vector<16xi32>
    %swap3A_135 = arith.index_cast %add3A_116 : i32 to index
    %swap3A_136 = tpu.vector_load %arg25[%swap3A_135] {strides = array<i32>} : memref<10240xi32, #tpu.memory_space<vmem>>, vector<16xi32>,
    tpu.vector_store %arg25[%swap3A_135], %masked_sort3A_133 {strides = array<i32>} : memref<10240xi32, #tpu.memory_space<vmem>>, vector<16xi32>,
    %ne3A_137 = arith.constant 2147483647 : i32
    %ne3A_138 = vector.broadcast %ne3A_137 : i32 to vector<16xi32>
    %ne3A_139 = arith.cmpi ne, %masked_sort3A_134, %ne3A_138 : vector<16xi32>
    %all_reduce_population_count3A_140 = tpu.all_reduce %ne3A_139 {dim = 0 : i64, kind = #tpu.reduction_kind<sum>} : vector<16xi1> -> vector<16xi32>
    %slice3A_141 = vector.extract_strided_slice %all_reduce_population_count3A_140 {offsets = [0], sizes = [1], strides = [1]} : vector<16xi32> to vector<1xi32>
    %squeeze3A_142 = vector.extract %slice3A_141[0] : i32 from vector<1xi32>
    %add3A_143 = arith.addi %add3A_116, %squeeze3A_142 : i32
    %get3A_144 = arith.constant 48 : index
    %get3A_145 = tpu.vector_load %arg13[%get3A_144] {strides = array<i32>} : memref<80xi32, #tpu.memory_space<vmem>>, vector<16xi32>,
    %swap3A_146 = arith.constant 48 : index
    %swap3A_147 = tpu.vector_load %arg19[%swap3A_146] {strides = array<i32>} : memref<80xi32, #tpu.memory_space<vmem>>, vector<16xi32>,
    tpu.vector_store %arg19[%swap3A_146], %get3A_145 {strides = array<i32>} : memref<80xi32, #tpu.memory_space<vmem>>, vector<16xi32>,
    %get3A_148 = arith.constant 48 : index
    %get3A_149 = tpu.vector_load %arg15[%get3A_148] {strides = array<i32>} : memref<80xi32, #tpu.memory_space<vmem>>, vector<16xi32>,
    %swap3A_150 = arith.constant 48 : index
    %swap3A_151 = tpu.vector_load %arg21[%swap3A_150] {strides = array<i32>} : memref<80xi32, #tpu.memory_space<vmem>>, vector<16xi32>,
    tpu.vector_store %arg21[%swap3A_150], %get3A_149 {strides = array<i32>} : memref<80xi32, #tpu.memory_space<vmem>>, vector<16xi32>,
    %get3A_152 = arith.constant 48 : index
    %get3A_153 = tpu.vector_load %arg17[%get3A_152] {strides = array<i32>} : memref<80xi32, #tpu.memory_space<vmem>>, vector<16xi32>,
    %masked_sort3A_154 = arith.constant dense<true> : vector<16xi1>
    %masked_sort3A_155 = arith.constant -2147483648 : i32
    %masked_sort3A_156 = vector.broadcast %masked_sort3A_155 : i32 to vector<16xi32>
    %masked_sort3A_157 = arith.xori %get3A_153, %masked_sort3A_156 : vector<16xi32>
    %masked_sort3A_158, %masked_sort3A_159, %masked_sort3A_160 = tpu.sort %masked_sort3A_157, %get3A_153 masked %masked_sort3A_154 : (vector<16xi32>, vector<16xi32>, vector<16xi1>) -> (vector<16xi1>, vector<16xi32>, vector<16xi32>)
    %masked_sort3A_161 = arith.xori %masked_sort3A_159, %masked_sort3A_156 : vector<16xi32>
    %swap3A_162 = arith.index_cast %add3A_143 : i32 to index
    %swap3A_163 = tpu.vector_load %arg25[%swap3A_162] {strides = array<i32>} : memref<10240xi32, #tpu.memory_space<vmem>>, vector<16xi32>,
    tpu.vector_store %arg25[%swap3A_162], %masked_sort3A_160 {strides = array<i32>} : memref<10240xi32, #tpu.memory_space<vmem>>, vector<16xi32>,
    %ne3A_164 = arith.constant 2147483647 : i32
    %ne3A_165 = vector.broadcast %ne3A_164 : i32 to vector<16xi32>
    %ne3A_166 = arith.cmpi ne, %masked_sort3A_161, %ne3A_165 : vector<16xi32>
    %all_reduce_population_count3A_167 = tpu.all_reduce %ne3A_166 {dim = 0 : i64, kind = #tpu.reduction_kind<sum>} : vector<16xi1> -> vector<16xi32>
    %slice3A_168 = vector.extract_strided_slice %all_reduce_population_count3A_167 {offsets = [0], sizes = [1], strides = [1]} : vector<16xi32> to vector<1xi32>
    %squeeze3A_169 = vector.extract %slice3A_168[0] : i32 from vector<1xi32>
    %add3A_170 = arith.addi %add3A_143, %squeeze3A_169 : i32
    %get3A_171 = arith.constant 64 : index
    %get3A_172 = tpu.vector_load %arg13[%get3A_171] {strides = array<i32>} : memref<80xi32, #tpu.memory_space<vmem>>, vector<16xi32>,
    %swap3A_173 = arith.constant 64 : index
    %swap3A_174 = tpu.vector_load %arg19[%swap3A_173] {strides = array<i32>} : memref<80xi32, #tpu.memory_space<vmem>>, vector<16xi32>,
    tpu.vector_store %arg19[%swap3A_173], %get3A_172 {strides = array<i32>} : memref<80xi32, #tpu.memory_space<vmem>>, vector<16xi32>,
    %get3A_175 = arith.constant 64 : index
    %get3A_176 = tpu.vector_load %arg15[%get3A_175] {strides = array<i32>} : memref<80xi32, #tpu.memory_space<vmem>>, vector<16xi32>,
    %swap3A_177 = arith.constant 64 : index
    %swap3A_178 = tpu.vector_load %arg21[%swap3A_177] {strides = array<i32>} : memref<80xi32, #tpu.memory_space<vmem>>, vector<16xi32>,
    tpu.vector_store %arg21[%swap3A_177], %get3A_176 {strides = array<i32>} : memref<80xi32, #tpu.memory_space<vmem>>, vector<16xi32>,
    %get3A_179 = arith.constant 64 : index
    %get3A_180 = tpu.vector_load %arg17[%get3A_179] {strides = array<i32>} : memref<80xi32, #tpu.memory_space<vmem>>, vector<16xi32>,
    %masked_sort3A_181 = arith.constant dense<true> : vector<16xi1>
    %masked_sort3A_182 = arith.constant -2147483648 : i32
    %masked_sort3A_183 = vector.broadcast %masked_sort3A_182 : i32 to vector<16xi32>
    %masked_sort3A_184 = arith.xori %get3A_180, %masked_sort3A_183 : vector<16xi32>
    %masked_sort3A_185, %masked_sort3A_186, %masked_sort3A_187 = tpu.sort %masked_sort3A_184, %get3A_180 masked %masked_sort3A_181 : (vector<16xi32>, vector<16xi32>, vector<16xi1>) -> (vector<16xi1>, vector<16xi32>, vector<16xi32>)
    %masked_sort3A_188 = arith.xori %masked_sort3A_186, %masked_sort3A_183 : vector<16xi32>
    %swap3A_189 = arith.index_cast %add3A_170 : i32 to index
    %swap3A_190 = tpu.vector_load %arg25[%swap3A_189] {strides = array<i32>} : memref<10240xi32, #tpu.memory_space<vmem>>, vector<16xi32>,
    tpu.vector_store %arg25[%swap3A_189], %masked_sort3A_187 {strides = array<i32>} : memref<10240xi32, #tpu.memory_space<vmem>>, vector<16xi32>,
    %ne3A_191 = arith.constant 2147483647 : i32
    %ne3A_192 = vector.broadcast %ne3A_191 : i32 to vector<16xi32>
    %ne3A_193 = arith.cmpi ne, %masked_sort3A_188, %ne3A_192 : vector<16xi32>
    %all_reduce_population_count3A_194 = tpu.all_reduce %ne3A_193 {dim = 0 : i64, kind = #tpu.reduction_kind<sum>} : vector<16xi1> -> vector<16xi32>
    %slice3A_195 = vector.extract_strided_slice %all_reduce_population_count3A_194 {offsets = [0], sizes = [1], strides = [1]} : vector<16xi32> to vector<1xi32>
    %squeeze3A_196 = vector.extract %slice3A_195[0] : i32 from vector<1xi32>
    %add3A_197 = arith.addi %add3A_170, %squeeze3A_196 : i32
    %dma_wait3A_198 = arith.constant 0 : i32
    %dma_wait3A_199 = arith.constant 0 : i32
    %dma_wait3A_200 = tpu.memref_slice %arg2[%dma_wait3A_198, %dma_wait3A_199] : memref<10000x128xf32, #tpu.memory_space<hbm>> -> memref<10000x128xf32, #tpu.memory_space<hbm>>
    tpu.wait_indirect_dma semaphore(%arg30 : memref<!tpu.dma_semaphore, #tpu.memory_space<semaphore_mem>>) src(%dma_wait3A_200 : memref<10000x128xf32, #tpu.memory_space<hbm>>) dst(%arg23 : memref<80x128xf32, #tpu.memory_space<vmem>>)
    %dma_start3A_201 = arith.constant 0 : i32
    %dma_start3A_202 = arith.constant 0 : i32
    %dma_start3A_203 = tpu.memref_slice %arg10[%dma_start3A_201, %dma_start3A_202] : memref<10240x128xf32, #tpu.memory_space<vmem_shared>> -> memref<10240x128xf32, #tpu.memory_space<vmem_shared>>
    tpu.enqueue_indirect_dma source(%arg23 : memref<80x128xf32, #tpu.memory_space<vmem>>) target(%dma_start3A_203 : memref<10240x128xf32, #tpu.memory_space<vmem_shared>>) offsets(%arg19 : memref<80xi32, #tpu.memory_space<vmem>>) semaphore(%arg32 : memref<!tpu.dma_semaphore, #tpu.memory_space<semaphore_mem>>) {add = true}
    %dma_start3A_204 = arith.constant 0 : i32
    %dma_start3A_205 = arith.constant 0 : i32
    %dma_start3A_206 = tpu.memref_slice %arg10[%dma_start3A_204, %dma_start3A_205] : memref<10240x128xf32, #tpu.memory_space<vmem_shared>> -> memref<10240x128xf32, #tpu.memory_space<vmem_shared>>
    tpu.enqueue_indirect_dma source(%arg23 : memref<80x128xf32, #tpu.memory_space<vmem>>) target(%dma_start3A_206 : memref<10240x128xf32, #tpu.memory_space<vmem_shared>>) offsets(%arg21 : memref<80xi32, #tpu.memory_space<vmem>>) semaphore(%arg32 : memref<!tpu.dma_semaphore, #tpu.memory_space<semaphore_mem>>) {add = true}
    %dma_wait3A_207 = arith.constant 0 : i32
    %dma_wait3A_208 = arith.constant 0 : i32
    %dma_wait3A_209 = tpu.memref_slice %arg10[%dma_wait3A_207, %dma_wait3A_208] : memref<10240x128xf32, #tpu.memory_space<vmem_shared>> -> memref<10240x128xf32, #tpu.memory_space<vmem_shared>>
    tpu.wait_indirect_dma semaphore(%arg32 : memref<!tpu.dma_semaphore, #tpu.memory_space<semaphore_mem>>) src(%arg23 : memref<80x128xf32, #tpu.memory_space<vmem>>) dst(%dma_wait3A_209 : memref<10240x128xf32, #tpu.memory_space<vmem_shared>>)
    %dma_wait3A_210 = arith.constant 0 : i32
    %dma_wait3A_211 = arith.constant 0 : i32
    %dma_wait3A_212 = tpu.memref_slice %arg10[%dma_wait3A_210, %dma_wait3A_211] : memref<10240x128xf32, #tpu.memory_space<vmem_shared>> -> memref<10240x128xf32, #tpu.memory_space<vmem_shared>>
    tpu.wait_indirect_dma semaphore(%arg32 : memref<!tpu.dma_semaphore, #tpu.memory_space<semaphore_mem>>) src(%arg23 : memref<80x128xf32, #tpu.memory_space<vmem>>) dst(%dma_wait3A_212 : memref<10240x128xf32, #tpu.memory_space<vmem_shared>>)
    %broadcast_in_dim3A_213 = arith.constant 163850000 : i32
    "tpu.trace_stop"() : () -> ()
    %broadcast_in_dim3A_214 = vector.broadcast %broadcast_in_dim3A_213 : i32 to vector<16xi32>
    %add3A_215 = arith.constant 0 : i32
    %add3A_216 = arith.addi %add3A_197, %add3A_215 : i32
    %swap3A_217 = arith.index_cast %add3A_216 : i32 to index
    %swap3A_218 = tpu.vector_load %arg25[%swap3A_217] {strides = array<i32>} : memref<10240xi32, #tpu.memory_space<vmem>>, vector<16xi32>,
    tpu.vector_store %arg25[%swap3A_217], %broadcast_in_dim3A_214 {strides = array<i32>} : memref<10240xi32, #tpu.memory_space<vmem>>, vector<16xi32>,
    %add3A_219 = arith.constant 16 : i32
    %add3A_220 = arith.addi %add3A_197, %add3A_219 : i32
    %swap3A_221 = arith.index_cast %add3A_220 : i32 to index
    %swap3A_222 = tpu.vector_load %arg25[%swap3A_221] {strides = array<i32>} : memref<10240xi32, #tpu.memory_space<vmem>>, vector<16xi32>,
    tpu.vector_store %arg25[%swap3A_221], %broadcast_in_dim3A_214 {strides = array<i32>} : memref<10240xi32, #tpu.memory_space<vmem>>, vector<16xi32>,
    %add3A_223 = arith.constant 32 : i32
    %add3A_224 = arith.addi %add3A_197, %add3A_223 : i32
    %swap3A_225 = arith.index_cast %add3A_224 : i32 to index
    %swap3A_226 = tpu.vector_load %arg25[%swap3A_225] {strides = array<i32>} : memref<10240xi32, #tpu.memory_space<vmem>>, vector<16xi32>,
    tpu.vector_store %arg25[%swap3A_225], %broadcast_in_dim3A_214 {strides = array<i32>} : memref<10240xi32, #tpu.memory_space<vmem>>, vector<16xi32>,
    %add3A_227 = arith.constant 48 : i32
    %add3A_228 = arith.addi %add3A_197, %add3A_227 : i32
    %swap3A_229 = arith.index_cast %add3A_228 : i32 to index
    %swap3A_230 = tpu.vector_load %arg25[%swap3A_229] {strides = array<i32>} : memref<10240xi32, #tpu.memory_space<vmem>>, vector<16xi32>,
    tpu.vector_store %arg25[%swap3A_229], %broadcast_in_dim3A_214 {strides = array<i32>} : memref<10240xi32, #tpu.memory_space<vmem>>, vector<16xi32>,
    %add3A_231 = arith.constant 64 : i32
    %add3A_232 = arith.addi %add3A_197, %add3A_231 : i32
    %swap3A_233 = arith.index_cast %add3A_232 : i32 to index
    %swap3A_234 = tpu.vector_load %arg25[%swap3A_233] {strides = array<i32>} : memref<10240xi32, #tpu.memory_space<vmem>>, vector<16xi32>,
    tpu.vector_store %arg25[%swap3A_233], %broadcast_in_dim3A_214 {strides = array<i32>} : memref<10240xi32, #tpu.memory_space<vmem>>, vector<16xi32>,
    %add3A_235 = arith.constant 80 : i32
    %add3A_236 = arith.addi %add3A_197, %add3A_235 : i32
    %swap3A_237 = arith.index_cast %add3A_236 : i32 to index
    %swap3A_238 = tpu.vector_load %arg25[%swap3A_237] {strides = array<i32>} : memref<10240xi32, #tpu.memory_space<vmem>>, vector<16xi32>,
    tpu.vector_store %arg25[%swap3A_237], %broadcast_in_dim3A_214 {strides = array<i32>} : memref<10240xi32, #tpu.memory_space<vmem>>, vector<16xi32>,
    %add3A_239 = arith.constant 96 : i32
    %add3A_240 = arith.addi %add3A_197, %add3A_239 : i32
    %swap3A_241 = arith.index_cast %add3A_240 : i32 to index
    %swap3A_242 = tpu.vector_load %arg25[%swap3A_241] {strides = array<i32>} : memref<10240xi32, #tpu.memory_space<vmem>>, vector<16xi32>,
    tpu.vector_store %arg25[%swap3A_241], %broadcast_in_dim3A_214 {strides = array<i32>} : memref<10240xi32, #tpu.memory_space<vmem>>, vector<16xi32>,
    %add3A_243 = arith.constant 112 : i32
    %add3A_244 = arith.addi %add3A_197, %add3A_243 : i32
    %swap3A_245 = arith.index_cast %add3A_244 : i32 to index
    %swap3A_246 = tpu.vector_load %arg25[%swap3A_245] {strides = array<i32>} : memref<10240xi32, #tpu.memory_space<vmem>>, vector<16xi32>,
    tpu.vector_store %arg25[%swap3A_245], %broadcast_in_dim3A_214 {strides = array<i32>} : memref<10240xi32, #tpu.memory_space<vmem>>, vector<16xi32>,
    %add3A_247 = arith.constant 128 : i32
    %add3A_248 = arith.addi %add3A_197, %add3A_247 : i32
    %swap3A_249 = arith.index_cast %add3A_248 : i32 to index
    %swap3A_250 = tpu.vector_load %arg25[%swap3A_249] {strides = array<i32>} : memref<10240xi32, #tpu.memory_space<vmem>>, vector<16xi32>,
    tpu.vector_store %arg25[%swap3A_249], %broadcast_in_dim3A_214 {strides = array<i32>} : memref<10240xi32, #tpu.memory_space<vmem>>, vector<16xi32>,
    %add3A_251 = arith.constant 144 : i32
    %add3A_252 = arith.addi %add3A_197, %add3A_251 : i32
    %swap3A_253 = arith.index_cast %add3A_252 : i32 to index
    %swap3A_254 = tpu.vector_load %arg25[%swap3A_253] {strides = array<i32>} : memref<10240xi32, #tpu.memory_space<vmem>>, vector<16xi32>,
    tpu.vector_store %arg25[%swap3A_253], %broadcast_in_dim3A_214 {strides = array<i32>} : memref<10240xi32, #tpu.memory_space<vmem>>, vector<16xi32>,
    %add3A_255 = arith.constant 160 : i32
    %add3A_256 = arith.addi %add3A_197, %add3A_255 : i32
    %swap3A_257 = arith.index_cast %add3A_256 : i32 to index
    %swap3A_258 = tpu.vector_load %arg25[%swap3A_257] {strides = array<i32>} : memref<10240xi32, #tpu.memory_space<vmem>>, vector<16xi32>,
    tpu.vector_store %arg25[%swap3A_257], %broadcast_in_dim3A_214 {strides = array<i32>} : memref<10240xi32, #tpu.memory_space<vmem>>, vector<16xi32>,
    %add3A_259 = arith.constant 176 : i32
    %add3A_260 = arith.addi %add3A_197, %add3A_259 : i32
    %swap3A_261 = arith.index_cast %add3A_260 : i32 to index
    %swap3A_262 = tpu.vector_load %arg25[%swap3A_261] {strides = array<i32>} : memref<10240xi32, #tpu.memory_space<vmem>>, vector<16xi32>,
    tpu.vector_store %arg25[%swap3A_261], %broadcast_in_dim3A_214 {strides = array<i32>} : memref<10240xi32, #tpu.memory_space<vmem>>, vector<16xi32>,
    %add3A_263 = arith.constant 192 : i32
    %add3A_264 = arith.addi %add3A_197, %add3A_263 : i32
    %swap3A_265 = arith.index_cast %add3A_264 : i32 to index
    %swap3A_266 = tpu.vector_load %arg25[%swap3A_265] {strides = array<i32>} : memref<10240xi32, #tpu.memory_space<vmem>>, vector<16xi32>,
    tpu.vector_store %arg25[%swap3A_265], %broadcast_in_dim3A_214 {strides = array<i32>} : memref<10240xi32, #tpu.memory_space<vmem>>, vector<16xi32>,
    %add3A_267 = arith.constant 208 : i32
    %add3A_268 = arith.addi %add3A_197, %add3A_267 : i32
    %swap3A_269 = arith.index_cast %add3A_268 : i32 to index
    %swap3A_270 = tpu.vector_load %arg25[%swap3A_269] {strides = array<i32>} : memref<10240xi32, #tpu.memory_space<vmem>>, vector<16xi32>,
    tpu.vector_store %arg25[%swap3A_269], %broadcast_in_dim3A_214 {strides = array<i32>} : memref<10240xi32, #tpu.memory_space<vmem>>, vector<16xi32>,
    %add3A_271 = arith.constant 224 : i32
    %add3A_272 = arith.addi %add3A_197, %add3A_271 : i32
    %swap3A_273 = arith.index_cast %add3A_272 : i32 to index
    %swap3A_274 = tpu.vector_load %arg25[%swap3A_273] {strides = array<i32>} : memref<10240xi32, #tpu.memory_space<vmem>>, vector<16xi32>,
    tpu.vector_store %arg25[%swap3A_273], %broadcast_in_dim3A_214 {strides = array<i32>} : memref<10240xi32, #tpu.memory_space<vmem>>, vector<16xi32>,
    "tpu.trace_start"() <{level = 10 : i32, message = "h1wout"}> : () -> ()
    %mul3A_275 = arith.constant 10240 : i32
    %mul3A_276 = arith.muli %add3A, %mul3A_275 : i32
    "tpu.region"() ({
      %run_scoped3A = tpu.sem_alloc : memref<!tpu.dma_semaphore, #tpu.memory_space<semaphore_mem>>
      %dma_start3A_288 = tpu.memref_slice %arg8[%mul3A_276] : memref<327680xi32, #tpu.memory_space<hbm>> -> memref<10240xi32, #tpu.memory_space<hbm>>
      %dma_start3A_289 = tpu.memref_slice %arg8[%mul3A_276] : memref<327680xi32, #tpu.memory_space<hbm>> -> memref<10240xi32, #tpu.memory_space<hbm>>
      tpu.enqueue_dma source(%arg25 : memref<10240xi32, #tpu.memory_space<vmem>>) target(%dma_start3A_289 : memref<10240xi32, #tpu.memory_space<hbm>>) target_semaphore(%run_scoped3A : memref<!tpu.dma_semaphore, #tpu.memory_space<semaphore_mem>>)
      %dma_wait3A_290 = tpu.memref_slice %arg8[%mul3A_276] : memref<327680xi32, #tpu.memory_space<hbm>> -> memref<10240xi32, #tpu.memory_space<hbm>>
      %dma_wait3A_291 = tpu.memref_slice %arg8[%mul3A_276] : memref<327680xi32, #tpu.memory_space<hbm>> -> memref<10240xi32, #tpu.memory_space<hbm>>
      tpu.wait_dma2 semaphore(%run_scoped3A : memref<!tpu.dma_semaphore, #tpu.memory_space<semaphore_mem>>) src(%arg25 : memref<10240xi32, #tpu.memory_space<vmem>>) dst(%dma_wait3A_291 : memref<10240xi32, #tpu.memory_space<hbm>>)
      tpu.yield
    }) : () -> ()
    %broadcast_in_dim3A_277 = vector.broadcast %add3A_197 : i32 to vector<16xi32>
    %swap3A_278 = arith.constant 0 : index
    %swap3A_279 = tpu.vector_load %arg27[%swap3A_278] {strides = array<i32>} : memref<16xi32, #tpu.memory_space<vmem>>, vector<16xi32>,
    tpu.vector_store %arg27[%swap3A_278], %broadcast_in_dim3A_277 {strides = array<i32>} : memref<16xi32, #tpu.memory_space<vmem>>, vector<16xi32>,
    %mul3A_280 = arith.constant 16 : i32
    %mul3A_281 = arith.muli %add3A, %mul3A_280 : i32
    "tpu.region"() ({
      %run_scoped3A = tpu.sem_alloc : memref<!tpu.dma_semaphore, #tpu.memory_space<semaphore_mem>>
      %dma_start3A_288 = tpu.memref_slice %arg9[%mul3A_281] : memref<512xi32, #tpu.memory_space<hbm>> -> memref<16xi32, #tpu.memory_space<hbm>>
      %dma_start3A_289 = tpu.memref_slice %arg9[%mul3A_281] : memref<512xi32, #tpu.memory_space<hbm>> -> memref<16xi32, #tpu.memory_space<hbm>>
      tpu.enqueue_dma source(%arg27 : memref<16xi32, #tpu.memory_space<vmem>>) target(%dma_start3A_289 : memref<16xi32, #tpu.memory_space<hbm>>) target_semaphore(%run_scoped3A : memref<!tpu.dma_semaphore, #tpu.memory_space<semaphore_mem>>)
      %dma_wait3A_290 = tpu.memref_slice %arg9[%mul3A_281] : memref<512xi32, #tpu.memory_space<hbm>> -> memref<16xi32, #tpu.memory_space<hbm>>
      %dma_wait3A_291 = tpu.memref_slice %arg9[%mul3A_281] : memref<512xi32, #tpu.memory_space<hbm>> -> memref<16xi32, #tpu.memory_space<hbm>>
      tpu.wait_dma2 semaphore(%run_scoped3A : memref<!tpu.dma_semaphore, #tpu.memory_space<semaphore_mem>>) src(%arg27 : memref<16xi32, #tpu.memory_space<vmem>>) dst(%dma_wait3A_291 : memref<16xi32, #tpu.memory_space<hbm>>)
      tpu.yield
    }) : () -> ()
    %barrier3A_282 = arith.constant 0 : index
    tpu.barrier barrier_id(%barrier3A_282)
    %mul3A_283 = arith.constant 640 : i32
    %mul3A_284 = arith.muli %arg1, %mul3A_283 : i32
    %mul3A_285 = arith.constant 10240 : i32
    %mul3A_286 = arith.muli %arg0, %mul3A_285 : i32
    %add3A_287 = arith.addi %mul3A_286, %mul3A_284 : i32
    "tpu.region"() ({
      %run_scoped3A = tpu.sem_alloc : memref<!tpu.dma_semaphore, #tpu.memory_space<semaphore_mem>>
      %dma_start3A_288 = arith.constant 0 : i32
      %dma_start3A_289 = tpu.memref_slice %arg7[%add3A_287, %dma_start3A_288] : memref<20480x128xf32, #tpu.memory_space<hbm>> -> memref<640x128xf32, #tpu.memory_space<hbm>>
      %dma_start3A_290 = arith.constant 0 : i32
      %dma_start3A_291 = tpu.memref_slice %arg10[%mul3A_284, %dma_start3A_290] : memref<10240x128xf32, #tpu.memory_space<vmem_shared>> -> memref<640x128xf32, #tpu.memory_space<vmem_shared>>
      tpu.enqueue_dma source(%dma_start3A_291 : memref<640x128xf32, #tpu.memory_space<vmem_shared>>) target(%dma_start3A_289 : memref<640x128xf32, #tpu.memory_space<hbm>>) target_semaphore(%run_scoped3A : memref<!tpu.dma_semaphore, #tpu.memory_space<semaphore_mem>>)
      %dma_wait3A_292 = arith.constant 0 : i32
      %dma_wait3A_293 = tpu.memref_slice %arg7[%add3A_287, %dma_wait3A_292] : memref<20480x128xf32, #tpu.memory_space<hbm>> -> memref<640x128xf32, #tpu.memory_space<hbm>>
      %dma_wait3A_294 = arith.constant 0 : i32
      %dma_wait3A_295 = tpu.memref_slice %arg10[%mul3A_284, %dma_wait3A_294] : memref<10240x128xf32, #tpu.memory_space<vmem_shared>> -> memref<640x128xf32, #tpu.memory_space<vmem_shared>>
      tpu.wait_dma2 semaphore(%run_scoped3A : memref<!tpu.dma_semaphore, #tpu.memory_space<semaphore_mem>>) src(%dma_wait3A_295 : memref<640x128xf32, #tpu.memory_space<vmem_shared>>) dst(%dma_wait3A_293 : memref<640x128xf32, #tpu.memory_space<hbm>>)
      tpu.yield
    }) : () -> ()
    "tpu.trace_stop"() : () -> ()
    return
  }
}

#map = affine_map<(d0, d1) -> (0, 0)>
#map1 = affine_map<(d0, d1) -> (0)>
module attributes {stable_mosaic.version = 14 : i64} {
  func.func @_hop2_body(%arg0: i32, %arg1: i32, %arg2: memref<10240x128xf32, #tpu.memory_space<hbm>>, %arg3: memref<327680xi32, #tpu.memory_space<hbm>>, %arg4: memref<512xi32, #tpu.memory_space<hbm>>, %arg5: memref<20480x128xf32, #tpu.memory_space<hbm>>, %arg6: memref<10240x128xf32, #tpu.memory_space<vmem_shared>>, %arg7: memref<80xi32, #tpu.memory_space<vmem>>, %arg8: memref<80xi32, #tpu.memory_space<vmem>>, %arg9: memref<80xi32, #tpu.memory_space<vmem>>, %arg10: memref<80xi32, #tpu.memory_space<vmem>>, %arg11: memref<80xi32, #tpu.memory_space<vmem>>, %arg12: memref<80xi32, #tpu.memory_space<vmem>>, %arg13: memref<80xi32, #tpu.memory_space<vmem>>, %arg14: memref<80xi32, #tpu.memory_space<vmem>>, %arg15: memref<80xi32, #tpu.memory_space<vmem>>, %arg16: memref<80x128xf32, #tpu.memory_space<vmem>>, %arg17: memref<80x128xf32, #tpu.memory_space<vmem>>, %arg18: memref<80x128xf32, #tpu.memory_space<vmem>>, %arg19: memref<32x128xf32, #tpu.memory_space<vmem>>, %arg20: memref<16xi32, #tpu.memory_space<vmem>>, %arg21: memref<!tpu.dma_semaphore, #tpu.memory_space<semaphore_mem>>, %arg22: memref<!tpu.dma_semaphore, #tpu.memory_space<semaphore_mem>>, %arg23: memref<!tpu.dma_semaphore, #tpu.memory_space<semaphore_mem>>, %arg24: memref<!tpu.dma_semaphore, #tpu.memory_space<semaphore_mem>>, %arg25: memref<!tpu.dma_semaphore, #tpu.memory_space<semaphore_mem>>, %arg26: memref<!tpu.dma_semaphore, #tpu.memory_space<semaphore_mem>>, %arg27: memref<!tpu.dma_semaphore, #tpu.memory_space<semaphore_mem>>, %arg28: memref<!tpu.dma_semaphore, #tpu.memory_space<semaphore_mem>>, %arg29: memref<!tpu.dma_semaphore, #tpu.memory_space<semaphore_mem>>) attributes {dimension_semantics = [#tpu.dimension_semantics<core_parallel>, #tpu.dimension_semantics<subcore_parallel>], iteration_bounds = array<i64: 2, 16>, scalar_prefetch = 0 : i64, scratch_operands = 24 : i64, tpu.core_type = #tpu.core_type<sc_vector_subcore>, window_params = [{transform_indices = #map}, {transform_indices = #map1}, {transform_indices = #map1}, {transform_indices = #map}]} {
    %mul3A = arith.constant 16 : i32
    %mul3A_0 = arith.muli %arg0, %mul3A : i32
    %add3A = arith.addi %mul3A_0, %arg1 : i32
    %broadcast_in_dim3A = arith.constant 0.000000e+00 : f32
    "tpu.trace_start"() <{level = 10 : i32, message = "h2zero"}> : () -> ()
    %broadcast_in_dim3A_1 = vector.broadcast %broadcast_in_dim3A : f32 to vector<16xf32>
    %scan3A = arith.constant 0 : i32
    %scan3A_2 = arith.constant 0 : i32
    %scan3A_3 = arith.constant 32 : i32
    %scan3A_4 = arith.addi %scan3A_2, %scan3A_3 : i32
    %scan3A_5 = arith.constant 1 : i32
    %scan3A_6 = scf.for %scan3A_64 = %scan3A_2 to %scan3A_4 step %scan3A_5 iter_args(%scan3A_65 = %scan3A) -> (i32)  : i32 {
      %swap3A = arith.index_cast %scan3A_64 : i32 to index
      %swap3A_66 = arith.constant 0 : index
      %swap3A_67 = tpu.vector_load %arg19[%swap3A, %swap3A_66] {strides = array<i32>} : memref<32x128xf32, #tpu.memory_space<vmem>>, vector<16xf32>,
      tpu.vector_store %arg19[%swap3A, %swap3A_66], %broadcast_in_dim3A_1 {strides = array<i32>} : memref<32x128xf32, #tpu.memory_space<vmem>>, vector<16xf32>,
      %swap3A_68 = arith.index_cast %scan3A_64 : i32 to index
      %swap3A_69 = arith.constant 16 : index
      %swap3A_70 = tpu.vector_load %arg19[%swap3A_68, %swap3A_69] {strides = array<i32>} : memref<32x128xf32, #tpu.memory_space<vmem>>, vector<16xf32>,
      tpu.vector_store %arg19[%swap3A_68, %swap3A_69], %broadcast_in_dim3A_1 {strides = array<i32>} : memref<32x128xf32, #tpu.memory_space<vmem>>, vector<16xf32>,
      %swap3A_71 = arith.index_cast %scan3A_64 : i32 to index
      %swap3A_72 = arith.constant 32 : index
      %swap3A_73 = tpu.vector_load %arg19[%swap3A_71, %swap3A_72] {strides = array<i32>} : memref<32x128xf32, #tpu.memory_space<vmem>>, vector<16xf32>,
      tpu.vector_store %arg19[%swap3A_71, %swap3A_72], %broadcast_in_dim3A_1 {strides = array<i32>} : memref<32x128xf32, #tpu.memory_space<vmem>>, vector<16xf32>,
      %swap3A_74 = arith.index_cast %scan3A_64 : i32 to index
      %swap3A_75 = arith.constant 48 : index
      %swap3A_76 = tpu.vector_load %arg19[%swap3A_74, %swap3A_75] {strides = array<i32>} : memref<32x128xf32, #tpu.memory_space<vmem>>, vector<16xf32>,
      tpu.vector_store %arg19[%swap3A_74, %swap3A_75], %broadcast_in_dim3A_1 {strides = array<i32>} : memref<32x128xf32, #tpu.memory_space<vmem>>, vector<16xf32>,
      %swap3A_77 = arith.index_cast %scan3A_64 : i32 to index
      %swap3A_78 = arith.constant 64 : index
      %swap3A_79 = tpu.vector_load %arg19[%swap3A_77, %swap3A_78] {strides = array<i32>} : memref<32x128xf32, #tpu.memory_space<vmem>>, vector<16xf32>,
      tpu.vector_store %arg19[%swap3A_77, %swap3A_78], %broadcast_in_dim3A_1 {strides = array<i32>} : memref<32x128xf32, #tpu.memory_space<vmem>>, vector<16xf32>,
      %swap3A_80 = arith.index_cast %scan3A_64 : i32 to index
      %swap3A_81 = arith.constant 80 : index
      %swap3A_82 = tpu.vector_load %arg19[%swap3A_80, %swap3A_81] {strides = array<i32>} : memref<32x128xf32, #tpu.memory_space<vmem>>, vector<16xf32>,
      tpu.vector_store %arg19[%swap3A_80, %swap3A_81], %broadcast_in_dim3A_1 {strides = array<i32>} : memref<32x128xf32, #tpu.memory_space<vmem>>, vector<16xf32>,
      %swap3A_83 = arith.index_cast %scan3A_64 : i32 to index
      %swap3A_84 = arith.constant 96 : index
      %swap3A_85 = tpu.vector_load %arg19[%swap3A_83, %swap3A_84] {strides = array<i32>} : memref<32x128xf32, #tpu.memory_space<vmem>>, vector<16xf32>,
      tpu.vector_store %arg19[%swap3A_83, %swap3A_84], %broadcast_in_dim3A_1 {strides = array<i32>} : memref<32x128xf32, #tpu.memory_space<vmem>>, vector<16xf32>,
      %swap3A_86 = arith.index_cast %scan3A_64 : i32 to index
      %swap3A_87 = arith.constant 112 : index
      %swap3A_88 = tpu.vector_load %arg19[%swap3A_86, %swap3A_87] {strides = array<i32>} : memref<32x128xf32, #tpu.memory_space<vmem>>, vector<16xf32>,
      tpu.vector_store %arg19[%swap3A_86, %swap3A_87], %broadcast_in_dim3A_1 {strides = array<i32>} : memref<32x128xf32, #tpu.memory_space<vmem>>, vector<16xf32>,
      %scan3A_89 = arith.constant 0 : i32
      scf.yield %scan3A_89 : i32
    }
    %scan3A_7 = arith.constant 32 : i32
    %mul3A_8 = arith.constant 640 : i32
    %mul3A_9 = arith.muli %arg1, %mul3A_8 : i32
    %scan3A_10 = arith.constant 0 : i32
    %scan3A_11 = arith.constant 0 : i32
    %scan3A_12 = arith.constant 20 : i32
    %scan3A_13 = arith.addi %scan3A_11, %scan3A_12 : i32
    %scan3A_14 = arith.constant 1 : i32
    %scan3A_15 = scf.for %scan3A_64 = %scan3A_11 to %scan3A_13 step %scan3A_14 iter_args(%scan3A_65 = %scan3A_10) -> (i32)  : i32 {
      %mul3A_66 = arith.constant 32 : i32
      %mul3A_67 = arith.muli %scan3A_64, %mul3A_66 : i32
      %add3A_68 = arith.addi %mul3A_9, %mul3A_67 : i32
      %dma_start3A = arith.constant 0 : i32
      %dma_start3A_69 = tpu.memref_slice %arg6[%add3A_68, %dma_start3A] : memref<10240x128xf32, #tpu.memory_space<vmem_shared>> -> memref<32x128xf32, #tpu.memory_space<vmem_shared>>
      %dma_start3A_70 = arith.constant 0 : i32
      %dma_start3A_71 = tpu.memref_slice %arg6[%add3A_68, %dma_start3A_70] : memref<10240x128xf32, #tpu.memory_space<vmem_shared>> -> memref<32x128xf32, #tpu.memory_space<vmem_shared>>
      tpu.enqueue_dma source(%arg19 : memref<32x128xf32, #tpu.memory_space<vmem>>) target(%dma_start3A_71 : memref<32x128xf32, #tpu.memory_space<vmem_shared>>) target_semaphore(%arg24 : memref<!tpu.dma_semaphore, #tpu.memory_space<semaphore_mem>>)
      %scan3A_72 = arith.constant 0 : i32
      scf.yield %scan3A_72 : i32
    }
    %scan3A_16 = arith.constant 20 : i32
    %scan3A_17 = arith.constant 0 : i32
    %scan3A_18 = arith.constant 0 : i32
    %scan3A_19 = arith.constant 20 : i32
    %scan3A_20 = arith.addi %scan3A_18, %scan3A_19 : i32
    %scan3A_21 = arith.constant 1 : i32
    %scan3A_22 = scf.for %scan3A_64 = %scan3A_18 to %scan3A_20 step %scan3A_21 iter_args(%scan3A_65 = %scan3A_17) -> (i32)  : i32 {
      %dma_wait3A = arith.constant 0 : i32
      %dma_wait3A_66 = tpu.memref_slice %arg6[%mul3A_9, %dma_wait3A] : memref<10240x128xf32, #tpu.memory_space<vmem_shared>> -> memref<32x128xf32, #tpu.memory_space<vmem_shared>>
      %dma_wait3A_67 = arith.constant 0 : i32
      %dma_wait3A_68 = tpu.memref_slice %arg6[%mul3A_9, %dma_wait3A_67] : memref<10240x128xf32, #tpu.memory_space<vmem_shared>> -> memref<32x128xf32, #tpu.memory_space<vmem_shared>>
      tpu.wait_dma2 semaphore(%arg24 : memref<!tpu.dma_semaphore, #tpu.memory_space<semaphore_mem>>) src(%arg19 : memref<32x128xf32, #tpu.memory_space<vmem>>) dst(%dma_wait3A_68 : memref<32x128xf32, #tpu.memory_space<vmem_shared>>)
      %scan3A_69 = arith.constant 0 : i32
      scf.yield %scan3A_69 : i32
    }
    %scan3A_23 = arith.constant 20 : i32
    %barrier3A = arith.constant 0 : index
    tpu.barrier barrier_id(%barrier3A)
    "tpu.trace_stop"() : () -> ()
    %mul3A_24 = arith.constant 16 : i32
    %mul3A_25 = arith.muli %add3A, %mul3A_24 : i32
    "tpu.region"() ({
      %run_scoped3A = tpu.sem_alloc : memref<!tpu.dma_semaphore, #tpu.memory_space<semaphore_mem>>
      %dma_start3A = tpu.memref_slice %arg4[%mul3A_25] : memref<512xi32, #tpu.memory_space<hbm>> -> memref<16xi32, #tpu.memory_space<hbm>>
      %dma_start3A_64 = tpu.memref_slice %arg4[%mul3A_25] : memref<512xi32, #tpu.memory_space<hbm>> -> memref<16xi32, #tpu.memory_space<hbm>>
      tpu.enqueue_dma source(%dma_start3A_64 : memref<16xi32, #tpu.memory_space<hbm>>) target(%arg20 : memref<16xi32, #tpu.memory_space<vmem>>) target_semaphore(%run_scoped3A : memref<!tpu.dma_semaphore, #tpu.memory_space<semaphore_mem>>)
      %dma_wait3A = tpu.memref_slice %arg4[%mul3A_25] : memref<512xi32, #tpu.memory_space<hbm>> -> memref<16xi32, #tpu.memory_space<hbm>>
      %dma_wait3A_65 = tpu.memref_slice %arg4[%mul3A_25] : memref<512xi32, #tpu.memory_space<hbm>> -> memref<16xi32, #tpu.memory_space<hbm>>
      tpu.wait_dma2 semaphore(%run_scoped3A : memref<!tpu.dma_semaphore, #tpu.memory_space<semaphore_mem>>) src(%dma_wait3A_65 : memref<16xi32, #tpu.memory_space<hbm>>) dst(%arg20 : memref<16xi32, #tpu.memory_space<vmem>>)
      tpu.yield
    }) : () -> ()
    %get3A = arith.constant 0 : index
    %get3A_26 = tpu.vector_load %arg20[%get3A] {strides = array<i32>} : memref<16xi32, #tpu.memory_space<vmem>>, vector<16xi32>,
    %slice3A = vector.extract_strided_slice %get3A_26 {offsets = [0], sizes = [1], strides = [1]} : vector<16xi32> to vector<1xi32>
    %squeeze3A = vector.extract %slice3A[0] : i32 from vector<1xi32>
    %add3A_27 = arith.constant 80 : i32
    %add3A_28 = arith.addi %squeeze3A, %add3A_27 : i32
    %sub3A = arith.constant 1 : i32
    %sub3A_29 = arith.subi %add3A_28, %sub3A : i32
    %jit3A = arith.constant 80 : i32
    %div3A = arith.divsi %sub3A_29, %jit3A : i32
    %sign3A = arith.constant 0 : i32
    %sign3A_30 = arith.cmpi sgt, %sub3A_29, %sign3A : i32
    %sign3A_31 = arith.extui %sign3A_30 : i1 to i32
    %sign3A_32 = arith.constant 0 : i32
    %sign3A_33 = arith.cmpi slt, %sub3A_29, %sign3A_32 : i32
    %sign3A_34 = arith.extui %sign3A_33 : i1 to i32
    %sign3A_35 = arith.subi %sign3A_31, %sign3A_34 : i32
    %sign3A_36 = arith.constant 0 : i32
    %sign3A_37 = arith.cmpi sgt, %jit3A, %sign3A_36 : i32
    %sign3A_38 = arith.extui %sign3A_37 : i1 to i32
    %sign3A_39 = arith.constant 0 : i32
    %sign3A_40 = arith.cmpi slt, %jit3A, %sign3A_39 : i32
    %sign3A_41 = arith.extui %sign3A_40 : i1 to i32
    %sign3A_42 = arith.subi %sign3A_38, %sign3A_41 : i32
    %ne3A = arith.cmpi ne, %sign3A_35, %sign3A_42 : i32
    %rem3A = arith.remsi %sub3A_29, %jit3A : i32
    %ne3A_43 = arith.constant 0 : i32
    %ne3A_44 = arith.cmpi ne, %rem3A, %ne3A_43 : i32
    %and3A = arith.andi %ne3A, %ne3A_44 : i1
    %sub3A_45 = arith.constant 1 : i32
    %sub3A_46 = arith.subi %div3A, %sub3A_45 : i32
    %select_n3A = arith.select %and3A, %sub3A_46, %div3A : i32
    %while3A = arith.constant 0 : i32
    %while3A_47 = arith.constant 0 : i32
    "tpu.trace_start"() <{level = 10 : i32, message = "h2loop"}> : () -> ()
    %while3A_48 = arith.subi %select_n3A, %while3A : i32
    %while3A_49 = arith.addi %while3A, %while3A_48 : i32
    %while3A_50 = arith.constant 1 : i32
    %while3A_51 = arith.divsi %while3A_48, %while3A_50 : i32
    %while3A_52 = arith.muli %while3A_51, %while3A_50 : i32
    %while3A_53 = arith.addi %while3A, %while3A_52 : i32
    %while3A_54 = arith.constant 1 : i32
    %while3A_55 = scf.for %while3A_64 = %while3A to %while3A_53 step %while3A_54 iter_args(%while3A_65 = %while3A_47) -> (i32)  : i32 {
      %mul3A_66 = arith.constant 10240 : i32
      %mul3A_67 = arith.muli %add3A, %mul3A_66 : i32
      %mul3A_68 = arith.constant 80 : i32
      %mul3A_69 = arith.muli %while3A_64, %mul3A_68 : i32
      %add3A_70 = arith.addi %mul3A_67, %mul3A_69 : i32
      %dma_start3A = tpu.memref_slice %arg3[%add3A_70] : memref<327680xi32, #tpu.memory_space<hbm>> -> memref<80xi32, #tpu.memory_space<hbm>>
      %dma_start3A_71 = tpu.memref_slice %arg3[%add3A_70] : memref<327680xi32, #tpu.memory_space<hbm>> -> memref<80xi32, #tpu.memory_space<hbm>>
      tpu.enqueue_dma source(%dma_start3A_71 : memref<80xi32, #tpu.memory_space<hbm>>) target(%arg7 : memref<80xi32, #tpu.memory_space<vmem>>) target_semaphore(%arg21 : memref<!tpu.dma_semaphore, #tpu.memory_space<semaphore_mem>>)
      %mul3A_72 = arith.constant 10240 : i32
      %mul3A_73 = arith.muli %add3A, %mul3A_72 : i32
      %mul3A_74 = arith.constant 80 : i32
      %mul3A_75 = arith.muli %while3A_64, %mul3A_74 : i32
      %add3A_76 = arith.addi %mul3A_73, %mul3A_75 : i32
      %dma_wait3A = tpu.memref_slice %arg3[%add3A_76] : memref<327680xi32, #tpu.memory_space<hbm>> -> memref<80xi32, #tpu.memory_space<hbm>>
      %dma_wait3A_77 = tpu.memref_slice %arg3[%add3A_76] : memref<327680xi32, #tpu.memory_space<hbm>> -> memref<80xi32, #tpu.memory_space<hbm>>
      tpu.wait_dma2 semaphore(%arg21 : memref<!tpu.dma_semaphore, #tpu.memory_space<semaphore_mem>>) src(%dma_wait3A_77 : memref<80xi32, #tpu.memory_space<hbm>>) dst(%arg7 : memref<80xi32, #tpu.memory_space<vmem>>)
      %get3A_78 = arith.constant 0 : index
      %get3A_79 = tpu.vector_load %arg7[%get3A_78] {strides = array<i32>} : memref<80xi32, #tpu.memory_space<vmem>>, vector<16xi32>,
      %shift_right_arithmetic3A = arith.constant 14 : i32
      %shift_right_arithmetic3A_80 = vector.broadcast %shift_right_arithmetic3A : i32 to vector<16xi32>
      %shift_right_arithmetic3A_81 = arith.shrsi %get3A_79, %shift_right_arithmetic3A_80 : vector<16xi32>
      %swap3A = arith.constant 0 : index
      %swap3A_82 = tpu.vector_load %arg10[%swap3A] {strides = array<i32>} : memref<80xi32, #tpu.memory_space<vmem>>, vector<16xi32>,
      tpu.vector_store %arg10[%swap3A], %shift_right_arithmetic3A_81 {strides = array<i32>} : memref<80xi32, #tpu.memory_space<vmem>>, vector<16xi32>,
      %and3A_83 = arith.constant 16383 : i32
      %and3A_84 = vector.broadcast %and3A_83 : i32 to vector<16xi32>
      %and3A_85 = arith.andi %get3A_79, %and3A_84 : vector<16xi32>
      %swap3A_86 = arith.constant 0 : index
      %swap3A_87 = tpu.vector_load %arg13[%swap3A_86] {strides = array<i32>} : memref<80xi32, #tpu.memory_space<vmem>>, vector<16xi32>,
      tpu.vector_store %arg13[%swap3A_86], %and3A_85 {strides = array<i32>} : memref<80xi32, #tpu.memory_space<vmem>>, vector<16xi32>,
      %get3A_88 = arith.constant 16 : index
      %get3A_89 = tpu.vector_load %arg7[%get3A_88] {strides = array<i32>} : memref<80xi32, #tpu.memory_space<vmem>>, vector<16xi32>,
      %shift_right_arithmetic3A_90 = arith.constant 14 : i32
      %shift_right_arithmetic3A_91 = vector.broadcast %shift_right_arithmetic3A_90 : i32 to vector<16xi32>
      %shift_right_arithmetic3A_92 = arith.shrsi %get3A_89, %shift_right_arithmetic3A_91 : vector<16xi32>
      %swap3A_93 = arith.constant 16 : index
      %swap3A_94 = tpu.vector_load %arg10[%swap3A_93] {strides = array<i32>} : memref<80xi32, #tpu.memory_space<vmem>>, vector<16xi32>,
      tpu.vector_store %arg10[%swap3A_93], %shift_right_arithmetic3A_92 {strides = array<i32>} : memref<80xi32, #tpu.memory_space<vmem>>, vector<16xi32>,
      %and3A_95 = arith.constant 16383 : i32
      %and3A_96 = vector.broadcast %and3A_95 : i32 to vector<16xi32>
      %and3A_97 = arith.andi %get3A_89, %and3A_96 : vector<16xi32>
      %swap3A_98 = arith.constant 16 : index
      %swap3A_99 = tpu.vector_load %arg13[%swap3A_98] {strides = array<i32>} : memref<80xi32, #tpu.memory_space<vmem>>, vector<16xi32>,
      tpu.vector_store %arg13[%swap3A_98], %and3A_97 {strides = array<i32>} : memref<80xi32, #tpu.memory_space<vmem>>, vector<16xi32>,
      %get3A_100 = arith.constant 32 : index
      %get3A_101 = tpu.vector_load %arg7[%get3A_100] {strides = array<i32>} : memref<80xi32, #tpu.memory_space<vmem>>, vector<16xi32>,
      %shift_right_arithmetic3A_102 = arith.constant 14 : i32
      %shift_right_arithmetic3A_103 = vector.broadcast %shift_right_arithmetic3A_102 : i32 to vector<16xi32>
      %shift_right_arithmetic3A_104 = arith.shrsi %get3A_101, %shift_right_arithmetic3A_103 : vector<16xi32>
      %swap3A_105 = arith.constant 32 : index
      %swap3A_106 = tpu.vector_load %arg10[%swap3A_105] {strides = array<i32>} : memref<80xi32, #tpu.memory_space<vmem>>, vector<16xi32>,
      tpu.vector_store %arg10[%swap3A_105], %shift_right_arithmetic3A_104 {strides = array<i32>} : memref<80xi32, #tpu.memory_space<vmem>>, vector<16xi32>,
      %and3A_107 = arith.constant 16383 : i32
      %and3A_108 = vector.broadcast %and3A_107 : i32 to vector<16xi32>
      %and3A_109 = arith.andi %get3A_101, %and3A_108 : vector<16xi32>
      %swap3A_110 = arith.constant 32 : index
      %swap3A_111 = tpu.vector_load %arg13[%swap3A_110] {strides = array<i32>} : memref<80xi32, #tpu.memory_space<vmem>>, vector<16xi32>,
      tpu.vector_store %arg13[%swap3A_110], %and3A_109 {strides = array<i32>} : memref<80xi32, #tpu.memory_space<vmem>>, vector<16xi32>,
      %get3A_112 = arith.constant 48 : index
      %get3A_113 = tpu.vector_load %arg7[%get3A_112] {strides = array<i32>} : memref<80xi32, #tpu.memory_space<vmem>>, vector<16xi32>,
      %shift_right_arithmetic3A_114 = arith.constant 14 : i32
      %shift_right_arithmetic3A_115 = vector.broadcast %shift_right_arithmetic3A_114 : i32 to vector<16xi32>
      %shift_right_arithmetic3A_116 = arith.shrsi %get3A_113, %shift_right_arithmetic3A_115 : vector<16xi32>
      %swap3A_117 = arith.constant 48 : index
      %swap3A_118 = tpu.vector_load %arg10[%swap3A_117] {strides = array<i32>} : memref<80xi32, #tpu.memory_space<vmem>>, vector<16xi32>,
      tpu.vector_store %arg10[%swap3A_117], %shift_right_arithmetic3A_116 {strides = array<i32>} : memref<80xi32, #tpu.memory_space<vmem>>, vector<16xi32>,
      %and3A_119 = arith.constant 16383 : i32
      %and3A_120 = vector.broadcast %and3A_119 : i32 to vector<16xi32>
      %and3A_121 = arith.andi %get3A_113, %and3A_120 : vector<16xi32>
      %swap3A_122 = arith.constant 48 : index
      %swap3A_123 = tpu.vector_load %arg13[%swap3A_122] {strides = array<i32>} : memref<80xi32, #tpu.memory_space<vmem>>, vector<16xi32>,
      tpu.vector_store %arg13[%swap3A_122], %and3A_121 {strides = array<i32>} : memref<80xi32, #tpu.memory_space<vmem>>, vector<16xi32>,
      %get3A_124 = arith.constant 64 : index
      %get3A_125 = tpu.vector_load %arg7[%get3A_124] {strides = array<i32>} : memref<80xi32, #tpu.memory_space<vmem>>, vector<16xi32>,
      %shift_right_arithmetic3A_126 = arith.constant 14 : i32
      %shift_right_arithmetic3A_127 = vector.broadcast %shift_right_arithmetic3A_126 : i32 to vector<16xi32>
      %shift_right_arithmetic3A_128 = arith.shrsi %get3A_125, %shift_right_arithmetic3A_127 : vector<16xi32>
      %swap3A_129 = arith.constant 64 : index
      %swap3A_130 = tpu.vector_load %arg10[%swap3A_129] {strides = array<i32>} : memref<80xi32, #tpu.memory_space<vmem>>, vector<16xi32>,
      tpu.vector_store %arg10[%swap3A_129], %shift_right_arithmetic3A_128 {strides = array<i32>} : memref<80xi32, #tpu.memory_space<vmem>>, vector<16xi32>,
      %and3A_131 = arith.constant 16383 : i32
      %and3A_132 = vector.broadcast %and3A_131 : i32 to vector<16xi32>
      %and3A_133 = arith.andi %get3A_125, %and3A_132 : vector<16xi32>
      %swap3A_134 = arith.constant 64 : index
      %swap3A_135 = tpu.vector_load %arg13[%swap3A_134] {strides = array<i32>} : memref<80xi32, #tpu.memory_space<vmem>>, vector<16xi32>,
      tpu.vector_store %arg13[%swap3A_134], %and3A_133 {strides = array<i32>} : memref<80xi32, #tpu.memory_space<vmem>>, vector<16xi32>,
      %dma_start3A_136 = arith.constant 0 : i32
      %dma_start3A_137 = arith.constant 0 : i32
      %dma_start3A_138 = tpu.memref_slice %arg2[%dma_start3A_136, %dma_start3A_137] : memref<10240x128xf32, #tpu.memory_space<hbm>> -> memref<10240x128xf32, #tpu.memory_space<hbm>>
      tpu.enqueue_indirect_dma source(%dma_start3A_138 : memref<10240x128xf32, #tpu.memory_space<hbm>>) target(%arg16 : memref<80x128xf32, #tpu.memory_space<vmem>>) offsets(%arg10 : memref<80xi32, #tpu.memory_space<vmem>>) semaphore(%arg24 : memref<!tpu.dma_semaphore, #tpu.memory_space<semaphore_mem>>)
      %dma_wait3A_139 = arith.constant 0 : i32
      %dma_wait3A_140 = arith.constant 0 : i32
      %dma_wait3A_141 = tpu.memref_slice %arg2[%dma_wait3A_139, %dma_wait3A_140] : memref<10240x128xf32, #tpu.memory_space<hbm>> -> memref<10240x128xf32, #tpu.memory_space<hbm>>
      tpu.wait_indirect_dma semaphore(%arg24 : memref<!tpu.dma_semaphore, #tpu.memory_space<semaphore_mem>>) src(%dma_wait3A_141 : memref<10240x128xf32, #tpu.memory_space<hbm>>) dst(%arg16 : memref<80x128xf32, #tpu.memory_space<vmem>>)
      %dma_start3A_142 = arith.constant 0 : i32
      %dma_start3A_143 = arith.constant 0 : i32
      %dma_start3A_144 = tpu.memref_slice %arg6[%dma_start3A_142, %dma_start3A_143] : memref<10240x128xf32, #tpu.memory_space<vmem_shared>> -> memref<10240x128xf32, #tpu.memory_space<vmem_shared>>
      tpu.enqueue_indirect_dma source(%arg16 : memref<80x128xf32, #tpu.memory_space<vmem>>) target(%dma_start3A_144 : memref<10240x128xf32, #tpu.memory_space<vmem_shared>>) offsets(%arg13 : memref<80xi32, #tpu.memory_space<vmem>>) semaphore(%arg27 : memref<!tpu.dma_semaphore, #tpu.memory_space<semaphore_mem>>) {add = true}
      %dma_wait3A_145 = arith.constant 0 : i32
      %dma_wait3A_146 = arith.constant 0 : i32
      %dma_wait3A_147 = tpu.memref_slice %arg6[%dma_wait3A_145, %dma_wait3A_146] : memref<10240x128xf32, #tpu.memory_space<vmem_shared>> -> memref<10240x128xf32, #tpu.memory_space<vmem_shared>>
      tpu.wait_indirect_dma semaphore(%arg27 : memref<!tpu.dma_semaphore, #tpu.memory_space<semaphore_mem>>) src(%arg16 : memref<80x128xf32, #tpu.memory_space<vmem>>) dst(%dma_wait3A_147 : memref<10240x128xf32, #tpu.memory_space<vmem_shared>>)
      %while3A_148 = arith.constant 0 : i32
      scf.yield %while3A_148 : i32
    }
    %while3A_56 = arith.constant 1 : i32
    %while3A_57 = scf.for %while3A_64 = %while3A_53 to %while3A_49 step %while3A_56 iter_args(%while3A_65 = %while3A_55) -> (i32)  : i32 {
      %mul3A_66 = arith.constant 10240 : i32
      %mul3A_67 = arith.muli %add3A, %mul3A_66 : i32
      %mul3A_68 = arith.constant 80 : i32
      %mul3A_69 = arith.muli %while3A_64, %mul3A_68 : i32
      %add3A_70 = arith.addi %mul3A_67, %mul3A_69 : i32
      %dma_start3A = tpu.memref_slice %arg3[%add3A_70] : memref<327680xi32, #tpu.memory_space<hbm>> -> memref<80xi32, #tpu.memory_space<hbm>>
      %dma_start3A_71 = tpu.memref_slice %arg3[%add3A_70] : memref<327680xi32, #tpu.memory_space<hbm>> -> memref<80xi32, #tpu.memory_space<hbm>>
      tpu.enqueue_dma source(%dma_start3A_71 : memref<80xi32, #tpu.memory_space<hbm>>) target(%arg7 : memref<80xi32, #tpu.memory_space<vmem>>) target_semaphore(%arg21 : memref<!tpu.dma_semaphore, #tpu.memory_space<semaphore_mem>>)
      %mul3A_72 = arith.constant 10240 : i32
      %mul3A_73 = arith.muli %add3A, %mul3A_72 : i32
      %mul3A_74 = arith.constant 80 : i32
      %mul3A_75 = arith.muli %while3A_64, %mul3A_74 : i32
      %add3A_76 = arith.addi %mul3A_73, %mul3A_75 : i32
      %dma_wait3A = tpu.memref_slice %arg3[%add3A_76] : memref<327680xi32, #tpu.memory_space<hbm>> -> memref<80xi32, #tpu.memory_space<hbm>>
      %dma_wait3A_77 = tpu.memref_slice %arg3[%add3A_76] : memref<327680xi32, #tpu.memory_space<hbm>> -> memref<80xi32, #tpu.memory_space<hbm>>
      tpu.wait_dma2 semaphore(%arg21 : memref<!tpu.dma_semaphore, #tpu.memory_space<semaphore_mem>>) src(%dma_wait3A_77 : memref<80xi32, #tpu.memory_space<hbm>>) dst(%arg7 : memref<80xi32, #tpu.memory_space<vmem>>)
      %get3A_78 = arith.constant 0 : index
      %get3A_79 = tpu.vector_load %arg7[%get3A_78] {strides = array<i32>} : memref<80xi32, #tpu.memory_space<vmem>>, vector<16xi32>,
      %shift_right_arithmetic3A = arith.constant 14 : i32
      %shift_right_arithmetic3A_80 = vector.broadcast %shift_right_arithmetic3A : i32 to vector<16xi32>
      %shift_right_arithmetic3A_81 = arith.shrsi %get3A_79, %shift_right_arithmetic3A_80 : vector<16xi32>
      %swap3A = arith.constant 0 : index
      %swap3A_82 = tpu.vector_load %arg10[%swap3A] {strides = array<i32>} : memref<80xi32, #tpu.memory_space<vmem>>, vector<16xi32>,
      tpu.vector_store %arg10[%swap3A], %shift_right_arithmetic3A_81 {strides = array<i32>} : memref<80xi32, #tpu.memory_space<vmem>>, vector<16xi32>,
      %and3A_83 = arith.constant 16383 : i32
      %and3A_84 = vector.broadcast %and3A_83 : i32 to vector<16xi32>
      %and3A_85 = arith.andi %get3A_79, %and3A_84 : vector<16xi32>
      %swap3A_86 = arith.constant 0 : index
      %swap3A_87 = tpu.vector_load %arg13[%swap3A_86] {strides = array<i32>} : memref<80xi32, #tpu.memory_space<vmem>>, vector<16xi32>,
      tpu.vector_store %arg13[%swap3A_86], %and3A_85 {strides = array<i32>} : memref<80xi32, #tpu.memory_space<vmem>>, vector<16xi32>,
      %get3A_88 = arith.constant 16 : index
      %get3A_89 = tpu.vector_load %arg7[%get3A_88] {strides = array<i32>} : memref<80xi32, #tpu.memory_space<vmem>>, vector<16xi32>,
      %shift_right_arithmetic3A_90 = arith.constant 14 : i32
      %shift_right_arithmetic3A_91 = vector.broadcast %shift_right_arithmetic3A_90 : i32 to vector<16xi32>
      %shift_right_arithmetic3A_92 = arith.shrsi %get3A_89, %shift_right_arithmetic3A_91 : vector<16xi32>
      %swap3A_93 = arith.constant 16 : index
      %swap3A_94 = tpu.vector_load %arg10[%swap3A_93] {strides = array<i32>} : memref<80xi32, #tpu.memory_space<vmem>>, vector<16xi32>,
      tpu.vector_store %arg10[%swap3A_93], %shift_right_arithmetic3A_92 {strides = array<i32>} : memref<80xi32, #tpu.memory_space<vmem>>, vector<16xi32>,
      %and3A_95 = arith.constant 16383 : i32
      %and3A_96 = vector.broadcast %and3A_95 : i32 to vector<16xi32>
      %and3A_97 = arith.andi %get3A_89, %and3A_96 : vector<16xi32>
      %swap3A_98 = arith.constant 16 : index
      %swap3A_99 = tpu.vector_load %arg13[%swap3A_98] {strides = array<i32>} : memref<80xi32, #tpu.memory_space<vmem>>, vector<16xi32>,
      tpu.vector_store %arg13[%swap3A_98], %and3A_97 {strides = array<i32>} : memref<80xi32, #tpu.memory_space<vmem>>, vector<16xi32>,
      %get3A_100 = arith.constant 32 : index
      %get3A_101 = tpu.vector_load %arg7[%get3A_100] {strides = array<i32>} : memref<80xi32, #tpu.memory_space<vmem>>, vector<16xi32>,
      %shift_right_arithmetic3A_102 = arith.constant 14 : i32
      %shift_right_arithmetic3A_103 = vector.broadcast %shift_right_arithmetic3A_102 : i32 to vector<16xi32>
      %shift_right_arithmetic3A_104 = arith.shrsi %get3A_101, %shift_right_arithmetic3A_103 : vector<16xi32>
      %swap3A_105 = arith.constant 32 : index
      %swap3A_106 = tpu.vector_load %arg10[%swap3A_105] {strides = array<i32>} : memref<80xi32, #tpu.memory_space<vmem>>, vector<16xi32>,
      tpu.vector_store %arg10[%swap3A_105], %shift_right_arithmetic3A_104 {strides = array<i32>} : memref<80xi32, #tpu.memory_space<vmem>>, vector<16xi32>,
      %and3A_107 = arith.constant 16383 : i32
      %and3A_108 = vector.broadcast %and3A_107 : i32 to vector<16xi32>
      %and3A_109 = arith.andi %get3A_101, %and3A_108 : vector<16xi32>
      %swap3A_110 = arith.constant 32 : index
      %swap3A_111 = tpu.vector_load %arg13[%swap3A_110] {strides = array<i32>} : memref<80xi32, #tpu.memory_space<vmem>>, vector<16xi32>,
      tpu.vector_store %arg13[%swap3A_110], %and3A_109 {strides = array<i32>} : memref<80xi32, #tpu.memory_space<vmem>>, vector<16xi32>,
      %get3A_112 = arith.constant 48 : index
      %get3A_113 = tpu.vector_load %arg7[%get3A_112] {strides = array<i32>} : memref<80xi32, #tpu.memory_space<vmem>>, vector<16xi32>,
      %shift_right_arithmetic3A_114 = arith.constant 14 : i32
      %shift_right_arithmetic3A_115 = vector.broadcast %shift_right_arithmetic3A_114 : i32 to vector<16xi32>
      %shift_right_arithmetic3A_116 = arith.shrsi %get3A_113, %shift_right_arithmetic3A_115 : vector<16xi32>
      %swap3A_117 = arith.constant 48 : index
      %swap3A_118 = tpu.vector_load %arg10[%swap3A_117] {strides = array<i32>} : memref<80xi32, #tpu.memory_space<vmem>>, vector<16xi32>,
      tpu.vector_store %arg10[%swap3A_117], %shift_right_arithmetic3A_116 {strides = array<i32>} : memref<80xi32, #tpu.memory_space<vmem>>, vector<16xi32>,
      %and3A_119 = arith.constant 16383 : i32
      %and3A_120 = vector.broadcast %and3A_119 : i32 to vector<16xi32>
      %and3A_121 = arith.andi %get3A_113, %and3A_120 : vector<16xi32>
      %swap3A_122 = arith.constant 48 : index
      %swap3A_123 = tpu.vector_load %arg13[%swap3A_122] {strides = array<i32>} : memref<80xi32, #tpu.memory_space<vmem>>, vector<16xi32>,
      tpu.vector_store %arg13[%swap3A_122], %and3A_121 {strides = array<i32>} : memref<80xi32, #tpu.memory_space<vmem>>, vector<16xi32>,
      %get3A_124 = arith.constant 64 : index
      %get3A_125 = tpu.vector_load %arg7[%get3A_124] {strides = array<i32>} : memref<80xi32, #tpu.memory_space<vmem>>, vector<16xi32>,
      %shift_right_arithmetic3A_126 = arith.constant 14 : i32
      %shift_right_arithmetic3A_127 = vector.broadcast %shift_right_arithmetic3A_126 : i32 to vector<16xi32>
      %shift_right_arithmetic3A_128 = arith.shrsi %get3A_125, %shift_right_arithmetic3A_127 : vector<16xi32>
      %swap3A_129 = arith.constant 64 : index
      %swap3A_130 = tpu.vector_load %arg10[%swap3A_129] {strides = array<i32>} : memref<80xi32, #tpu.memory_space<vmem>>, vector<16xi32>,
      tpu.vector_store %arg10[%swap3A_129], %shift_right_arithmetic3A_128 {strides = array<i32>} : memref<80xi32, #tpu.memory_space<vmem>>, vector<16xi32>,
      %and3A_131 = arith.constant 16383 : i32
      %and3A_132 = vector.broadcast %and3A_131 : i32 to vector<16xi32>
      %and3A_133 = arith.andi %get3A_125, %and3A_132 : vector<16xi32>
      %swap3A_134 = arith.constant 64 : index
      %swap3A_135 = tpu.vector_load %arg13[%swap3A_134] {strides = array<i32>} : memref<80xi32, #tpu.memory_space<vmem>>, vector<16xi32>,
      tpu.vector_store %arg13[%swap3A_134], %and3A_133 {strides = array<i32>} : memref<80xi32, #tpu.memory_space<vmem>>, vector<16xi32>,
      %dma_start3A_136 = arith.constant 0 : i32
      %dma_start3A_137 = arith.constant 0 : i32
      %dma_start3A_138 = tpu.memref_slice %arg2[%dma_start3A_136, %dma_start3A_137] : memref<10240x128xf32, #tpu.memory_space<hbm>> -> memref<10240x128xf32, #tpu.memory_space<hbm>>
      tpu.enqueue_indirect_dma source(%dma_start3A_138 : memref<10240x128xf32, #tpu.memory_space<hbm>>) target(%arg16 : memref<80x128xf32, #tpu.memory_space<vmem>>) offsets(%arg10 : memref<80xi32, #tpu.memory_space<vmem>>) semaphore(%arg24 : memref<!tpu.dma_semaphore, #tpu.memory_space<semaphore_mem>>)
      %dma_wait3A_139 = arith.constant 0 : i32
      %dma_wait3A_140 = arith.constant 0 : i32
      %dma_wait3A_141 = tpu.memref_slice %arg2[%dma_wait3A_139, %dma_wait3A_140] : memref<10240x128xf32, #tpu.memory_space<hbm>> -> memref<10240x128xf32, #tpu.memory_space<hbm>>
      tpu.wait_indirect_dma semaphore(%arg24 : memref<!tpu.dma_semaphore, #tpu.memory_space<semaphore_mem>>) src(%dma_wait3A_141 : memref<10240x128xf32, #tpu.memory_space<hbm>>) dst(%arg16 : memref<80x128xf32, #tpu.memory_space<vmem>>)
      %dma_start3A_142 = arith.constant 0 : i32
      %dma_start3A_143 = arith.constant 0 : i32
      %dma_start3A_144 = tpu.memref_slice %arg6[%dma_start3A_142, %dma_start3A_143] : memref<10240x128xf32, #tpu.memory_space<vmem_shared>> -> memref<10240x128xf32, #tpu.memory_space<vmem_shared>>
      tpu.enqueue_indirect_dma source(%arg16 : memref<80x128xf32, #tpu.memory_space<vmem>>) target(%dma_start3A_144 : memref<10240x128xf32, #tpu.memory_space<vmem_shared>>) offsets(%arg13 : memref<80xi32, #tpu.memory_space<vmem>>) semaphore(%arg27 : memref<!tpu.dma_semaphore, #tpu.memory_space<semaphore_mem>>) {add = true}
      %dma_wait3A_145 = arith.constant 0 : i32
      %dma_wait3A_146 = arith.constant 0 : i32
      %dma_wait3A_147 = tpu.memref_slice %arg6[%dma_wait3A_145, %dma_wait3A_146] : memref<10240x128xf32, #tpu.memory_space<vmem_shared>> -> memref<10240x128xf32, #tpu.memory_space<vmem_shared>>
      tpu.wait_indirect_dma semaphore(%arg27 : memref<!tpu.dma_semaphore, #tpu.memory_space<semaphore_mem>>) src(%arg16 : memref<80x128xf32, #tpu.memory_space<vmem>>) dst(%dma_wait3A_147 : memref<10240x128xf32, #tpu.memory_space<vmem_shared>>)
      %while3A_148 = arith.constant 0 : i32
      scf.yield %while3A_148 : i32
    }
    "tpu.trace_stop"() : () -> ()
    "tpu.trace_start"() <{level = 10 : i32, message = "h2wout"}> : () -> ()
    %barrier3A_58 = arith.constant 0 : index
    tpu.barrier barrier_id(%barrier3A_58)
    %mul3A_59 = arith.constant 640 : i32
    %mul3A_60 = arith.muli %arg1, %mul3A_59 : i32
    %mul3A_61 = arith.constant 10240 : i32
    %mul3A_62 = arith.muli %arg0, %mul3A_61 : i32
    %add3A_63 = arith.addi %mul3A_62, %mul3A_60 : i32
    "tpu.region"() ({
      %run_scoped3A = tpu.sem_alloc : memref<!tpu.dma_semaphore, #tpu.memory_space<semaphore_mem>>
      %dma_start3A = arith.constant 0 : i32
      %dma_start3A_64 = tpu.memref_slice %arg5[%add3A_63, %dma_start3A] : memref<20480x128xf32, #tpu.memory_space<hbm>> -> memref<640x128xf32, #tpu.memory_space<hbm>>
      %dma_start3A_65 = arith.constant 0 : i32
      %dma_start3A_66 = tpu.memref_slice %arg6[%mul3A_60, %dma_start3A_65] : memref<10240x128xf32, #tpu.memory_space<vmem_shared>> -> memref<640x128xf32, #tpu.memory_space<vmem_shared>>
      tpu.enqueue_dma source(%dma_start3A_66 : memref<640x128xf32, #tpu.memory_space<vmem_shared>>) target(%dma_start3A_64 : memref<640x128xf32, #tpu.memory_space<hbm>>) target_semaphore(%run_scoped3A : memref<!tpu.dma_semaphore, #tpu.memory_space<semaphore_mem>>)
      %dma_wait3A = arith.constant 0 : i32
      %dma_wait3A_67 = tpu.memref_slice %arg5[%add3A_63, %dma_wait3A] : memref<20480x128xf32, #tpu.memory_space<hbm>> -> memref<640x128xf32, #tpu.memory_space<hbm>>
      %dma_wait3A_68 = arith.constant 0 : i32
      %dma_wait3A_69 = tpu.memref_slice %arg6[%mul3A_60, %dma_wait3A_68] : memref<10240x128xf32, #tpu.memory_space<vmem_shared>> -> memref<640x128xf32, #tpu.memory_space<vmem_shared>>
      tpu.wait_dma2 semaphore(%run_scoped3A : memref<!tpu.dma_semaphore, #tpu.memory_space<semaphore_mem>>) src(%dma_wait3A_69 : memref<640x128xf32, #tpu.memory_space<vmem_shared>>) dst(%dma_wait3A_67 : memref<640x128xf32, #tpu.memory_space<hbm>>)
      tpu.yield
    }) : () -> ()
    "tpu.trace_stop"() : () -> ()
    return
  }
}

module attributes {stable_mosaic.version = 14 : i64} {
  func.func @_add_tc(%arg0: memref<10240x128xf32, #tpu.memory_space<vmem>>, %arg1: memref<10240x128xf32, #tpu.memory_space<vmem>>, %arg2: memref<10240x128xf32, #tpu.memory_space<vmem>>) attributes {dimension_semantics = [], scalar_prefetch = 0 : i64, scratch_operands = 0 : i64, tpu.core_type = #tpu.core_type<tc>} {
    %get3A = arith.constant 0 : index
    %get3A_0 = arith.constant 0 : index
    %get3A_1 = vector.load %arg0[%get3A, %get3A_0] : memref<10240x128xf32, #tpu.memory_space<vmem>>, vector<10240x128xf32>
    %get3A_2 = arith.constant 0 : index
    %get3A_3 = arith.constant 0 : index
    %get3A_4 = vector.load %arg1[%get3A_2, %get3A_3] : memref<10240x128xf32, #tpu.memory_space<vmem>>, vector<10240x128xf32>
    %add3A = arith.addf %get3A_1, %get3A_4 : vector<10240x128xf32>
    %swap3A = arith.constant 0 : index
    %swap3A_5 = arith.constant 0 : index
    %swap3A_6 = vector.load %arg2[%swap3A, %swap3A_5] : memref<10240x128xf32, #tpu.memory_space<vmem>>, vector<10240x128xf32>
    tpu.vector_store %arg2[%swap3A, %swap3A_5], %add3A {strides = array<i32>} : memref<10240x128xf32, #tpu.memory_space<vmem>>, vector<10240x128xf32>,
    return
  }
}

module attributes {stable_mosaic.version = 14 : i64} {
  func.func @_prep_tc(%arg0: memref<10000x128xf32, #tpu.memory_space<vmem>>, %arg1: memref<1x128xf32, #tpu.memory_space<vmem>>, %arg2: memref<2500x128xi32, #tpu.memory_space<vmem>>, %arg3: memref<2500x128xi32, #tpu.memory_space<vmem>>, %arg4: memref<2500x128xi32, #tpu.memory_space<vmem>>, %arg5: memref<10000x128xf32, #tpu.memory_space<vmem>>, %arg6: memref<2500x128xi32, #tpu.memory_space<vmem>>, %arg7: memref<2500x128xi32, #tpu.memory_space<vmem>>) attributes {dimension_semantics = [], scalar_prefetch = 0 : i64, scratch_operands = 0 : i64, tpu.core_type = #tpu.core_type<tc>} {
    %get3A = arith.constant 0 : index
    %get3A_0 = arith.constant 0 : index
    %get3A_1 = vector.load %arg0[%get3A, %get3A_0] : memref<10000x128xf32, #tpu.memory_space<vmem>>, vector<10000x128xf32>
    %get3A_2 = arith.constant 0 : index
    %get3A_3 = arith.constant 0 : index
    %get3A_4 = vector.load %arg1[%get3A_2, %get3A_3] : memref<1x128xf32, #tpu.memory_space<vmem>>, vector<1x128xf32>
    %mul3A = vector.broadcast %get3A_4 : vector<1x128xf32> to vector<10000x128xf32>
    %mul3A_5 = arith.mulf %get3A_1, %mul3A : vector<10000x128xf32>
    %gt3A = arith.constant 0.000000e+00 : f32
    %gt3A_6 = vector.broadcast %gt3A : f32 to vector<10000x128xf32>
    %gt3A_7 = arith.cmpf ogt, %mul3A_5, %gt3A_6 : vector<10000x128xf32>
    %exp3A = math.exp %mul3A_5 : vector<10000x128xf32>
    %sub3A = arith.constant 1.000000e+00 : f32
    %sub3A_8 = vector.broadcast %sub3A : f32 to vector<10000x128xf32>
    %sub3A_9 = arith.subf %exp3A, %sub3A_8 : vector<10000x128xf32>
    %select_n3A = arith.select %gt3A_7, %mul3A_5, %sub3A_9 : vector<10000x128xi1>, vector<10000x128xf32>
    %swap3A = arith.constant 0 : index
    %swap3A_10 = arith.constant 0 : index
    %swap3A_11 = vector.load %arg5[%swap3A, %swap3A_10] : memref<10000x128xf32, #tpu.memory_space<vmem>>, vector<10000x128xf32>
    tpu.vector_store %arg5[%swap3A, %swap3A_10], %select_n3A {strides = array<i32>} : memref<10000x128xf32, #tpu.memory_space<vmem>>, vector<10000x128xf32>,
    %get3A_12 = arith.constant 0 : index
    %get3A_13 = arith.constant 0 : index
    %get3A_14 = vector.load %arg4[%get3A_12, %get3A_13] : memref<2500x128xi32, #tpu.memory_space<vmem>>, vector<2500x128xi32>
    %get3A_15 = arith.constant 0 : index
    %get3A_16 = arith.constant 0 : index
    %get3A_17 = vector.load %arg2[%get3A_15, %get3A_16] : memref<2500x128xi32, #tpu.memory_space<vmem>>, vector<2500x128xi32>
    %get3A_18 = arith.constant 0 : index
    %get3A_19 = arith.constant 0 : index
    %get3A_20 = vector.load %arg3[%get3A_18, %get3A_19] : memref<2500x128xi32, #tpu.memory_space<vmem>>, vector<2500x128xi32>
    %eq3A = arith.constant 0 : i32
    %eq3A_21 = vector.broadcast %eq3A : i32 to vector<2500x128xi32>
    %eq3A_22 = arith.cmpi eq, %get3A_14, %eq3A_21 : vector<2500x128xi32>
    %eq3A_23 = arith.constant 4 : i32
    %eq3A_24 = vector.broadcast %eq3A_23 : i32 to vector<2500x128xi32>
    %eq3A_25 = arith.cmpi eq, %get3A_14, %eq3A_24 : vector<2500x128xi32>
    %or3A = arith.ori %eq3A_22, %eq3A_25 : vector<2500x128xi1>
    %eq3A_26 = arith.constant 5 : i32
    %eq3A_27 = vector.broadcast %eq3A_26 : i32 to vector<2500x128xi32>
    %eq3A_28 = arith.cmpi eq, %get3A_14, %eq3A_27 : vector<2500x128xi32>
    %or3A_29 = arith.ori %or3A, %eq3A_28 : vector<2500x128xi1>
    %jit3A = arith.constant 10000 : i32
    %broadcast_in_dim3A = vector.broadcast %jit3A : i32 to vector<2500x128xi32>
    %select_n3A_30 = arith.select %or3A_29, %get3A_20, %broadcast_in_dim3A : vector<2500x128xi1>, vector<2500x128xi32>
    %swap3A_31 = arith.constant 0 : index
    %swap3A_32 = arith.constant 0 : index
    %swap3A_33 = vector.load %arg6[%swap3A_31, %swap3A_32] : memref<2500x128xi32, #tpu.memory_space<vmem>>, vector<2500x128xi32>
    tpu.vector_store %arg6[%swap3A_31, %swap3A_32], %select_n3A_30 {strides = array<i32>} : memref<2500x128xi32, #tpu.memory_space<vmem>>, vector<2500x128xi32>,
    %eq3A_34 = arith.constant 3 : i32
    %eq3A_35 = vector.broadcast %eq3A_34 : i32 to vector<2500x128xi32>
    %eq3A_36 = arith.cmpi eq, %get3A_14, %eq3A_35 : vector<2500x128xi32>
    %mul3A_37 = arith.constant 16384 : i32
    %mul3A_38 = vector.broadcast %mul3A_37 : i32 to vector<2500x128xi32>
    %mul3A_39 = arith.muli %get3A_17, %mul3A_38 : vector<2500x128xi32>
    %add3A = arith.addi %mul3A_39, %get3A_20 : vector<2500x128xi32>
    %jit3A_40 = arith.constant 2147483647 : i32
    %broadcast_in_dim3A_41 = vector.broadcast %jit3A_40 : i32 to vector<2500x128xi32>
    %select_n3A_42 = arith.select %eq3A_36, %add3A, %broadcast_in_dim3A_41 : vector<2500x128xi1>, vector<2500x128xi32>
    %swap3A_43 = arith.constant 0 : index
    %swap3A_44 = arith.constant 0 : index
    %swap3A_45 = vector.load %arg7[%swap3A_43, %swap3A_44] : memref<2500x128xi32, #tpu.memory_space<vmem>>, vector<2500x128xi32>
    tpu.vector_store %arg7[%swap3A_43, %swap3A_44], %select_n3A_42 {strides = array<i32>} : memref<2500x128xi32, #tpu.memory_space<vmem>>, vector<2500x128xi32>,
    return
  }
}

module attributes {stable_mosaic.version = 14 : i64} {
  func.func @_add_tc(%arg0: memref<10000x128xf32, #tpu.memory_space<vmem>>, %arg1: memref<10000x128xf32, #tpu.memory_space<vmem>>, %arg2: memref<10000x128xf32, #tpu.memory_space<vmem>>) attributes {dimension_semantics = [], scalar_prefetch = 0 : i64, scratch_operands = 0 : i64, tpu.core_type = #tpu.core_type<tc>} {
    %get3A = arith.constant 0 : index
    %get3A_0 = arith.constant 0 : index
    %get3A_1 = vector.load %arg0[%get3A, %get3A_0] : memref<10000x128xf32, #tpu.memory_space<vmem>>, vector<10000x128xf32>
    %get3A_2 = arith.constant 0 : index
    %get3A_3 = arith.constant 0 : index
    %get3A_4 = vector.load %arg1[%get3A_2, %get3A_3] : memref<10000x128xf32, #tpu.memory_space<vmem>>, vector<10000x128xf32>
    %add3A = arith.addf %get3A_1, %get3A_4 : vector<10000x128xf32>
    %swap3A = arith.constant 0 : index
    %swap3A_5 = arith.constant 0 : index
    %swap3A_6 = vector.load %arg2[%swap3A, %swap3A_5] : memref<10000x128xf32, #tpu.memory_space<vmem>>, vector<10000x128xf32>
    tpu.vector_store %arg2[%swap3A, %swap3A_5], %add3A {strides = array<i32>} : memref<10000x128xf32, #tpu.memory_space<vmem>>, vector<10000x128xf32>,
    return
  }
}

</mosaic_0001>

<sc_bundles>
// kernel: kernel.10.cloned.1.call-start
scs
__scs_entry_jumppad:
0x0: {  	(pc) =	sbr.rel $0x88, $3  }
0x1: {  	(tag) =	ssettag $0x0;
	lr =	simm.s32 $0x1  }
0x2: {  	[smem:$0x3F9D] =	sst lr;
	_ =	strace $0xD0000000  }
0x3: {  	_ = 	snop  }
0x4: {  	_ = 	snop  }
0x5: {  	_ = 	snop  }
0x6: {  	_ = 	snop  }
0x7: {  	_ = 	snop  }
__scs_overlays_trampoline_lowered:
0x8: {  	[smem:$0x3FAC] =	sst s0  }
0x9: {  	[smem:$0x3FAD] =	sst s1  }
0xa: {  	[smem:$0x3FAE] =	sst s2  }
0xb: {  	[smem:$0x3FAF] =	sst s3  }
0xc: {  	[smem:$0x3FB0] =	sst s4  }
0xd: {  	[smem:$0x3FB1] =	sst s5  }
0xe: {  	[smem:$0x3FB2] =	sst s6  }
0xf: {  	[smem:$0x3FB3] =	sst s7  }
0x10: {  	[smem:$0x3FB4] =	sst s8  }
0x11: {  	[smem:$0x3FB5] =	sst s9;
	s0 =	simm.s32 @!p0 $0x0  }
0x12: {  	s1 =	sld [smem:$0x3F9B];
	s0 =	simm.s32 @p0 $0x1  }
0x13: {  	[smem:$0x3FB6] =	sst s0;
	s0 =	simm.s32 @!p1 $0x0  }
0x14: {  	s2 =	sld [smem:$0x3F9A];
	s0 =	simm.s32 @p1 $0x1  }
0x15: {  	[smem:$0x3FB7] =	sst s0;
	s0 =	simm.s32 @!p2 $0x0  }
0x16: {  	s3 =	sld [smem:$0x3FDB];
	s0 =	simm.s32 @p2 $0x1  }
0x17: {  	s4 =	simm.s32 $0x1BF5;
	[smem:$0x3FB9] =	sst s0  }
0x18: {  	s0 =	sld [smem:$0x3F9C];
	_ =	swait.ge [sflag:s4], $0x0  }
0x19: {  	s7 =	sld [smem:$0x3F9D]  }
0x1a: {  	s8 =	sadd.s32 $0xFFFFE003, lr  }
0x1b: {  	s9 =	sadd.s32 $0xFFFFFEF7, lr;
	s5 =	simm.s32 $0xFFFFFFFF;
	p2 =	slt.u32 s8, $0xFFFFF086  }
0x1c: {  	p1 =	slt.u32 s9, $0xF7A;
	s5 =	simm.s32 @!p2 $0x0  }
0x1d: {  	s5 =	simm.s32 @p1 $0x1;
	p0 =	seq.s32 s7, s2  }
0x1e: {  	s7 =	smul.u32 @!p0 $0xF7A, s2;
	p2 =	seq.s32 @!p0 s5, $0x0  }
0x1f: {  	s9 =	smul.u32 $0xF7A, s1;
	s8 =	simm.s32 @!p0 $0x1BF5;
	p2 =	por !p2, p0  }
0x20: {  	[sflag:s8] =	ssyncset.s32 @!p0 $0xFFFFF086;
	s6 =	sadd.s32 @!p0 s3, s7;
	s7 =	simm.s32 @!p0 $0x108  }
0x21: {  	s3 =	sadd.s32 s3, s9;
	s6 =	sadd.s32 @!p0 $0x88, s6;
	s7 =	simm.s32 @p2 $0x1082  }
0x22: {  	[simem:s7], [sflag:s8] =	dma.local @!p0 [hbm:s6], $0xF7A  }
0x23: {  	s9 =	sor.u32 $0xD0000000, s2;
	s6 =	simm.s32 $0x108;
	_ =	swait.ge @!p0 [sflag:s8], $0x0  }
0x24: {  	s3 =	sadd.s32 $0x88, s3;
	s6 =	simm.s32 @!p1 $0x1082;
	[sflag:s4] =	ssyncset.s32 $0xFFFFF086  }
0x25: {  	[simem:s6], [sflag:s4] =	dma.local [hbm:s3], $0xF7A  }
0x26: {  	[smem:$0x3F9D] =	sst s1;
	(tag) =	ssettag s2;
	_ =	strace s9  }
0x27: {  	s1 =	sld [smem:$0x3FAD]  }
0x28: {  	s2 =	sld [smem:$0x3FAE]  }
0x29: {  	s4 =	sld [smem:$0x3FB0]  }
0x2a: {  	p0 =	seq.s32 s5, $0x0;
	s5 =	sld [smem:$0x3FB1]  }
0x2b: {  	s6 =	sld [smem:$0x3FB2]  }
0x2c: {  	s7 =	sld [smem:$0x3FB3]  }
0x2d: {  	s3 =	simm.s32 $0x108;
	s8 =	sld [smem:$0x3FB4]  }
0x2e: {  	s3 =	simm.s32 @!p0 $0x1082;
	s9 =	sld [smem:$0x3FB5]  }
0x2f: {  	lr =	sadd.s32 s0, s3;
	s0 =	sld [smem:$0x3FAC]  }
0x30: {  	s3 =	sld [smem:$0x3FAF]  }
0x31: {  	[smem:$0x3FB8] =	sst s10  }
0x32: {  	s10 =	sld [smem:$0x3FB6];
	_ =	sdelay $0x3  }
0x33: {  	p0 =	seq.s32 s10, $0x1;
	s10 =	sld [smem:$0x3FB8];
	_ =	sdelay $0x3  }
0x34: {  	[smem:$0x3FB8] =	sst s10  }
0x35: {  	s10 =	sld [smem:$0x3FB7];
	_ =	sdelay $0x3  }
0x36: {  	p1 =	seq.s32 s10, $0x1;
	s10 =	sld [smem:$0x3FB8];
	_ =	sdelay $0x3  }
0x37: {  	[smem:$0x3FB8] =	sst s10  }
0x38: {  	s10 =	sld [smem:$0x3FB9]  }
0x39: {  	_ = 	snop;
	(pc) =	sbr.ind lr, $3  }
0x3a: {  	_ = 	snop  }
0x3b: {  	_ = 	snop  }
0x3c: {  	p2 =	seq.s32 s10, $0x1;
	s10 =	sld [smem:$0x3FB8]  }
0x3d: {  	_ =	shalt  }
0x3e: {  	_ =	shalt  }
0x3f: {  	_ =	shalt  }
0x40: {  	_ =	shalt  }
0x41: {  	_ =	shalt  }
0x42: {  	_ =	shalt  }
0x43: {  	_ =	shalt  }
0x44: {  	_ =	shalt  }
0x45: {  	_ =	shalt  }
0x46: {  	_ =	shalt  }
0x47: {  	_ =	shalt  }
0x48: {  	_ =	shalt  }
0x49: {  	_ =	shalt  }
0x4a: {  	_ =	shalt  }
0x4b: {  	_ =	shalt  }
0x4c: {  	_ =	shalt  }
0x4d: {  	_ =	shalt  }
0x4e: {  	_ =	shalt  }
0x4f: {  	_ =	shalt  }
0x50: {  	_ =	shalt  }
0x51: {  	_ =	shalt  }
0x52: {  	_ =	shalt  }
0x53: {  	_ =	shalt  }
0x54: {  	_ =	shalt  }
0x55: {  	_ =	shalt  }
0x56: {  	_ =	shalt  }
0x57: {  	_ =	shalt  }
0x58: {  	_ =	shalt  }
0x59: {  	_ =	shalt  }
0x5a: {  	_ =	shalt  }
0x5b: {  	_ =	shalt  }
0x5c: {  	_ =	shalt  }
0x5d: {  	_ =	shalt  }
0x5e: {  	_ =	shalt  }
0x5f: {  	_ =	shalt  }
0x60: {  	_ =	shalt  }
0x61: {  	_ =	shalt  }
0x62: {  	_ =	shalt  }
0x63: {  	_ =	shalt  }
0x64: {  	_ =	shalt  }
0x65: {  	_ =	shalt  }
0x66: {  	_ =	shalt  }
0x67: {  	_ =	shalt  }
0x68: {  	_ =	shalt  }
0x69: {  	_ =	shalt  }
0x6a: {  	_ =	shalt  }
0x6b: {  	_ =	shalt  }
0x6c: {  	_ =	shalt  }
0x6d: {  	_ =	shalt  }
0x6e: {  	_ =	shalt  }
0x6f: {  	_ =	shalt  }
0x70: {  	_ =	shalt  }
0x71: {  	_ =	shalt  }
0x72: {  	_ =	shalt  }
0x73: {  	_ =	shalt  }
0x74: {  	_ =	shalt  }
0x75: {  	_ =	shalt  }
0x76: {  	_ =	shalt  }
0x77: {  	_ =	shalt  }
0x78: {  	_ =	shalt  }
0x79: {  	_ =	shalt  }
0x7a: {  	_ =	shalt  }
0x7b: {  	_ =	shalt  }
0x7c: {  	_ =	shalt  }
0x7d: {  	_ =	shalt  }
0x7e: {  	_ =	shalt  }
0x7f: {  	_ =	shalt  }
0x80: {  	_ =	shalt  }
0x81: {  	_ =	shalt  }
0x82: {  	_ =	shalt  }
0x83: {  	_ =	shalt  }
0x84: {  	_ =	shalt  }
0x85: {  	_ =	shalt  }
0x86: {  	_ =	shalt  }
0x87: {  	_ =	shalt  }
.Lfunc_end0:
.L_simem_size_0:
called_computation.1_lowered:
.L_overlay_start_0:
0x88: {  	s2 =	sld [smem:$0x3FD9]  }
0x89: {  	s3 =	sld [smem:$0x3FFE];
	_ =	sdelay $0x1  }
0x8a: {  	s1 =	srdreg.scid  }
0x8b: {  	s0 =	sand.u32 $0x1, s1  }
0x8c: {  	s16 =	sshll.u32 s0, $0xA;
	s2 =	sadd.s32 s3, s2  }
0x8d: {  	s2 =	sadd.s32 s2, s16  }
0x8e: {  	[smem:$0x3FC4] =	sst s2  }
0x8f: {  	_ = 	snop  }
0x90: {  	(tm) =	ssettm $0x1  }
0x91: {  	s17 =	sld [smem:$0x3FFB];
	_ =	sdelay $0x3  }
0x92: {  	_ =	strace s17  }
0x93: {  	s2 =	sld [smem:$0x3FFC];
	_ =	sdelay $0x3  }
0x94: {  	_ =	strace s2  }
0x95: {  	s2 =	sld [smem:$0x3FFD];
	_ =	sdelay $0x3  }
0x96: {  	_ =	strace s2  }
0x97: {  	_ =	strace $0x8FFFFFFF  }
0x98: {  	s18 =	sld [smem:$0x3FDB];
	_ =	sdelay $0x1  }
0x99: {  	s19 =	simm.s32 $_scs_section_size  }
0x9a: {  	s4 =	simm.s32 $_size__tile_overlayer_lowered;
	s5 =	simm.s32 $_tile_overlayer_lowered  }
0x9b: {  	s22 =	simm.s32 $0x1BFF;
	s21 =	sshll.u32 s5, $0x1;
	s2 =	sadd.s32 s19, s18  }
0x9c: {  	s6 =	simm.s32 $0x0;
	s20 =	sshll.u32 s4, $0x1;
	s4 =	sadd.s32 s21, s2  }
0x9d: {  	[timem:s6], [sflag:s22] =	dma.local [hbm:s4], s20  }
0x9e: {  	_ =	swait.ge [sflag:s22], s20  }
0x9f: {  	s3 =	ssub.s32 $0x0, s20;
	[sflag:s22] =	ssyncset.done $0x0  }
0xa0: {  	[sflag:s22] =	ssyncadd.s32 s3;
	_ =	sdelay $0x1  }
0xa1: {  	s23 =	simm.s32 $0x1B8B  }
0xa2: {  	_ =	swait.ge [sflag:s23], $0x1  }
0xa3: {  	[sflag:s23] =	ssyncset.done $0x0  }
0xa4: {  	s25 =	simm.s32 $0x1B8E;
	s24 =	sld [smem:$0x3FFE];
	[sflag:s23] =	ssyncadd.s32 $0xFFFFFFFF  }
0xa5: {  	s26 =	simm.s32 $execute0_lowered;
	[smem:$0x3FD2] =	sst s25  }
0xa6: {  	s4 =	sshll.u32 s26, $0x1;
	_ =	strace $0x8000004C;
	[dreg:$0x1] =	wrdreg $0xFFFFFFFF  }
0xa7: {  	s28 =	simm.s32 $_size_execute0_lowered;
	s2 =	sadd.s32 s2, s4;
	[dreg:$0x0] =	wrdreg $0x0  }
0xa8: {  	s4 =	sshll.u32 s28, $0x1;
	[dreg:$0x2] =	wrdreg s2  }
0xa9: {  	[dreg:$0x3] =	wrdreg s4  }
0xaa: {  	[dreg:$0x4] =	wrdreg $0xC0  }
0xab: {  	_ =	task [dreg:s6], $0x5FFFF  }
0xac: {  	[dreg:$0x1] =	wrdreg $0xFFFFFFFF  }
0xad: {  	[dreg:$0x0] =	wrdreg $0x60  }
0xae: {  	[dreg:$0x2] =	wrdreg s24  }
0xaf: {  	[dreg:$0x3] =	wrdreg $0x0  }
0xb0: {  	[dreg:$0x4] =	wrdreg $0x9  }
0xb1: {  	_ =	task.clear_ibuf [dreg:s6], $0x5FFFF;
	_ =	strace $0x9000004C  }
0xb2: {  	s29 =	simm.s32 $0x9;
	_ =	strace $0x80000051  }
0xb3: {  	_ =	swait.ge [sflag:s29], $0x1  }
0xb4: {  	[sflag:s29] =	ssyncadd.s32 $0xFFFFFFFF  }
0xb5: {  	_ =	strace $0x90000051  }
0xb6: {  	_ =	sfence  }
0xb7: {  	s30 =	sld [smem:$0x0];
	_ =	sdelay $0x2  }
0xb8: {  	s31 =	sshll.u32 s1, $0xD;
	s1 =	sshrl.u32 s1, $0x2  }
0xb9: {  	s3 =	sand.u32 $0x4000, s31;
	s1 =	sadd.s32 s1, s30  }
0xba: {  	s0 =	sor.u32 s3, s0;
	s1 =	sshll.u32 s1, $0x11  }
0xbb: {  	s0 =	sor.u32 s1, s0  }
0xbc: {  	s0 =	sadd.s32 $0x8F2B, s0  }
0xbd: {  	[sflag:s0] =	ssyncadd.remote.s32 $0x1  }
0xbe: {  	_ =	sfence.sel $0xFFFF  }
0xbf: {  	[dreg:$0x0] =	wrdreg $0xFFFFFFFF;
	(pc) =	sbr.abs _section_cstart, $3  }
0xc0: {  	[dreg:$0x1] =	wrdreg $0xFFFFFFFF  }
0xc1: {  	_ =	task.clear_ibuf [dreg:s6], $0x2FFFF;
	_ =	strace $0x9FFFFFFF  }
0xc2: {  	(tm) =	ssettm $0x7FFFFFFF  }
0xc3: {  	_ =	shalt  }
tec
execute0_lowered:
.L_overlay_start_1:
0x0: {  	(tag) =	ssettag $0x1  }
0x1: {  	s0 =	rddreg [dreg:$0x0];
	s1 =	srdreg.scid  }
0x2: {  	s9 =	stileid.u32;
	s2 =	rddreg [dreg:$0x1];
	s3 =	simm.s32 $0x0  }
0x3: {  	s30 =	simm.s32 $0x16980;
	s31 =	simm.s32 $0x2;
	s10 =	simm.s32 $0x14100  }
0x4: {  	s11 =	simm.s32 $0x3;
	s12 =	simm.s32 $0x0;
	s1 =	sand.u32 $0x1, s1  }
0x5: {  	s5 =	smul.u32 $0x2800, s9;
	[smem:$0x7FF] =	sst s3;
	s4 =	sadd.s32 $0x1C00, s0  }
0x6: {  	s7 =	sshll.u32 s9, $0x1;
	s15 =	smul.u32 $0x50000, s9;
	s9 =	simm.s32 $0x14180  }
0x7: {  	s6 =	smul.u32 $0x28000, s1;
	s8 =	sshll.u32 s1, $0x5;
	s1 =	ssub.s32 $0x2, s1  }
0x8: {  	_ =	strace $0x8000004D;
	s7 =	sor.u32 s7, s8;
	s16 =	sshrl.u32 s1, $0x1  }
0x9: {  	s17 =	sshrl.u32 s15, $0x2;
	s8 =	simm.s32 $0x14080;
	s5 =	sadd.s32 s5, s6  }
0xa: {  	s7 =	sadd.s32 s7, s0;
	s1 =	ssub.s32 s1, s16;
	s6 =	sshrl.u32 s5, $0x3  }
0xb: {  	s7 =	sadd.s32 $0x83400, s7;
	s18 =	smax.u32 s1, $0x1;
	s1 =	simm.s32 $0x1  }
0xc: {  	s6 =	sadd.s32 s6, s0;
	s0 =	sadd.s32 s5, s0;
	[dreg:$0x3] =	wrdreg s7  }
0xd: {  	s5 =	sadd.s32 s17, s2;
	[dreg:$0x5] =	wrdreg s18;
	s0 =	sadd.s32 $0x83600, s0  }
0xe: {  	s7 =	simm.s32 $0x50;
	s19 =	sadd.s32 $0x1000, s5;
	[dreg:$0x4] =	wrdreg s0  }
0xf: {  	s20 =	sadd.s32 $0x2000, s5;
	s21 =	sadd.s32 $0x3000, s5;
	[dreg:$0x6] =	wrdreg s19  }
0x10: {  	s22 =	sadd.s32 $0x4000, s5;
	s23 =	sadd.s32 $0x5000, s5;
	[dreg:$0x7] =	wrdreg s20  }
0x11: {  	s24 =	sadd.s32 $0x6000, s5;
	s25 =	sadd.s32 $0x7000, s5;
	[dreg:$0x8] =	wrdreg s21  }
0x12: {  	s26 =	sadd.s32 $0x8000, s5;
	s17 =	sadd.s32 $0x9000, s5;
	[dreg:$0x9] =	wrdreg s22  }
0x13: {  	s18 =	sadd.s32 $0xA000, s5;
	s14 =	sadd.s32 $0x79400, s6;
	[dreg:$0xa] =	wrdreg s23  }
.Ltmp0:
0x14: {  	s28 =	sadd.s32 $0x12000, s5;
	[dreg:$0xb] =	wrdreg s24;
	(pc) =	sbr.rel .LBB2_1-.Ltmp0, $4  }
0x15: {  	s29 =	sadd.s32 $0x13000, s5;
	s6 =	simm.s32 $0x14000;
	[dreg:$0xc] =	wrdreg s25  }
0x16: {  	[dreg:$0xd] =	wrdreg s26;
	s19 =	sadd.s32 $0xB000, s5;
	s20 =	sadd.s32 $0xC000, s5  }
0x17: {  	s21 =	sadd.s32 $0xD000, s5;
	s22 =	sadd.s32 $0xE000, s5;
	s23 =	sadd.s32 $0xF000, s5  }
0x18: {  	v0 =	vimm.f32 $0.0e+00;
	s24 =	sadd.s32 $0x10000, s5;
	s26 =	sadd.s32 $0x11000, s5;
	s0 =	simm.s32 $0x4  }
.LBB2_6:
0x19: {  	[tilespmem:$0x14090] =	vst v1  }
0x1a: {  	[tilespmem:$0x14080] =	vst v2  }
0x1b: {  	[tilespmem:s9], [sflag:$0x2] =	stream.indirect.gather [hbm4b:s4+s7], $0x80, s8, s7, $0x2000b8;
	[tilespmem:$0x17A00] =	vst v63  }
0x1c: {  	_ =	swait.ge [sflag:s31], $0x2800  }
0x1d: {  	[sflag:s31] =	ssyncset.done $0x0  }
0x1e: {  	[sflag:s31] =	ssyncadd.s32 $0xFFFFD800  }
0x1f: {  	[spmem:s2] =	stream.indirect.scatter.add.f32 [tilespmem:s9], [sflag:$0x3], $0x80, s10, s7, $0x2000b8;
	[tilespmem:$0x17A00] =	vst v63  }
0x20: {  	_ =	swait.ge [sflag:s11], $0x2800  }
0x21: {  	[sflag:s11] =	ssyncset.done $0x0  }
0x22: {  	[sflag:s11] =	ssyncadd.s32 $0xFFFFD800  }
.LBB2_7:
0x23: {  	_ =	strace $0x9000004F  }
0x24: {  	s13 =	stileid.u32;
	_ =	strace $0x80000050  }
0x25: {  	s13 =	sshll.u32 s13, $0x6;
	[bflag:$0x0] =	sbarrier.arrive $0xFFFF  }
0x26: {  	s15 =	sshrl.u32 s5, $0x3;
	s13 =	sor.u32 $0x1C04, s13;
	s16 =	rddreg [dreg:$0x4]  }
0x27: {  	[hbm:s16], [sflag:s13] =	dma.local [spmem:s15], $0x2800  }
0x28: {  	_ =	swait.ge [sflag:s0], $0x2800  }
0x29: {  	s12 =	sadd.s32 $0x1, s12;
	s25 =	rddreg [dreg:$0x5]  }
0x2a: {  	p0 =	sne.s32 s12, s25  }
.Ltmp1:
0x2b: {  	_ = 	snop;
	(pc) =	sbr.rel @!p0 .LBB2_8-.Ltmp1, $4  }
0x2c: {  	_ = 	snop  }
0x2d: {  	[sflag:s0] =	ssyncset.done $0x0  }
0x2e: {  	[sflag:s0] =	ssyncadd.s32 $0xFFFFD800  }
0x2f: {  	_ =	strace $0x90000050  }
.LBB2_1:
0x30: {  	_ =	strace $0x8000004E;
	s13 =	simm.s32 $0x0;
	s25 =	simm.s32 $0x200  }
.LBB2_2:
0x31: {  	p0 =	sne.s32 s25, $0x3E00;
	[tilespmem:s13+$0x169F0] =	vst v0  }
0x32: {  	[tilespmem:s13+$0x16980] =	vst v0  }
0x33: {  	[tilespmem:s13+$0x16990] =	vst v0  }
.Ltmp2:
0x34: {  	[tilespmem:s13+$0x169A0] =	vst v0;
	(pc) =	sbr.rel @p0 .LBB2_2-.Ltmp2, $4  }
0x35: {  	[tilespmem:s13+$0x169B0] =	vst v0  }
0x36: {  	[tilespmem:s13+$0x169C0] =	vst v0  }
0x37: {  	[tilespmem:s13+$0x169D0] =	vst v0  }
0x38: {  	[tilespmem:s13+$0x169E0] =	vst v0;
	s13 =	sshra.s32 s25, $0x2;
	s25 =	sadd.s32 $0x200, s25  }
0x39: {  	[tilespmem:s13+$0x169F0] =	vst v0  }
0x3a: {  	[tilespmem:s13+$0x16980] =	vst v0  }
0x3b: {  	[tilespmem:s13+$0x16990] =	vst v0  }
0x3c: {  	[tilespmem:s13+$0x169A0] =	vst v0  }
0x3d: {  	[tilespmem:s13+$0x169B0] =	vst v0  }
0x3e: {  	[tilespmem:s13+$0x169C0] =	vst v0  }
0x3f: {  	[tilespmem:s13+$0x169D0] =	vst v0  }
0x40: {  	[tilespmem:s13+$0x169E0] =	vst v0  }
0x41: {  	[spmem:s5] =	stream.linear.scatter [tilespmem:s30], [sflag:$0x2], $0x1000, $0x200038;
	[tilespmem:$0x17A00] =	vst v63  }
0x42: {  	s15 =	rddreg [dreg:$0x6]  }
0x43: {  	[spmem:s15] =	stream.linear.scatter [tilespmem:s30], [sflag:$0x2], $0x1000, $0x200038;
	[tilespmem:$0x17A00] =	vst v63  }
0x44: {  	s16 =	rddreg [dreg:$0x7]  }
0x45: {  	[spmem:s16] =	stream.linear.scatter [tilespmem:s30], [sflag:$0x2], $0x1000, $0x200038;
	[tilespmem:$0x17A00] =	vst v63  }
0x46: {  	s25 =	rddreg [dreg:$0x8]  }
0x47: {  	[spmem:s25] =	stream.linear.scatter [tilespmem:s30], [sflag:$0x2], $0x1000, $0x200038;
	[tilespmem:$0x17A00] =	vst v63  }
0x48: {  	s15 =	rddreg [dreg:$0x9]  }
0x49: {  	[spmem:s15] =	stream.linear.scatter [tilespmem:s30], [sflag:$0x2], $0x1000, $0x200038;
	[tilespmem:$0x17A00] =	vst v63  }
0x4a: {  	s16 =	rddreg [dreg:$0xa]  }
0x4b: {  	[spmem:s16] =	stream.linear.scatter [tilespmem:s30], [sflag:$0x2], $0x1000, $0x200038;
	[tilespmem:$0x17A00] =	vst v63  }
0x4c: {  	s25 =	rddreg [dreg:$0xb]  }
0x4d: {  	[spmem:s25] =	stream.linear.scatter [tilespmem:s30], [sflag:$0x2], $0x1000, $0x200038;
	[tilespmem:$0x17A00] =	vst v63  }
0x4e: {  	s15 =	rddreg [dreg:$0xc]  }
0x4f: {  	[spmem:s15] =	stream.linear.scatter [tilespmem:s30], [sflag:$0x2], $0x1000, $0x200038;
	[tilespmem:$0x17A00] =	vst v63  }
0x50: {  	s16 =	rddreg [dreg:$0xd]  }
0x51: {  	[spmem:s16] =	stream.linear.scatter [tilespmem:s30], [sflag:$0x2], $0x1000, $0x200038;
	[tilespmem:$0x17A00] =	vst v63  }
0x52: {  	_ = 	snop  }
0x53: {  	[spmem:s17] =	stream.linear.scatter [tilespmem:s30], [sflag:$0x2], $0x1000, $0x200038;
	[tilespmem:$0x17A00] =	vst v63  }
0x54: {  	_ = 	snop  }
0x55: {  	[spmem:s18] =	stream.linear.scatter [tilespmem:s30], [sflag:$0x2], $0x1000, $0x200038;
	[tilespmem:$0x17A00] =	vst v63  }
0x56: {  	_ = 	snop  }
0x57: {  	[spmem:s19] =	stream.linear.scatter [tilespmem:s30], [sflag:$0x2], $0x1000, $0x200038;
	[tilespmem:$0x17A00] =	vst v63  }
0x58: {  	_ = 	snop  }
0x59: {  	[spmem:s20] =	stream.linear.scatter [tilespmem:s30], [sflag:$0x2], $0x1000, $0x200038;
	[tilespmem:$0x17A00] =	vst v63  }
0x5a: {  	_ = 	snop  }
0x5b: {  	[spmem:s21] =	stream.linear.scatter [tilespmem:s30], [sflag:$0x2], $0x1000, $0x200038;
	[tilespmem:$0x17A00] =	vst v63  }
0x5c: {  	_ = 	snop  }
0x5d: {  	[spmem:s22] =	stream.linear.scatter [tilespmem:s30], [sflag:$0x2], $0x1000, $0x200038;
	[tilespmem:$0x17A00] =	vst v63  }
0x5e: {  	_ = 	snop  }
0x5f: {  	[spmem:s23] =	stream.linear.scatter [tilespmem:s30], [sflag:$0x2], $0x1000, $0x200038;
	[tilespmem:$0x17A00] =	vst v63  }
0x60: {  	_ = 	snop  }
0x61: {  	[spmem:s24] =	stream.linear.scatter [tilespmem:s30], [sflag:$0x2], $0x1000, $0x200038;
	[tilespmem:$0x17A00] =	vst v63  }
0x62: {  	_ = 	snop  }
0x63: {  	[spmem:s26] =	stream.linear.scatter [tilespmem:s30], [sflag:$0x2], $0x1000, $0x200038;
	[tilespmem:$0x17A00] =	vst v63  }
0x64: {  	_ = 	snop  }
0x65: {  	[spmem:s28] =	stream.linear.scatter [tilespmem:s30], [sflag:$0x2], $0x1000, $0x200038;
	[tilespmem:$0x17A00] =	vst v63  }
0x66: {  	_ = 	snop  }
0x67: {  	[spmem:s29] =	stream.linear.scatter [tilespmem:s30], [sflag:$0x2], $0x1000, $0x200038;
	[tilespmem:$0x17A00] =	vst v63  }
0x68: {  	_ =	swait.ge [sflag:s31], $0x1000  }
0x69: {  	[sflag:s31] =	ssyncset.done $0x0  }
0x6a: {  	[sflag:s31] =	ssyncadd.s32 $0xFFFFF000  }
0x6b: {  	_ =	swait.ge [sflag:s31], $0x1000  }
0x6c: {  	[sflag:s31] =	ssyncset.done $0x0  }
0x6d: {  	[sflag:s31] =	ssyncadd.s32 $0xFFFFF000  }
0x6e: {  	_ =	swait.ge [sflag:s31], $0x1000  }
0x6f: {  	[sflag:s31] =	ssyncset.done $0x0  }
0x70: {  	[sflag:s31] =	ssyncadd.s32 $0xFFFFF000  }
0x71: {  	_ =	swait.ge [sflag:s31], $0x1000  }
0x72: {  	[sflag:s31] =	ssyncset.done $0x0  }
0x73: {  	[sflag:s31] =	ssyncadd.s32 $0xFFFFF000  }
0x74: {  	_ =	swait.ge [sflag:s31], $0x1000  }
0x75: {  	[sflag:s31] =	ssyncset.done $0x0  }
0x76: {  	[sflag:s31] =	ssyncadd.s32 $0xFFFFF000  }
0x77: {  	_ =	swait.ge [sflag:s31], $0x1000  }
0x78: {  	[sflag:s31] =	ssyncset.done $0x0  }
0x79: {  	[sflag:s31] =	ssyncadd.s32 $0xFFFFF000  }
0x7a: {  	_ =	swait.ge [sflag:s31], $0x1000  }
0x7b: {  	[sflag:s31] =	ssyncset.done $0x0  }
0x7c: {  	[sflag:s31] =	ssyncadd.s32 $0xFFFFF000  }
0x7d: {  	_ =	swait.ge [sflag:s31], $0x1000  }
0x7e: {  	[sflag:s31] =	ssyncset.done $0x0  }
0x7f: {  	[sflag:s31] =	ssyncadd.s32 $0xFFFFF000  }
0x80: {  	_ =	swait.ge [sflag:s31], $0x1000  }
0x81: {  	[sflag:s31] =	ssyncset.done $0x0  }
0x82: {  	[sflag:s31] =	ssyncadd.s32 $0xFFFFF000  }
0x83: {  	_ =	swait.ge [sflag:s31], $0x1000  }
0x84: {  	[sflag:s31] =	ssyncset.done $0x0  }
0x85: {  	[sflag:s31] =	ssyncadd.s32 $0xFFFFF000  }
0x86: {  	_ =	swait.ge [sflag:s31], $0x1000  }
0x87: {  	[sflag:s31] =	ssyncset.done $0x0  }
0x88: {  	[sflag:s31] =	ssyncadd.s32 $0xFFFFF000  }
0x89: {  	_ =	swait.ge [sflag:s31], $0x1000  }
0x8a: {  	[sflag:s31] =	ssyncset.done $0x0  }
0x8b: {  	[sflag:s31] =	ssyncadd.s32 $0xFFFFF000  }
0x8c: {  	_ =	swait.ge [sflag:s31], $0x1000  }
0x8d: {  	[sflag:s31] =	ssyncset.done $0x0  }
0x8e: {  	[sflag:s31] =	ssyncadd.s32 $0xFFFFF000  }
0x8f: {  	_ =	swait.ge [sflag:s31], $0x1000  }
0x90: {  	[sflag:s31] =	ssyncset.done $0x0  }
0x91: {  	[sflag:s31] =	ssyncadd.s32 $0xFFFFF000  }
0x92: {  	_ =	swait.ge [sflag:s31], $0x1000  }
0x93: {  	[sflag:s31] =	ssyncset.done $0x0  }
0x94: {  	[sflag:s31] =	ssyncadd.s32 $0xFFFFF000  }
0x95: {  	_ =	swait.ge [sflag:s31], $0x1000  }
0x96: {  	[sflag:s31] =	ssyncset.done $0x0  }
0x97: {  	[sflag:s31] =	ssyncadd.s32 $0xFFFFF000  }
0x98: {  	_ =	swait.ge [sflag:s31], $0x1000  }
0x99: {  	[sflag:s31] =	ssyncset.done $0x0  }
0x9a: {  	[sflag:s31] =	ssyncadd.s32 $0xFFFFF000  }
0x9b: {  	_ =	swait.ge [sflag:s31], $0x1000  }
0x9c: {  	[sflag:s31] =	ssyncset.done $0x0  }
0x9d: {  	[sflag:s31] =	ssyncadd.s32 $0xFFFFF000  }
0x9e: {  	_ =	swait.ge [sflag:s31], $0x1000  }
0x9f: {  	[sflag:s31] =	ssyncset.done $0x0  }
0xa0: {  	[sflag:s31] =	ssyncadd.s32 $0xFFFFF000  }
0xa1: {  	_ =	swait.ge [sflag:s31], $0x1000  }
0xa2: {  	[sflag:s31] =	ssyncset.done $0x0  }
0xa3: {  	[sflag:s31] =	ssyncadd.s32 $0xFFFFF000  }
0xa4: {  	[bflag:$0x0] =	sbarrier.arrive $0xFFFF  }
0xa5: {  	_ =	strace $0x9000004E  }
0xa6: {  	s15 =	simm.s32 $0x17980;
	s25 =	rddreg [dreg:$0x3]  }
0xa7: {  	[tilespmem:s15], [sflag:$0x4] =	stream.linear.gather [hbm4b:s25+s3], $0x10, $0x38;
	[tilespmem:$0x17A00] =	vst v63  }
0xa8: {  	_ =	swait.ge [sflag:s0], $0x10  }
0xa9: {  	[sflag:s0] =	ssyncset.done $0x0  }
0xaa: {  	[sflag:s0] =	ssyncadd.s32 $0xFFFFFFF0  }
0xab: {  	v1 =	vld [tilespmem:$0x17980];
	_ =	sdelay $0x4  }
0xac: {  	(v2sf) =	vpush v1, $0x0;
	_ =	sdelay $0xe  }
0xad: {  	s13 =	spop (v2sf)  }
0xae: {  	s25 =	sadd.s32 $0x4F, s13  }
0xaf: {  	s15 =	smulhi.u32 $0x66666667, s25;
	s16 =	sshra.s32 s25, $0x1F  }
0xb0: {  	s16 =	smul.u32 $0x66666667, s16;
	_ =	sdelay $0x1  }
0xb1: {  	s15 =	sadd.s32 s16, s15  }
0xb2: {  	s16 =	sshrl.u32 s15, $0x1F;
	s15 =	sshra.s32 s15, $0x5  }
0xb3: {  	s15 =	sadd.s32 s16, s15  }
0xb4: {  	s16 =	smul.u32 $0xFFFFFFB0, s15  }
0xb5: {  	s13 =	ssub.s32 $0xFFFFFFB1, s13  }
0xb6: {  	p1 =	slt.s32 s25, $0x1;
	p0 =	sne.s32 s16, s13  }
0xb7: {  	p0 =	por !p1, !p0  }
0xb8: {  	s13 =	simm.s32 $0x1;
	p0 =	por !p0, !p0  }
0xb9: {  	s13 =	simm.s32 @!p0 $0x0  }
0xba: {  	s13 =	ssub.s32 s15, s13  }
0xbb: {  	p0 =	slt.s32 s13, $0x1  }
.Ltmp3:
0xbc: {  	_ = 	snop;
	(pc) =	sbr.rel @p0 .LBB2_7-.Ltmp3, $2  }
0xbd: {  	_ =	sdelay $0x2  }
0xbe: {  	_ =	strace $0x8000004F  }
0xbf: {  	[tilespmem:s6], [sflag:$0x1] =	stream.linear.gather [hbm4b:s14+s3], $0x50, $0x200038;
	[tilespmem:$0x17A00] =	vst v63  }
0xc0: {  	_ =	swait.ge [sflag:s1], $0x50  }
0xc1: {  	[sflag:s1] =	ssyncset.done $0x0  }
0xc2: {  	[sflag:s1] =	ssyncadd.s32 $0xFFFFFFB0  }
0xc3: {  	v1 =	vld [tilespmem:$0x14040];
	_ =	sdelay $0x1  }
0xc4: {  	v2 =	vld [tilespmem:$0x14030];
	_ =	sdelay $0x1  }
0xc5: {  	v3 =	vld [tilespmem:$0x14020]  }
0xc6: {  	v5 =	vld [tilespmem:$0x14000];
	v4 =	vshra.s32 v1, $0xE  }
0xc7: {  	v1 =	vand.u32 $0x3FFF, v1;
	[tilespmem:$0x140C0] =	vst v4  }
0xc8: {  	v63 =	vld [tilespmem:$0x14010];
	v6 =	vshra.s32 v2, $0xE;
	[tilespmem:$0x14140] =	vst v1  }
0xc9: {  	p0 =	sne.s32 s13, $0x1;
	v2 =	vand.u32 $0x3FFF, v2;
	[tilespmem:$0x140B0] =	vst v6  }
.Ltmp4:
0xca: {  	v1 =	vshra.s32 v3, $0xE;
	[tilespmem:$0x14130] =	vst v2;
	(pc) =	sbr.rel @!p0 .LBB2_6-.Ltmp4, $4  }
0xcb: {  	v2 =	vand.u32 $0x3FFF, v5;
	[tilespmem:$0x140A0] =	vst v1  }
0xcc: {  	v1 =	vand.u32 $0x3FFF, v3;
	[tilespmem:$0x14100] =	vst v2  }
0xcd: {  	v3 =	vand.u32 $0x3FFF, v63;
	[tilespmem:$0x14120] =	vst v1  }
0xce: {  	s13 =	sadd.s32 $0xFFFFFFFF, s13;
	s25 =	smov.u32 s14;
	v2 =	vshra.s32 v5, $0xE;
	v1 =	vshra.s32 v63, $0xE;
	[tilespmem:$0x14110] =	vst v3  }
.LBB2_5:
0xcf: {  	p0 =	sne.s32 s13, $0x1;
	s13 =	sadd.s32 $0xFFFFFFFF, s13;
	[tilespmem:$0x14090] =	vst v1;
	s25 =	sadd.s32 $0xA, s25  }
0xd0: {  	[tilespmem:$0x14080] =	vst v2  }
0xd1: {  	[tilespmem:s9], [sflag:$0x2] =	stream.indirect.gather [hbm4b:s4+s7], $0x80, s8, s7, $0x2000b8;
	[tilespmem:$0x17A00] =	vst v63  }
0xd2: {  	_ =	swait.ge [sflag:s31], $0x2800  }
0xd3: {  	[sflag:s31] =	ssyncset.done $0x0  }
0xd4: {  	[sflag:s31] =	ssyncadd.s32 $0xFFFFD800  }
0xd5: {  	[spmem:s2] =	stream.indirect.scatter.add.f32 [tilespmem:s9], [sflag:$0x3], $0x80, s10, s7, $0x2000b8;
	[tilespmem:$0x17A00] =	vst v63  }
0xd6: {  	_ =	swait.ge [sflag:s11], $0x2800  }
0xd7: {  	[sflag:s11] =	ssyncset.done $0x0  }
0xd8: {  	[sflag:s11] =	ssyncadd.s32 $0xFFFFD800  }
0xd9: {  	[tilespmem:s6], [sflag:$0x1] =	stream.linear.gather [hbm4b:s25+s3], $0x50, $0x200038;
	[tilespmem:$0x17A00] =	vst v63  }
0xda: {  	_ =	swait.ge [sflag:s1], $0x50  }
0xdb: {  	[sflag:s1] =	ssyncset.done $0x0  }
0xdc: {  	[sflag:s1] =	ssyncadd.s32 $0xFFFFFFB0  }
0xdd: {  	v1 =	vld [tilespmem:$0x14040]  }
0xde: {  	v2 =	vld [tilespmem:$0x14030]  }
0xdf: {  	v3 =	vld [tilespmem:$0x14010]  }
0xe0: {  	v4 =	vld [tilespmem:$0x14020]  }
0xe1: {  	v5 =	vld [tilespmem:$0x14000]  }
0xe2: {  	v6 =	vshra.s32 v1, $0xE;
	v1 =	vand.u32 $0x3FFF, v1  }
0xe3: {  	v7 =	vshra.s32 v2, $0xE;
	v8 =	vand.u32 $0x3FFF, v2;
	[tilespmem:$0x140C0] =	vst v6  }
0xe4: {  	[tilespmem:$0x14140] =	vst v1  }
0xe5: {  	v1 =	vshra.s32 v3, $0xE;
	v3 =	vand.u32 $0x3FFF, v3;
	v6 =	vshra.s32 v4, $0xE;
	[tilespmem:$0x140B0] =	vst v7  }
.Ltmp5:
0xe6: {  	v4 =	vand.u32 $0x3FFF, v4;
	v2 =	vshra.s32 v5, $0xE;
	v5 =	vand.u32 $0x3FFF, v5;
	[tilespmem:$0x140A0] =	vst v6;
	(pc) =	sbr.rel @p0 .LBB2_5-.Ltmp5, $4  }
0xe7: {  	[tilespmem:$0x14130] =	vst v8  }
0xe8: {  	[tilespmem:$0x14120] =	vst v4  }
0xe9: {  	[tilespmem:$0x14100] =	vst v5  }
0xea: {  	[tilespmem:$0x14110] =	vst v3  }
.Ltmp6:
0xeb: {  	_ = 	snop;
	(pc) =	sbr.rel .LBB2_6-.Ltmp6, $1  }
0xec: {  	_ =	sdelay $0x3  }
.LBB2_8:
0xed: {  	_ =	sfence.sel $0x180000  }
0xee: {  	[bflag:$0x0] =	sbarrier.arrive $0xFFFF  }
0xef: {  	_ =	strace $0x9000004D  }
0xf0: {  	s0 =	stileid.u32;
	[bflag:$0x2] =	sbarrier.arrive $0xFFFF  }
0xf1: {  	p0 =	sne.s32 s0, $0x0;
	s0 =	rddreg [dreg:$0x2]  }
0xf2: {  	s0 =	sadd.s32 @!p0 $0x100000, s0  }
0xf3: {  	[sflag:s0] =	ssyncadd.tile.s32 @!p0 $0x1;
	_ =	shalt  }
.Lfunc_end2:
_tile_overlayer_lowered:
.L_overlay_start_2:
0xf4: {  	(tag) =	ssettag $0x2  }
0xf5: {  	s0 =	rddreg [dreg:$0x0];
	s2 =	stileid.u32  }
0xf6: {  	s1 =	rddreg [dreg:$0x1];
	p0 =	sne.s32 s2, $0x0  }
0xf7: {  	s3 =	rddreg [dreg:$0x2];
	[bflag:$0x3] =	sbarrier.arrive $0xFFFF;
	s2 =	simm.s32 @!p0 $0x1C04  }
0xf8: {  	[timem:s3], [sflag:s2] =	dma.local @!p0 [hbm:s0], s1  }
0xf9: {  	s0 =	simm.s32 @!p0 $0x4  }
0xfa: {  	_ =	swait.ge @!p0 [sflag:s0], s1  }
0xfb: {  	s1 =	ssub.s32 @!p0 $0x0, s1;
	[sflag:s0] =	ssyncset.done @!p0 $0x0  }
0xfc: {  	[sflag:s0] =	ssyncadd.s32 @!p0 s1  }
0xfd: {  	[bflag:$0x3] =	sbarrier.arrive $0xFFFF  }
0xfe: {  	_ =	shalt  }

// kernel: kernel.7.cloned.1.call-start
scs
__scs_entry_jumppad:
0x0: {  	(pc) =	sbr.rel $0x88, $3  }
0x1: {  	(tag) =	ssettag $0x0;
	lr =	simm.s32 $0x1  }
0x2: {  	[smem:$0x3F9D] =	sst lr;
	_ =	strace $0xD0000000  }
0x3: {  	_ = 	snop  }
0x4: {  	_ = 	snop  }
0x5: {  	_ = 	snop  }
0x6: {  	_ = 	snop  }
0x7: {  	_ = 	snop  }
__scs_overlays_trampoline_lowered:
0x8: {  	[smem:$0x3FAC] =	sst s0  }
0x9: {  	[smem:$0x3FAD] =	sst s1  }
0xa: {  	[smem:$0x3FAE] =	sst s2  }
0xb: {  	[smem:$0x3FAF] =	sst s3  }
0xc: {  	[smem:$0x3FB0] =	sst s4  }
0xd: {  	[smem:$0x3FB1] =	sst s5  }
0xe: {  	[smem:$0x3FB2] =	sst s6  }
0xf: {  	[smem:$0x3FB3] =	sst s7  }
0x10: {  	[smem:$0x3FB4] =	sst s8  }
0x11: {  	[smem:$0x3FB5] =	sst s9;
	s0 =	simm.s32 @!p0 $0x0  }
0x12: {  	s1 =	sld [smem:$0x3F9B];
	s0 =	simm.s32 @p0 $0x1  }
0x13: {  	[smem:$0x3FB6] =	sst s0;
	s0 =	simm.s32 @!p1 $0x0  }
0x14: {  	s2 =	sld [smem:$0x3F9A];
	s0 =	simm.s32 @p1 $0x1  }
0x15: {  	[smem:$0x3FB7] =	sst s0;
	s0 =	simm.s32 @!p2 $0x0  }
0x16: {  	s3 =	sld [smem:$0x3FDB];
	s0 =	simm.s32 @p2 $0x1  }
0x17: {  	s4 =	simm.s32 $0x1BF5;
	[smem:$0x3FB9] =	sst s0  }
0x18: {  	s0 =	sld [smem:$0x3F9C];
	_ =	swait.ge [sflag:s4], $0x0  }
0x19: {  	s7 =	sld [smem:$0x3F9D]  }
0x1a: {  	s8 =	sadd.s32 $0xFFFFE003, lr  }
0x1b: {  	s9 =	sadd.s32 $0xFFFFFEF7, lr;
	s5 =	simm.s32 $0xFFFFFFFF;
	p2 =	slt.u32 s8, $0xFFFFF086  }
0x1c: {  	p1 =	slt.u32 s9, $0xF7A;
	s5 =	simm.s32 @!p2 $0x0  }
0x1d: {  	s5 =	simm.s32 @p1 $0x1;
	p0 =	seq.s32 s7, s2  }
0x1e: {  	s7 =	smul.u32 @!p0 $0xF7A, s2;
	p2 =	seq.s32 @!p0 s5, $0x0  }
0x1f: {  	s9 =	smul.u32 $0xF7A, s1;
	s8 =	simm.s32 @!p0 $0x1BF5;
	p2 =	por !p2, p0  }
0x20: {  	[sflag:s8] =	ssyncset.s32 @!p0 $0xFFFFF086;
	s6 =	sadd.s32 @!p0 s3, s7;
	s7 =	simm.s32 @!p0 $0x108  }
0x21: {  	s3 =	sadd.s32 s3, s9;
	s6 =	sadd.s32 @!p0 $0x88, s6;
	s7 =	simm.s32 @p2 $0x1082  }
0x22: {  	[simem:s7], [sflag:s8] =	dma.local @!p0 [hbm:s6], $0xF7A  }
0x23: {  	s9 =	sor.u32 $0xD0000000, s2;
	s6 =	simm.s32 $0x108;
	_ =	swait.ge @!p0 [sflag:s8], $0x0  }
0x24: {  	s3 =	sadd.s32 $0x88, s3;
	s6 =	simm.s32 @!p1 $0x1082;
	[sflag:s4] =	ssyncset.s32 $0xFFFFF086  }
0x25: {  	[simem:s6], [sflag:s4] =	dma.local [hbm:s3], $0xF7A  }
0x26: {  	[smem:$0x3F9D] =	sst s1;
	(tag) =	ssettag s2;
	_ =	strace s9  }
0x27: {  	s1 =	sld [smem:$0x3FAD]  }
0x28: {  	s2 =	sld [smem:$0x3FAE]  }
0x29: {  	s4 =	sld [smem:$0x3FB0]  }
0x2a: {  	p0 =	seq.s32 s5, $0x0;
	s5 =	sld [smem:$0x3FB1]  }
0x2b: {  	s6 =	sld [smem:$0x3FB2]  }
0x2c: {  	s7 =	sld [smem:$0x3FB3]  }
0x2d: {  	s3 =	simm.s32 $0x108;
	s8 =	sld [smem:$0x3FB4]  }
0x2e: {  	s3 =	simm.s32 @!p0 $0x1082;
	s9 =	sld [smem:$0x3FB5]  }
0x2f: {  	lr =	sadd.s32 s0, s3;
	s0 =	sld [smem:$0x3FAC]  }
0x30: {  	s3 =	sld [smem:$0x3FAF]  }
0x31: {  	[smem:$0x3FB8] =	sst s10  }
0x32: {  	s10 =	sld [smem:$0x3FB6];
	_ =	sdelay $0x3  }
0x33: {  	p0 =	seq.s32 s10, $0x1;
	s10 =	sld [smem:$0x3FB8];
	_ =	sdelay $0x3  }
0x34: {  	[smem:$0x3FB8] =	sst s10  }
0x35: {  	s10 =	sld [smem:$0x3FB7];
	_ =	sdelay $0x3  }
0x36: {  	p1 =	seq.s32 s10, $0x1;
	s10 =	sld [smem:$0x3FB8];
	_ =	sdelay $0x3  }
0x37: {  	[smem:$0x3FB8] =	sst s10  }
0x38: {  	s10 =	sld [smem:$0x3FB9]  }
0x39: {  	_ = 	snop;
	(pc) =	sbr.ind lr, $3  }
0x3a: {  	_ = 	snop  }
0x3b: {  	_ = 	snop  }
0x3c: {  	p2 =	seq.s32 s10, $0x1;
	s10 =	sld [smem:$0x3FB8]  }
0x3d: {  	_ =	shalt  }
0x3e: {  	_ =	shalt  }
0x3f: {  	_ =	shalt  }
0x40: {  	_ =	shalt  }
0x41: {  	_ =	shalt  }
0x42: {  	_ =	shalt  }
0x43: {  	_ =	shalt  }
0x44: {  	_ =	shalt  }
0x45: {  	_ =	shalt  }
0x46: {  	_ =	shalt  }
0x47: {  	_ =	shalt  }
0x48: {  	_ =	shalt  }
0x49: {  	_ =	shalt  }
0x4a: {  	_ =	shalt  }
0x4b: {  	_ =	shalt  }
0x4c: {  	_ =	shalt  }
0x4d: {  	_ =	shalt  }
0x4e: {  	_ =	shalt  }
0x4f: {  	_ =	shalt  }
0x50: {  	_ =	shalt  }
0x51: {  	_ =	shalt  }
0x52: {  	_ =	shalt  }
0x53: {  	_ =	shalt  }
0x54: {  	_ =	shalt  }
0x55: {  	_ =	shalt  }
0x56: {  	_ =	shalt  }
0x57: {  	_ =	shalt  }
0x58: {  	_ =	shalt  }
0x59: {  	_ =	shalt  }
0x5a: {  	_ =	shalt  }
0x5b: {  	_ =	shalt  }
0x5c: {  	_ =	shalt  }
0x5d: {  	_ =	shalt  }
0x5e: {  	_ =	shalt  }
0x5f: {  	_ =	shalt  }
0x60: {  	_ =	shalt  }
0x61: {  	_ =	shalt  }
0x62: {  	_ =	shalt  }
0x63: {  	_ =	shalt  }
0x64: {  	_ =	shalt  }
0x65: {  	_ =	shalt  }
0x66: {  	_ =	shalt  }
0x67: {  	_ =	shalt  }
0x68: {  	_ =	shalt  }
0x69: {  	_ =	shalt  }
0x6a: {  	_ =	shalt  }
0x6b: {  	_ =	shalt  }
0x6c: {  	_ =	shalt  }
0x6d: {  	_ =	shalt  }
0x6e: {  	_ =	shalt  }
0x6f: {  	_ =	shalt  }
0x70: {  	_ =	shalt  }
0x71: {  	_ =	shalt  }
0x72: {  	_ =	shalt  }
0x73: {  	_ =	shalt  }
0x74: {  	_ =	shalt  }
0x75: {  	_ =	shalt  }
0x76: {  	_ =	shalt  }
0x77: {  	_ =	shalt  }
0x78: {  	_ =	shalt  }
0x79: {  	_ =	shalt  }
0x7a: {  	_ =	shalt  }
0x7b: {  	_ =	shalt  }
0x7c: {  	_ =	shalt  }
0x7d: {  	_ =	shalt  }
0x7e: {  	_ =	shalt  }
0x7f: {  	_ =	shalt  }
0x80: {  	_ =	shalt  }
0x81: {  	_ =	shalt  }
0x82: {  	_ =	shalt  }
0x83: {  	_ =	shalt  }
0x84: {  	_ =	shalt  }
0x85: {  	_ =	shalt  }
0x86: {  	_ =	shalt  }
0x87: {  	_ =	shalt  }
.Lfunc_end0:
.L_simem_size_0:
called_computation_lowered:
.L_overlay_start_0:
0x88: {  	s2 =	sld [smem:$0x3FD9]  }
0x89: {  	s3 =	sld [smem:$0x3FFE];
	_ =	sdelay $0x1  }
0x8a: {  	s1 =	srdreg.scid  }
0x8b: {  	s0 =	sand.u32 $0x1, s1  }
0x8c: {  	s17 =	sshll.u32 s0, $0xA;
	s2 =	sadd.s32 s3, s2  }
0x8d: {  	s2 =	sadd.s32 s2, s17  }
0x8e: {  	[smem:$0x3FC4] =	sst s2  }
0x8f: {  	_ = 	snop  }
0x90: {  	s2 =	sld [smem:$0x3FD0];
	(tm) =	ssettm $0x1  }
0x91: {  	s18 =	sld [smem:$0x3FFB];
	_ =	sdelay $0x3  }
0x92: {  	_ =	strace s18  }
0x93: {  	s3 =	sld [smem:$0x3FFC];
	_ =	sdelay $0x3  }
0x94: {  	_ =	strace s3  }
0x95: {  	s3 =	sld [smem:$0x3FFD];
	_ =	sdelay $0x3  }
0x96: {  	_ =	strace s3  }
0x97: {  	_ =	strace $0x8FFFFFFF  }
0x98: {  	s19 =	sld [smem:$0x3FDB];
	_ =	sdelay $0x1  }
0x99: {  	s4 =	simm.s32 $_scs_section_size  }
0x9a: {  	s5 =	simm.s32 $_size__tile_overlayer_lowered;
	s6 =	simm.s32 $_tile_overlayer_lowered  }
0x9b: {  	s22 =	simm.s32 $0x1BFF;
	s21 =	sshll.u32 s6, $0x1;
	s3 =	sadd.s32 s4, s19  }
0x9c: {  	s7 =	simm.s32 $0x0;
	s20 =	sshll.u32 s5, $0x1;
	s5 =	sadd.s32 s21, s3  }
0x9d: {  	[timem:s7], [sflag:s22] =	dma.local [hbm:s5], s20  }
0x9e: {  	_ =	swait.ge [sflag:s22], s20  }
0x9f: {  	s4 =	ssub.s32 $0x0, s20;
	[sflag:s22] =	ssyncset.done $0x0  }
0xa0: {  	[sflag:s22] =	ssyncadd.s32 s4;
	_ =	sdelay $0x1  }
0xa1: {  	s23 =	simm.s32 $0x1B8B  }
0xa2: {  	_ =	swait.ge [sflag:s23], $0x1  }
0xa3: {  	[sflag:s23] =	ssyncset.done $0x0  }
0xa4: {  	s25 =	simm.s32 $0x1B8E;
	s24 =	sld [smem:$0x3FFE];
	[sflag:s23] =	ssyncadd.s32 $0xFFFFFFFF  }
0xa5: {  	s26 =	simm.s32 $execute0_lowered;
	[smem:$0x3FD2] =	sst s25  }
0xa6: {  	s5 =	sshll.u32 s26, $0x1;
	_ =	strace $0x80000046;
	[dreg:$0x1] =	wrdreg $0xFFFFFFFF  }
0xa7: {  	s28 =	simm.s32 $_size_execute0_lowered;
	s3 =	sadd.s32 s3, s5;
	[dreg:$0x0] =	wrdreg $0x0  }
0xa8: {  	s5 =	sshll.u32 s28, $0x1;
	[dreg:$0x2] =	wrdreg s3  }
0xa9: {  	[dreg:$0x3] =	wrdreg s5  }
0xaa: {  	[dreg:$0x4] =	wrdreg $0xC0  }
0xab: {  	_ =	task [dreg:s7], $0x5FFFF  }
0xac: {  	[dreg:$0x1] =	wrdreg $0xFFFFFFFF  }
0xad: {  	[dreg:$0x0] =	wrdreg $0x60  }
0xae: {  	[dreg:$0x2] =	wrdreg s2  }
0xaf: {  	[dreg:$0x3] =	wrdreg s24  }
0xb0: {  	[dreg:$0x4] =	wrdreg $0x0  }
0xb1: {  	[dreg:$0x5] =	wrdreg $0x9  }
0xb2: {  	_ =	task.clear_ibuf [dreg:s7], $0x6FFFF;
	_ =	strace $0x90000046  }
0xb3: {  	s29 =	simm.s32 $0x9;
	_ =	strace $0x8000004B  }
0xb4: {  	_ =	swait.ge [sflag:s29], $0x1  }
0xb5: {  	[sflag:s29] =	ssyncadd.s32 $0xFFFFFFFF  }
0xb6: {  	_ =	strace $0x9000004B  }
0xb7: {  	_ =	sfence  }
0xb8: {  	s30 =	sld [smem:$0x0];
	_ =	sdelay $0x2  }
0xb9: {  	s31 =	sshll.u32 s1, $0xD;
	s1 =	sshrl.u32 s1, $0x2  }
0xba: {  	s3 =	sand.u32 $0x4000, s31;
	s1 =	sadd.s32 s1, s30  }
0xbb: {  	s0 =	sor.u32 s3, s0;
	s1 =	sshll.u32 s1, $0x11  }
0xbc: {  	s0 =	sor.u32 s1, s0  }
0xbd: {  	s0 =	sadd.s32 $0x8F2B, s0  }
0xbe: {  	[sflag:s0] =	ssyncadd.remote.s32 $0x1  }
0xbf: {  	_ =	sfence.sel $0xFFFF  }
0xc0: {  	[dreg:$0x0] =	wrdreg $0xFFFFFFFF;
	(pc) =	sbr.abs _section_cstart, $3  }
0xc1: {  	[dreg:$0x1] =	wrdreg $0xFFFFFFFF  }
0xc2: {  	_ =	task.clear_ibuf [dreg:s7], $0x2FFFF;
	_ =	strace $0x9FFFFFFF  }
0xc3: {  	(tm) =	ssettm $0x7FFFFFFF  }
tec
execute0_lowered:
.L_overlay_start_1:
0x0: {  	(tag) =	ssettag $0x1  }
0x1: {  	s1 =	rddreg [dreg:$0x0]  }
0x2: {  	s0 =	rddreg [dreg:$0x1]  }
0x3: {  	s3 =	rddreg [dreg:$0x2];
	s15 =	stileid.u32  }
0x4: {  	s4 =	simm.s32 $0x0;
	s2 =	srdreg.scid;
	s8 =	smul.u32 $0x2800, s15  }
0x5: {  	[smem:$0x7FF] =	sst s4;
	s2 =	sand.u32 $0x1, s2;
	s14 =	smul.u32 $0x50000, s15  }
0x6: {  	s5 =	sadd.s32 $0xBA00, s0;
	s6 =	sadd.s32 $0x1C00, s0;
	s22 =	smul.u32 $0x2710, s15  }
0x7: {  	_ =	strace $0x80000047;
	s9 =	smul.u32 $0x28000, s2;
	s7 =	sshll.u32 s2, $0x4  }
0x8: {  	s13 =	ssub.s32 $0x2, s2;
	s2 =	smul.u32 $0x27100, s2;
	s10 =	sor.u32 s15, s7  }
0x9: {  	s7 =	sadd.s32 $0x15800, s0;
	s17 =	sshrl.u32 s13, $0x1;
	s18 =	sshrl.u32 s14, $0x2  }
0xa: {  	s9 =	sadd.s32 s8, s9;
	s29 =	sadd.s32 s18, s3;
	s2 =	sadd.s32 s22, s2  }
0xb: {  	s9 =	sadd.s32 s9, s0;
	s18 =	sadd.s32 $0xA0, s2;
	[dreg:$0x4] =	wrdreg s29  }
0xc: {  	s14 =	sadd.s32 $0xF0, s2;
	s2 =	sadd.s32 $0x5000, s29;
	[dreg:$0x11] =	wrdreg s18  }
0xd: {  	s11 =	smul.u32 $0x500, s10;
	s15 =	sadd.s32 $0x29400, s9;
	[dreg:$0x16] =	wrdreg s2  }
0xe: {  	s12 =	smul.u32 $0x2710, s10;
	s9 =	sadd.s32 $0x6000, s29;
	[dreg:$0xf] =	wrdreg s15  }
0xf: {  	s16 =	sshrl.u32 s14, $0x3;
	s14 =	sadd.s32 $0xB000, s29;
	[dreg:$0x17] =	wrdreg s9  }
0x10: {  	s12 =	sshrl.u32 s12, $0x3;
	s18 =	sadd.s32 $0xF000, s29;
	[dreg:$0x1c] =	wrdreg s14  }
0x11: {  	s8 =	sadd.s32 $0x1F600, s0;
	s19 =	sadd.s32 s5, s12;
	[smem:$0x7F9] =	sst s18  }
0x12: {  	s10 =	sshll.u32 s10, $0x1;
	s20 =	sadd.s32 s6, s12;
	[dreg:$0x5] =	wrdreg s19  }
0x13: {  	s11 =	sadd.s32 s11, s0;
	s23 =	sadd.s32 s7, s12;
	[dreg:$0x6] =	wrdreg s20  }
0x14: {  	s21 =	sadd.s32 $0xA, s12;
	s12 =	sadd.s32 s8, s12;
	[dreg:$0x7] =	wrdreg s23  }
0x15: {  	s0 =	sadd.s32 s10, s0;
	s11 =	sadd.s32 $0x79400, s11;
	[dreg:$0x8] =	wrdreg s12  }
0x16: {  	s10 =	ssub.s32 s13, s17;
	s0 =	sadd.s32 $0x83400, s0;
	[dreg:$0xd] =	wrdreg s11  }
0x17: {  	s17 =	smax.u32 s10, $0x1;
	[dreg:$0xe] =	wrdreg s0  }
0x18: {  	s10 =	sadd.s32 $0x7000, s29;
	[dreg:$0x10] =	wrdreg s17  }
0x19: {  	s15 =	sadd.s32 $0xC000, s29;
	[dreg:$0x18] =	wrdreg s10  }
0x1a: {  	s24 =	sadd.s32 s5, s21;
	[dreg:$0x1d] =	wrdreg s15  }
0x1b: {  	s25 =	sadd.s32 s6, s21;
	[dreg:$0x9] =	wrdreg s24  }
0x1c: {  	s26 =	sadd.s32 s7, s21;
	[dreg:$0xa] =	wrdreg s25  }
0x1d: {  	s30 =	simm.s32 $0x3;
	s13 =	sadd.s32 s8, s21;
	[dreg:$0xb] =	wrdreg s26  }
0x1e: {  	s31 =	simm.s32 $0x14000;
	s19 =	sadd.s32 $0x1000, s29;
	[dreg:$0xc] =	wrdreg s13  }
0x1f: {  	s28 =	simm.s32 $0x4;
	s20 =	sadd.s32 $0x2000, s29;
	[dreg:$0x12] =	wrdreg s19  }
0x20: {  	s2 =	simm.s32 $0x14300;
	s21 =	sadd.s32 $0x3000, s29;
	[dreg:$0x13] =	wrdreg s20  }
0x21: {  	s22 =	sadd.s32 s16, s8;
	s11 =	sadd.s32 $0x8000, s29;
	[dreg:$0x14] =	wrdreg s21  }
0x22: {  	s14 =	simm.s32 $0x1;
	s12 =	sadd.s32 $0x9000, s29;
	[dreg:$0x19] =	wrdreg s11  }
0x23: {  	s18 =	simm.s32 $0x16E00;
	s17 =	sadd.s32 $0xE000, s29;
	[dreg:$0x1a] =	wrdreg s12  }
0x24: {  	s23 =	sadd.s32 s16, s7;
	s26 =	sadd.s32 $0x4000, s29;
	[dreg:$0x1f] =	wrdreg s17  }
0x25: {  	s24 =	sadd.s32 s16, s6;
	s13 =	sadd.s32 $0xA000, s29;
	[dreg:$0x15] =	wrdreg s26  }
0x26: {  	s25 =	sadd.s32 s16, s5;
	s16 =	sadd.s32 $0xD000, s29;
	[dreg:$0x1b] =	wrdreg s13  }
0x27: {  	s9 =	simm.s32 $0x0;
	s19 =	sadd.s32 $0x10000, s29;
	[dreg:$0x1e] =	wrdreg s16  }
.Ltmp0:
0x28: {  	s20 =	sadd.s32 $0x11000, s29;
	[smem:$0x7FA] =	sst s19;
	(pc) =	sbr.rel .LBB2_1-.Ltmp0, $4  }
0x29: {  	s10 =	simm.s32 $0x14080;
	s21 =	sadd.s32 $0x12000, s29;
	[smem:$0x7FB] =	sst s20  }
0x2a: {  	s15 =	simm.s32 $0x50;
	s17 =	simm.s32 $0x2;
	[smem:$0x7FC] =	sst s21  }
0x2b: {  	s26 =	sadd.s32 $0x13000, s29;
	s16 =	simm.s32 $0x14600;
	s19 =	simm.s32 $0x14400  }
0x2c: {  	v0 =	vimm.f32 $0.0e+00;
	v1 =	vimm.s32 $0x9C42710;
	s20 =	simm.s32 $0x14500;
	s21 =	simm.s32 $0x5;
	[smem:$0x7FD] =	sst s26  }
.LBB2_6:
0x2d: {  	s0 =	simm.s32 $0x14480  }
0x2e: {  	[spmem:s3] =	stream.indirect.scatter.add.f32 [tilespmem:s18], [sflag:$0x6], $0x80, s0, s15, $0x2000b8;
	[tilespmem:$0x1CE80] =	vst v63  }
0x2f: {  	s9 =	simm.s32 $0x14580;
	s11 =	simm.s32 $0x6  }
0x30: {  	[spmem:s3] =	stream.indirect.scatter.add.f32 [tilespmem:s18], [sflag:$0x6], $0x80, s9, s15, $0x2000b8;
	[tilespmem:$0x1CE80] =	vst v63  }
0x31: {  	_ =	swait.ge [sflag:s11], $0x2800  }
0x32: {  	[sflag:s11] =	ssyncset.done $0x0  }
0x33: {  	[sflag:s11] =	ssyncadd.s32 $0xFFFFD800  }
0x34: {  	_ =	swait.ge [sflag:s11], $0x2800  }
0x35: {  	[sflag:s11] =	ssyncset.done $0x0  }
0x36: {  	[sflag:s11] =	ssyncadd.s32 $0xFFFFD800  }
0x37: {  	v2 =	vld [tilespmem:$0x14300];
	_ =	sdelay $0x4  }
0x38: {  	v3 =	vxor.u32 $0x80000000, v2  }
0x39: {  	(xrf1) =	vsort.ascd.msk.u32 $0xffff, v3, v2;
	_ =	sdelay $0x7  }
0x3a: {  	v2 =	vld [tilespmem:$0x14100]  }
0x3b: {  	v3 =	vld [tilespmem:$0x14200];
	_ =	sdelay $0x3  }
0x3c: {  	[tilespmem:$0x14400] =	vst v2  }
0x3d: {  	[tilespmem:$0x14500] =	vst v3;
	v2, v3, _ =	vpop (xrf1)  }
0x3e: {  	[tilespmem:s13+$0x19600] =	vst v3  }
0x3f: {  	v3 =	vld [tilespmem:$0x14310]  }
0x40: {  	vm0 =	vne.s32 v2, $0xFFFFFFFF  }
0x41: {  	v2 =	vmpcnt.ones.xlane vm0;
	_ =	sdelay $0x1  }
0x42: {  	(v2sf) =	vpush v2, $0x0  }
0x43: {  	v2 =	vxor.u32 $0x80000000, v3  }
0x44: {  	(xrf1) =	vsort.ascd.msk.u32 $0xffff, v2, v3;
	_ =	sdelay $0x7  }
0x45: {  	v2 =	vld [tilespmem:$0x14110]  }
0x46: {  	v3 =	vld [tilespmem:$0x14210];
	_ =	sdelay $0x3  }
0x47: {  	[tilespmem:$0x14410] =	vst v2;
	s12 =	spop (v2sf)  }
0x48: {  	[tilespmem:$0x14510] =	vst v3;
	s0 =	sadd.s32 s13, s12;
	v2, v3, _ =	vpop (xrf1)  }
0x49: {  	[tilespmem:s0+$0x19600] =	vst v3  }
0x4a: {  	v3 =	vld [tilespmem:$0x14320]  }
0x4b: {  	vm12 =	vne.s32 v2, $0xFFFFFFFF  }
0x4c: {  	v2 =	vmpcnt.ones.xlane vm12;
	_ =	sdelay $0x1  }
0x4d: {  	(v2sf) =	vpush v2, $0x0  }
0x4e: {  	v2 =	vxor.u32 $0x80000000, v3  }
0x4f: {  	(xrf1) =	vsort.ascd.msk.u32 $0xffff, v2, v3;
	_ =	sdelay $0x7  }
0x50: {  	v2 =	vld [tilespmem:$0x14120]  }
0x51: {  	v3 =	vld [tilespmem:$0x14220];
	_ =	sdelay $0x3  }
0x52: {  	[tilespmem:$0x14420] =	vst v2;
	s9 =	spop (v2sf)  }
0x53: {  	[tilespmem:$0x14520] =	vst v3;
	s0 =	sadd.s32 s0, s9;
	v2, v3, _ =	vpop (xrf1)  }
0x54: {  	[tilespmem:s0+$0x19600] =	vst v3  }
0x55: {  	v3 =	vld [tilespmem:$0x14330]  }
0x56: {  	vm13 =	vne.s32 v2, $0xFFFFFFFF  }
0x57: {  	v2 =	vmpcnt.ones.xlane vm13;
	_ =	sdelay $0x1  }
0x58: {  	(v2sf) =	vpush v2, $0x0  }
0x59: {  	v2 =	vxor.u32 $0x80000000, v3  }
0x5a: {  	(xrf1) =	vsort.ascd.msk.u32 $0xffff, v2, v3;
	_ =	sdelay $0x7  }
0x5b: {  	v2 =	vld [tilespmem:$0x14130]  }
0x5c: {  	v3 =	vld [tilespmem:$0x14230];
	_ =	sdelay $0x3  }
0x5d: {  	[tilespmem:$0x14430] =	vst v2;
	s13 =	spop (v2sf)  }
0x5e: {  	[tilespmem:$0x14530] =	vst v3;
	s0 =	sadd.s32 s0, s13;
	v2, v3, _ =	vpop (xrf1)  }
0x5f: {  	[tilespmem:s0+$0x19600] =	vst v3  }
0x60: {  	v3 =	vld [tilespmem:$0x14340];
	_ =	sdelay $0x4  }
0x61: {  	v4 =	vxor.u32 $0x80000000, v3  }
0x62: {  	(xrf1) =	vsort.ascd.msk.u32 $0xffff, v4, v3;
	_ =	sdelay $0xc  }
0x63: {  	vm14 =	vne.s32 v2, $0xFFFFFFFF  }
0x64: {  	v2 =	vmpcnt.ones.xlane vm14;
	v3, v4, _ =	vpop (xrf1)  }
0x65: {  	vm15 =	vne.s32 v3, $0xFFFFFFFF  }
0x66: {  	(v2sf) =	vpush v2, $0x0;
	v2 =	vmpcnt.ones.xlane vm15;
	_ =	sdelay $0x1  }
0x67: {  	(v2sf) =	vpush v2, $0x0;
	_ =	sdelay $0x7  }
0x68: {  	v3 =	vld [tilespmem:$0x14240]  }
0x69: {  	v2 =	vld [tilespmem:$0x14140];
	_ =	sdelay $0x3  }
0x6a: {  	s26 =	spop (v2sf);
	[tilespmem:$0x14540] =	vst v3  }
0x6b: {  	s0 =	sadd.s32 s0, s26;
	[tilespmem:$0x14440] =	vst v2  }
0x6c: {  	[tilespmem:s0+$0x19600] =	vst v4;
	s11 =	spop (v2sf)  }
0x6d: {  	_ =	swait.ge [sflag:s30], $0x2800  }
0x6e: {  	[sflag:s30] =	ssyncset.done $0x0  }
0x6f: {  	[sflag:s30] =	ssyncadd.s32 $0xFFFFD800  }
0x70: {  	[spmem:s3] =	stream.indirect.scatter.add.f32 [tilespmem:s16], [sflag:$0x5], $0x80, s19, s15, $0x2000b8;
	[tilespmem:$0x1CE80] =	vst v63  }
0x71: {  	_ = 	snop  }
0x72: {  	[spmem:s3] =	stream.indirect.scatter.add.f32 [tilespmem:s16], [sflag:$0x5], $0x80, s20, s15, $0x2000b8;
	[tilespmem:$0x1CE80] =	vst v63  }
0x73: {  	_ =	swait.ge [sflag:s21], $0x2800  }
0x74: {  	[sflag:s21] =	ssyncset.done $0x0  }
0x75: {  	[sflag:s21] =	ssyncadd.s32 $0xFFFFD800  }
0x76: {  	_ =	swait.ge [sflag:s21], $0x2800  }
0x77: {  	[sflag:s21] =	ssyncset.done $0x0  }
0x78: {  	s0 =	sadd.s32 s0, s11;
	[sflag:s21] =	ssyncadd.s32 $0xFFFFD800  }
0x79: {  	_ =	strace $0x90000049;
	[tilespmem:s0+$0x19600] =	vst v1  }
0x7a: {  	[tilespmem:s0+$0x19610] =	vst v1  }
0x7b: {  	[tilespmem:s0+$0x19620] =	vst v1  }
0x7c: {  	[tilespmem:s0+$0x19630] =	vst v1  }
0x7d: {  	[tilespmem:s0+$0x19640] =	vst v1  }
0x7e: {  	[tilespmem:s0+$0x19650] =	vst v1  }
0x7f: {  	[tilespmem:s0+$0x19660] =	vst v1  }
0x80: {  	[tilespmem:s0+$0x19670] =	vst v1  }
0x81: {  	[tilespmem:s0+$0x19680] =	vst v1  }
0x82: {  	[tilespmem:s0+$0x19690] =	vst v1  }
0x83: {  	[tilespmem:s0+$0x196A0] =	vst v1  }
0x84: {  	[tilespmem:s0+$0x196B0] =	vst v1  }
0x85: {  	[tilespmem:s0+$0x196C0] =	vst v1  }
0x86: {  	[tilespmem:s0+$0x196D0] =	vst v1  }
0x87: {  	[tilespmem:s0+$0x196E0] =	vst v1  }
0x88: {  	_ =	strace $0x8000004A  }
0x89: {  	s11 =	simm.s32 $0x19600;
	s12 =	rddreg [dreg:$0xd]  }
0x8a: {  	[hbm4b:s12+s4] =	stream.linear.scatter [tilespmem:s11], [sflag:$0x7], $0x2800, $0x200038;
	[tilespmem:$0x1CE80] =	vst v63  }
0x8b: {  	s12 =	simm.s32 $0x7  }
0x8c: {  	_ =	swait.ge [sflag:s12], $0x2800  }
0x8d: {  	[sflag:s12] =	ssyncset.done $0x0  }
0x8e: {  	v2 =	vmov s0;
	[sflag:s12] =	ssyncadd.s32 $0xFFFFD800  }
0x8f: {  	s26 =	simm.s32 $0x1CE00;
	s13 =	rddreg [dreg:$0xe];
	[tilespmem:$0x1CE00] =	vst v2  }
0x90: {  	[hbm4b:s13+s4] =	stream.linear.scatter [tilespmem:s26], [sflag:$0x7], $0x10, $0x200038;
	[tilespmem:$0x1CE80] =	vst v63  }
0x91: {  	_ =	swait.ge [sflag:s12], $0x10  }
0x92: {  	[sflag:s12] =	ssyncset.done $0x0  }
0x93: {  	[sflag:s12] =	ssyncadd.s32 $0xFFFFFFF0  }
0x94: {  	s11 =	stileid.u32;
	[bflag:$0x0] =	sbarrier.arrive $0xFFFF  }
0x95: {  	s0 =	sshll.u32 s11, $0x6;
	s29 =	rddreg [dreg:$0x4]  }
0x96: {  	s0 =	sor.u32 $0x1C07, s0;
	s26 =	rddreg [dreg:$0xf];
	s13 =	sshrl.u32 s29, $0x3  }
0x97: {  	[hbm:s26], [sflag:s0] =	dma.local [spmem:s13], $0x2800  }
0x98: {  	_ =	swait.ge [sflag:s12], $0x2800  }
0x99: {  	s13 =	sld [smem:$0x7F8];
	_ =	sdelay $0x2  }
0x9a: {  	s26 =	rddreg [dreg:$0x10];
	s9 =	sadd.s32 $0x1, s13  }
0x9b: {  	p0 =	sne.s32 s9, s26  }
.Ltmp1:
0x9c: {  	_ = 	snop;
	(pc) =	sbr.rel @!p0 .LBB2_7-.Ltmp1, $4  }
0x9d: {  	_ = 	snop  }
0x9e: {  	[sflag:s12] =	ssyncset.done $0x0  }
0x9f: {  	[sflag:s12] =	ssyncadd.s32 $0xFFFFD800  }
0xa0: {  	_ =	strace $0x9000004A  }
.LBB2_1:
0xa1: {  	[smem:$0x7F8] =	sst s9  }
0xa2: {  	s11 =	simm.s32 $0x0;
	s12 =	simm.s32 $0x200;
	_ =	strace $0x80000048  }
.LBB2_2:
0xa3: {  	p0 =	sne.s32 s12, $0x3E00;
	[tilespmem:s11+$0x1BE70] =	vst v0  }
0xa4: {  	[tilespmem:s11+$0x1BE00] =	vst v0  }
0xa5: {  	[tilespmem:s11+$0x1BE10] =	vst v0  }
.Ltmp2:
0xa6: {  	[tilespmem:s11+$0x1BE20] =	vst v0;
	(pc) =	sbr.rel @p0 .LBB2_2-.Ltmp2, $4  }
0xa7: {  	[tilespmem:s11+$0x1BE30] =	vst v0  }
0xa8: {  	[tilespmem:s11+$0x1BE40] =	vst v0  }
0xa9: {  	[tilespmem:s11+$0x1BE50] =	vst v0  }
0xaa: {  	[tilespmem:s11+$0x1BE60] =	vst v0;
	s11 =	sshra.s32 s12, $0x2;
	s12 =	sadd.s32 $0x200, s12  }
0xab: {  	[tilespmem:s11+$0x1BE70] =	vst v0  }
0xac: {  	[tilespmem:s11+$0x1BE00] =	vst v0  }
0xad: {  	[tilespmem:s11+$0x1BE10] =	vst v0  }
0xae: {  	[tilespmem:s11+$0x1BE20] =	vst v0  }
0xaf: {  	[tilespmem:s11+$0x1BE30] =	vst v0  }
0xb0: {  	[tilespmem:s11+$0x1BE40] =	vst v0  }
0xb1: {  	[tilespmem:s11+$0x1BE50] =	vst v0  }
0xb2: {  	[tilespmem:s11+$0x1BE60] =	vst v0;
	s9 =	simm.s32 $0x1BE00;
	s0 =	rddreg [dreg:$0x12]  }
0xb3: {  	[spmem:s29] =	stream.linear.scatter [tilespmem:s9], [sflag:$0x3], $0x1000, $0x200038;
	[tilespmem:$0x1CE80] =	vst v63  }
0xb4: {  	s13 =	rddreg [dreg:$0x13]  }
0xb5: {  	[spmem:s0] =	stream.linear.scatter [tilespmem:s9], [sflag:$0x3], $0x1000, $0x200038;
	[tilespmem:$0x1CE80] =	vst v63  }
0xb6: {  	s26 =	rddreg [dreg:$0x14]  }
0xb7: {  	[spmem:s13] =	stream.linear.scatter [tilespmem:s9], [sflag:$0x3], $0x1000, $0x200038;
	[tilespmem:$0x1CE80] =	vst v63  }
0xb8: {  	s11 =	rddreg [dreg:$0x16]  }
0xb9: {  	[spmem:s26] =	stream.linear.scatter [tilespmem:s9], [sflag:$0x3], $0x1000, $0x200038;
	[tilespmem:$0x1CE80] =	vst v63  }
0xba: {  	s29 =	rddreg [dreg:$0x15]  }
0xbb: {  	[spmem:s29] =	stream.linear.scatter [tilespmem:s9], [sflag:$0x3], $0x1000, $0x200038;
	[tilespmem:$0x1CE80] =	vst v63  }
0xbc: {  	s12 =	rddreg [dreg:$0x17]  }
0xbd: {  	[spmem:s11] =	stream.linear.scatter [tilespmem:s9], [sflag:$0x3], $0x1000, $0x200038;
	[tilespmem:$0x1CE80] =	vst v63  }
0xbe: {  	s13 =	rddreg [dreg:$0x18]  }
0xbf: {  	[spmem:s12] =	stream.linear.scatter [tilespmem:s9], [sflag:$0x3], $0x1000, $0x200038;
	[tilespmem:$0x1CE80] =	vst v63  }
0xc0: {  	s26 =	rddreg [dreg:$0x19]  }
0xc1: {  	[spmem:s13] =	stream.linear.scatter [tilespmem:s9], [sflag:$0x3], $0x1000, $0x200038;
	[tilespmem:$0x1CE80] =	vst v63  }
0xc2: {  	s29 =	rddreg [dreg:$0x1a]  }
0xc3: {  	[spmem:s26] =	stream.linear.scatter [tilespmem:s9], [sflag:$0x3], $0x1000, $0x200038;
	[tilespmem:$0x1CE80] =	vst v63  }
0xc4: {  	s11 =	rddreg [dreg:$0x1b]  }
0xc5: {  	[spmem:s29] =	stream.linear.scatter [tilespmem:s9], [sflag:$0x3], $0x1000, $0x200038;
	[tilespmem:$0x1CE80] =	vst v63  }
0xc6: {  	s12 =	rddreg [dreg:$0x1c]  }
0xc7: {  	[spmem:s11] =	stream.linear.scatter [tilespmem:s9], [sflag:$0x3], $0x1000, $0x200038;
	[tilespmem:$0x1CE80] =	vst v63  }
0xc8: {  	s13 =	rddreg [dreg:$0x1d]  }
0xc9: {  	[spmem:s12] =	stream.linear.scatter [tilespmem:s9], [sflag:$0x3], $0x1000, $0x200038;
	[tilespmem:$0x1CE80] =	vst v63  }
0xca: {  	s26 =	rddreg [dreg:$0x1e]  }
0xcb: {  	[spmem:s13] =	stream.linear.scatter [tilespmem:s9], [sflag:$0x3], $0x1000, $0x200038;
	[tilespmem:$0x1CE80] =	vst v63  }
0xcc: {  	s29 =	rddreg [dreg:$0x1f]  }
0xcd: {  	[spmem:s26] =	stream.linear.scatter [tilespmem:s9], [sflag:$0x3], $0x1000, $0x200038;
	[tilespmem:$0x1CE80] =	vst v63  }
0xce: {  	s11 =	sld [smem:$0x7F9]  }
0xcf: {  	[spmem:s29] =	stream.linear.scatter [tilespmem:s9], [sflag:$0x3], $0x1000, $0x200038;
	[tilespmem:$0x1CE80] =	vst v63  }
0xd0: {  	s12 =	sld [smem:$0x7FA]  }
0xd1: {  	[spmem:s11] =	stream.linear.scatter [tilespmem:s9], [sflag:$0x3], $0x1000, $0x200038;
	[tilespmem:$0x1CE80] =	vst v63  }
0xd2: {  	s13 =	sld [smem:$0x7FB]  }
0xd3: {  	[spmem:s12] =	stream.linear.scatter [tilespmem:s9], [sflag:$0x3], $0x1000, $0x200038;
	[tilespmem:$0x1CE80] =	vst v63  }
0xd4: {  	s26 =	sld [smem:$0x7FC]  }
0xd5: {  	[spmem:s13] =	stream.linear.scatter [tilespmem:s9], [sflag:$0x3], $0x1000, $0x200038;
	[tilespmem:$0x1CE80] =	vst v63  }
0xd6: {  	s29 =	sld [smem:$0x7FD]  }
0xd7: {  	[spmem:s26] =	stream.linear.scatter [tilespmem:s9], [sflag:$0x3], $0x1000, $0x200038;
	[tilespmem:$0x1CE80] =	vst v63  }
0xd8: {  	_ = 	snop  }
0xd9: {  	[spmem:s29] =	stream.linear.scatter [tilespmem:s9], [sflag:$0x3], $0x1000, $0x200038;
	[tilespmem:$0x1CE80] =	vst v63  }
0xda: {  	_ =	swait.ge [sflag:s30], $0x1000  }
0xdb: {  	[sflag:s30] =	ssyncset.done $0x0  }
0xdc: {  	[sflag:s30] =	ssyncadd.s32 $0xFFFFF000  }
0xdd: {  	_ =	swait.ge [sflag:s30], $0x1000  }
0xde: {  	[sflag:s30] =	ssyncset.done $0x0  }
0xdf: {  	[sflag:s30] =	ssyncadd.s32 $0xFFFFF000  }
0xe0: {  	_ =	swait.ge [sflag:s30], $0x1000  }
0xe1: {  	[sflag:s30] =	ssyncset.done $0x0  }
0xe2: {  	[sflag:s30] =	ssyncadd.s32 $0xFFFFF000  }
0xe3: {  	_ =	swait.ge [sflag:s30], $0x1000  }
0xe4: {  	[sflag:s30] =	ssyncset.done $0x0  }
0xe5: {  	[sflag:s30] =	ssyncadd.s32 $0xFFFFF000  }
0xe6: {  	_ =	swait.ge [sflag:s30], $0x1000  }
0xe7: {  	[sflag:s30] =	ssyncset.done $0x0  }
0xe8: {  	[sflag:s30] =	ssyncadd.s32 $0xFFFFF000  }
0xe9: {  	_ =	swait.ge [sflag:s30], $0x1000  }
0xea: {  	[sflag:s30] =	ssyncset.done $0x0  }
0xeb: {  	[sflag:s30] =	ssyncadd.s32 $0xFFFFF000  }
0xec: {  	_ =	swait.ge [sflag:s30], $0x1000  }
0xed: {  	[sflag:s30] =	ssyncset.done $0x0  }
0xee: {  	[sflag:s30] =	ssyncadd.s32 $0xFFFFF000  }
0xef: {  	_ =	swait.ge [sflag:s30], $0x1000  }
0xf0: {  	[sflag:s30] =	ssyncset.done $0x0  }
0xf1: {  	[sflag:s30] =	ssyncadd.s32 $0xFFFFF000  }
0xf2: {  	_ =	swait.ge [sflag:s30], $0x1000  }
0xf3: {  	[sflag:s30] =	ssyncset.done $0x0  }
0xf4: {  	[sflag:s30] =	ssyncadd.s32 $0xFFFFF000  }
0xf5: {  	_ =	swait.ge [sflag:s30], $0x1000  }
0xf6: {  	[sflag:s30] =	ssyncset.done $0x0  }
0xf7: {  	[sflag:s30] =	ssyncadd.s32 $0xFFFFF000  }
0xf8: {  	_ =	swait.ge [sflag:s30], $0x1000  }
0xf9: {  	[sflag:s30] =	ssyncset.done $0x0  }
0xfa: {  	[sflag:s30] =	ssyncadd.s32 $0xFFFFF000  }
0xfb: {  	_ =	swait.ge [sflag:s30], $0x1000  }
0xfc: {  	[sflag:s30] =	ssyncset.done $0x0  }
0xfd: {  	[sflag:s30] =	ssyncadd.s32 $0xFFFFF000  }
0xfe: {  	_ =	swait.ge [sflag:s30], $0x1000  }
0xff: {  	[sflag:s30] =	ssyncset.done $0x0  }
0x100: {  	[sflag:s30] =	ssyncadd.s32 $0xFFFFF000  }
0x101: {  	_ =	swait.ge [sflag:s30], $0x1000  }
0x102: {  	[sflag:s30] =	ssyncset.done $0x0  }
0x103: {  	[sflag:s30] =	ssyncadd.s32 $0xFFFFF000  }
0x104: {  	_ =	swait.ge [sflag:s30], $0x1000  }
0x105: {  	[sflag:s30] =	ssyncset.done $0x0  }
0x106: {  	[sflag:s30] =	ssyncadd.s32 $0xFFFFF000  }
0x107: {  	_ =	swait.ge [sflag:s30], $0x1000  }
0x108: {  	[sflag:s30] =	ssyncset.done $0x0  }
0x109: {  	[sflag:s30] =	ssyncadd.s32 $0xFFFFF000  }
0x10a: {  	_ =	swait.ge [sflag:s30], $0x1000  }
0x10b: {  	[sflag:s30] =	ssyncset.done $0x0  }
0x10c: {  	[sflag:s30] =	ssyncadd.s32 $0xFFFFF000  }
0x10d: {  	_ =	swait.ge [sflag:s30], $0x1000  }
0x10e: {  	[sflag:s30] =	ssyncset.done $0x0  }
0x10f: {  	[sflag:s30] =	ssyncadd.s32 $0xFFFFF000  }
0x110: {  	_ =	swait.ge [sflag:s30], $0x1000  }
0x111: {  	[sflag:s30] =	ssyncset.done $0x0  }
0x112: {  	[sflag:s30] =	ssyncadd.s32 $0xFFFFF000  }
0x113: {  	_ =	swait.ge [sflag:s30], $0x1000  }
0x114: {  	[sflag:s30] =	ssyncset.done $0x0  }
0x115: {  	[sflag:s30] =	ssyncadd.s32 $0xFFFFF000  }
0x116: {  	[bflag:$0x0] =	sbarrier.arrive $0xFFFF  }
0x117: {  	_ =	strace $0x90000048  }
0x118: {  	s11 =	simm.s32 $0x0;
	s9 =	rddreg [dreg:$0x5]  }
0x119: {  	[tilespmem:s31], [sflag:$0x1] =	stream.linear.gather [hbm4b:s9+s11], $0x50, $0x38;
	[tilespmem:$0x1CE80] =	vst v63  }
0x11a: {  	s13 =	simm.s32 $0x14100;
	s12 =	rddreg [dreg:$0x6]  }
0x11b: {  	[tilespmem:s13], [sflag:$0x1] =	stream.linear.gather [hbm4b:s12+s11], $0x50, $0x38;
	[tilespmem:$0x1CE80] =	vst v63  }
0x11c: {  	s29 =	simm.s32 $0x14200;
	s26 =	rddreg [dreg:$0x7]  }
0x11d: {  	[tilespmem:s29], [sflag:$0x1] =	stream.linear.gather [hbm4b:s26+s11], $0x50, $0x38;
	[tilespmem:$0x1CE80] =	vst v63  }
0x11e: {  	s12 =	rddreg [dreg:$0x8]  }
0x11f: {  	[tilespmem:s2], [sflag:$0x1] =	stream.linear.gather [hbm4b:s12+s11], $0x50, $0x38;
	[tilespmem:$0x1CE80] =	vst v63  }
0x120: {  	s13 =	rddreg [dreg:$0x9]  }
0x121: {  	[tilespmem:s10], [sflag:$0x2] =	stream.linear.gather [hbm4b:s13+s11], $0x50, $0x38;
	[tilespmem:$0x1CE80] =	vst v63  }
0x122: {  	s26 =	rddreg [dreg:$0xa];
	s29 =	simm.s32 $0x14180  }
0x123: {  	[tilespmem:s29], [sflag:$0x2] =	stream.linear.gather [hbm4b:s26+s11], $0x50, $0x38;
	[tilespmem:$0x1CE80] =	vst v63  }
0x124: {  	s12 =	rddreg [dreg:$0xb];
	s13 =	simm.s32 $0x14280  }
0x125: {  	[tilespmem:s13], [sflag:$0x2] =	stream.linear.gather [hbm4b:s12+s11], $0x50, $0x38;
	[tilespmem:$0x1CE80] =	vst v63  }
0x126: {  	s26 =	rddreg [dreg:$0xc];
	s29 =	simm.s32 $0x14380  }
0x127: {  	[tilespmem:s29], [sflag:$0x2] =	stream.linear.gather [hbm4b:s26+s11], $0x50, $0x38;
	[tilespmem:$0x1CE80] =	vst v63  }
0x128: {  	_ =	swait.ge [sflag:s14], $0x50  }
0x129: {  	[sflag:s14] =	ssyncset.done $0x0  }
0x12a: {  	[sflag:s14] =	ssyncadd.s32 $0xFFFFFFB0  }
0x12b: {  	_ =	swait.ge [sflag:s14], $0x50  }
0x12c: {  	[sflag:s14] =	ssyncset.done $0x0  }
0x12d: {  	[sflag:s14] =	ssyncadd.s32 $0xFFFFFFB0  }
0x12e: {  	_ =	swait.ge [sflag:s14], $0x50  }
0x12f: {  	[sflag:s14] =	ssyncset.done $0x0  }
0x130: {  	[sflag:s14] =	ssyncadd.s32 $0xFFFFFFB0  }
0x131: {  	_ =	swait.ge [sflag:s14], $0x50  }
0x132: {  	[sflag:s14] =	ssyncset.done $0x0  }
0x133: {  	[sflag:s14] =	ssyncadd.s32 $0xFFFFFFB0  }
0x134: {  	[tilespmem:s16], [sflag:$0x3] =	stream.indirect.gather [hbm4b:s1+s15], $0x80, s31, s15, $0xb8;
	[tilespmem:$0x1CE80] =	vst v63  }
0x135: {  	_ =	strace $0x80000049  }
0x136: {  	s13 =	simm.s32 $0x0;
	s12 =	rddreg [dreg:$0x11]  }
.LBB2_4:
0x137: {  	p0 =	seq.s32 s11, $0x0  }
0x138: {  	s9 =	simm.s32 @!p0 $0x6  }
0x139: {  	_ =	swait.ge @!p0 [sflag:s9], $0x2800  }
0x13a: {  	[sflag:s9] =	ssyncset.done @!p0 $0x0  }
0x13b: {  	[sflag:s9] =	ssyncadd.s32 @!p0 $0xFFFFD800  }
0x13c: {  	_ =	swait.ge @!p0 [sflag:s9], $0x2800  }
0x13d: {  	[sflag:s9] =	ssyncset.done @!p0 $0x0  }
0x13e: {  	[sflag:s9] =	ssyncadd.s32 @!p0 $0xFFFFD800  }
0x13f: {  	_ =	swait.ge [sflag:s17], $0x50  }
0x140: {  	[sflag:s17] =	ssyncset.done $0x0  }
0x141: {  	[sflag:s17] =	ssyncadd.s32 $0xFFFFFFB0  }
0x142: {  	_ =	swait.ge [sflag:s17], $0x50  }
0x143: {  	[sflag:s17] =	ssyncset.done $0x0  }
0x144: {  	[sflag:s17] =	ssyncadd.s32 $0xFFFFFFB0  }
0x145: {  	_ =	swait.ge [sflag:s17], $0x50  }
0x146: {  	[sflag:s17] =	ssyncset.done $0x0  }
0x147: {  	[sflag:s17] =	ssyncadd.s32 $0xFFFFFFB0  }
0x148: {  	_ =	swait.ge [sflag:s17], $0x50  }
0x149: {  	[sflag:s17] =	ssyncset.done $0x0  }
0x14a: {  	[sflag:s17] =	ssyncadd.s32 $0xFFFFFFB0  }
0x14b: {  	[tilespmem:s18], [sflag:$0x4] =	stream.indirect.gather [hbm4b:s1+s15], $0x80, s10, s15, $0x2000b8;
	[tilespmem:$0x1CE80] =	vst v63  }
0x14c: {  	v2 =	vld [tilespmem:$0x14300];
	_ =	sdelay $0x4  }
0x14d: {  	v3 =	vxor.u32 $0x80000000, v2  }
0x14e: {  	(xrf1) =	vsort.ascd.msk.u32 $0xffff, v3, v2;
	_ =	sdelay $0x7  }
0x14f: {  	v2 =	vld [tilespmem:$0x14100]  }
0x150: {  	v3 =	vld [tilespmem:$0x14200];
	_ =	sdelay $0x3  }
0x151: {  	[tilespmem:$0x14400] =	vst v2  }
0x152: {  	[tilespmem:$0x14500] =	vst v3;
	v2, v3, _ =	vpop (xrf1)  }
0x153: {  	[tilespmem:s13+$0x19600] =	vst v3  }
0x154: {  	v3 =	vld [tilespmem:$0x14310]  }
0x155: {  	vm0 =	vne.s32 v2, $0xFFFFFFFF  }
0x156: {  	v2 =	vmpcnt.ones.xlane vm0;
	_ =	sdelay $0x1  }
0x157: {  	(v2sf) =	vpush v2, $0x0  }
0x158: {  	v2 =	vxor.u32 $0x80000000, v3  }
0x159: {  	(xrf1) =	vsort.ascd.msk.u32 $0xffff, v2, v3;
	_ =	sdelay $0x7  }
0x15a: {  	v2 =	vld [tilespmem:$0x14110]  }
0x15b: {  	v3 =	vld [tilespmem:$0x14210];
	_ =	sdelay $0x3  }
0x15c: {  	[tilespmem:$0x14410] =	vst v2;
	s0 =	spop (v2sf)  }
0x15d: {  	[tilespmem:$0x14510] =	vst v3;
	s9 =	sadd.s32 s13, s0;
	v2, v3, _ =	vpop (xrf1)  }
0x15e: {  	[tilespmem:s9+$0x19600] =	vst v3  }
0x15f: {  	v3 =	vld [tilespmem:$0x14320]  }
0x160: {  	vm7 =	vne.s32 v2, $0xFFFFFFFF  }
0x161: {  	v2 =	vmpcnt.ones.xlane vm7;
	_ =	sdelay $0x1  }
0x162: {  	(v2sf) =	vpush v2, $0x0  }
0x163: {  	v2 =	vxor.u32 $0x80000000, v3  }
0x164: {  	(xrf1) =	vsort.ascd.msk.u32 $0xffff, v2, v3;
	_ =	sdelay $0x7  }
0x165: {  	v2 =	vld [tilespmem:$0x14120]  }
0x166: {  	v3 =	vld [tilespmem:$0x14220];
	_ =	sdelay $0x3  }
0x167: {  	[tilespmem:$0x14420] =	vst v2;
	s26 =	spop (v2sf)  }
0x168: {  	[tilespmem:$0x14520] =	vst v3;
	s9 =	sadd.s32 s9, s26;
	v2, v3, _ =	vpop (xrf1)  }
0x169: {  	[tilespmem:s9+$0x19600] =	vst v3  }
0x16a: {  	v3 =	vld [tilespmem:$0x14330]  }
0x16b: {  	vm8 =	vne.s32 v2, $0xFFFFFFFF  }
0x16c: {  	v2 =	vmpcnt.ones.xlane vm8;
	_ =	sdelay $0x1  }
0x16d: {  	(v2sf) =	vpush v2, $0x0  }
0x16e: {  	v2 =	vxor.u32 $0x80000000, v3  }
0x16f: {  	(xrf1) =	vsort.ascd.msk.u32 $0xffff, v2, v3;
	_ =	sdelay $0x7  }
0x170: {  	v2 =	vld [tilespmem:$0x14130]  }
0x171: {  	v3 =	vld [tilespmem:$0x14230];
	_ =	sdelay $0x3  }
0x172: {  	[tilespmem:$0x14430] =	vst v2;
	s29 =	spop (v2sf)  }
0x173: {  	[tilespmem:$0x14530] =	vst v3;
	s9 =	sadd.s32 s9, s29;
	v2, v3, _ =	vpop (xrf1)  }
0x174: {  	[tilespmem:s9+$0x19600] =	vst v3  }
0x175: {  	v3 =	vld [tilespmem:$0x14340];
	_ =	sdelay $0x4  }
0x176: {  	v4 =	vxor.u32 $0x80000000, v3  }
0x177: {  	(xrf1) =	vsort.ascd.msk.u32 $0xffff, v4, v3;
	_ =	sdelay $0xc  }
0x178: {  	vm9 =	vne.s32 v2, $0xFFFFFFFF  }
0x179: {  	v2 =	vmpcnt.ones.xlane vm9;
	v3, v4, _ =	vpop (xrf1)  }
0x17a: {  	vm10 =	vne.s32 v3, $0xFFFFFFFF  }
0x17b: {  	(v2sf) =	vpush v2, $0x0;
	v2 =	vmpcnt.ones.xlane vm10;
	_ =	sdelay $0x1  }
0x17c: {  	(v2sf) =	vpush v2, $0x0;
	_ =	sdelay $0x7  }
0x17d: {  	v3 =	vld [tilespmem:$0x14240]  }
0x17e: {  	v2 =	vld [tilespmem:$0x14140];
	_ =	sdelay $0x3  }
0x17f: {  	s0 =	spop (v2sf);
	[tilespmem:$0x14540] =	vst v3  }
0x180: {  	s9 =	sadd.s32 s9, s0;
	[tilespmem:$0x14440] =	vst v2  }
0x181: {  	[tilespmem:s9+$0x19600] =	vst v4;
	s13 =	spop (v2sf)  }
0x182: {  	_ =	swait.ge [sflag:s30], $0x2800  }
0x183: {  	s0 =	sshrl.u32 s12, $0x3;
	[sflag:s30] =	ssyncset.done $0x0  }
0x184: {  	s29 =	sadd.s32 s5, s0;
	[sflag:s30] =	ssyncadd.s32 $0xFFFFD800  }
0x185: {  	[tilespmem:s31], [sflag:$0x1] =	stream.linear.gather [hbm4b:s29+s4], $0x50, $0x200038;
	[tilespmem:$0x1CE80] =	vst v63  }
0x186: {  	s26 =	simm.s32 $0x14100;
	s29 =	sadd.s32 s6, s0  }
0x187: {  	[tilespmem:s26], [sflag:$0x1] =	stream.linear.gather [hbm4b:s29+s4], $0x50, $0x200038;
	[tilespmem:$0x1CE80] =	vst v63  }
0x188: {  	s29 =	sadd.s32 s7, s0;
	s26 =	simm.s32 $0x14200  }
0x189: {  	[tilespmem:s26], [sflag:$0x1] =	stream.linear.gather [hbm4b:s29+s4], $0x50, $0x200038;
	[tilespmem:$0x1CE80] =	vst v63  }
0x18a: {  	s0 =	sadd.s32 s8, s0  }
0x18b: {  	[tilespmem:s2], [sflag:$0x1] =	stream.linear.gather [hbm4b:s0+s4], $0x50, $0x200038;
	[tilespmem:$0x1CE80] =	vst v63  }
0x18c: {  	_ = 	snop  }
0x18d: {  	[spmem:s3] =	stream.indirect.scatter.add.f32 [tilespmem:s16], [sflag:$0x5], $0x80, s19, s15, $0x2000b8;
	[tilespmem:$0x1CE80] =	vst v63  }
0x18e: {  	_ = 	snop  }
0x18f: {  	[spmem:s3] =	stream.indirect.scatter.add.f32 [tilespmem:s16], [sflag:$0x5], $0x80, s20, s15, $0x2000b8;
	[tilespmem:$0x1CE80] =	vst v63  }
0x190: {  	_ =	swait.ge [sflag:s21], $0x2800  }
0x191: {  	[sflag:s21] =	ssyncset.done $0x0  }
0x192: {  	[sflag:s21] =	ssyncadd.s32 $0xFFFFD800  }
0x193: {  	_ =	swait.ge [sflag:s21], $0x2800  }
0x194: {  	[sflag:s21] =	ssyncset.done $0x0  }
0x195: {  	[sflag:s21] =	ssyncadd.s32 $0xFFFFD800  }
0x196: {  	_ =	swait.ge [sflag:s14], $0x50  }
0x197: {  	[sflag:s14] =	ssyncset.done $0x0  }
0x198: {  	[sflag:s14] =	ssyncadd.s32 $0xFFFFFFB0  }
0x199: {  	_ =	swait.ge [sflag:s14], $0x50  }
0x19a: {  	[sflag:s14] =	ssyncset.done $0x0  }
0x19b: {  	[sflag:s14] =	ssyncadd.s32 $0xFFFFFFB0  }
0x19c: {  	_ =	swait.ge [sflag:s14], $0x50  }
0x19d: {  	[sflag:s14] =	ssyncset.done $0x0  }
0x19e: {  	[sflag:s14] =	ssyncadd.s32 $0xFFFFFFB0  }
0x19f: {  	_ =	swait.ge [sflag:s14], $0x50  }
0x1a0: {  	[sflag:s14] =	ssyncset.done $0x0  }
0x1a1: {  	[sflag:s14] =	ssyncadd.s32 $0xFFFFFFB0  }
0x1a2: {  	[tilespmem:s16], [sflag:$0x3] =	stream.indirect.gather [hbm4b:s1+s15], $0x80, s31, s15, $0x2000b8;
	[tilespmem:$0x1CE80] =	vst v63  }
0x1a3: {  	v2 =	vld [tilespmem:$0x14380];
	_ =	sdelay $0x4  }
0x1a4: {  	v3 =	vxor.u32 $0x80000000, v2  }
0x1a5: {  	(xrf1) =	vsort.ascd.msk.u32 $0xffff, v3, v2;
	_ =	sdelay $0x7  }
0x1a6: {  	v2 =	vld [tilespmem:$0x14180]  }
0x1a7: {  	v3 =	vld [tilespmem:$0x14280];
	_ =	sdelay $0x3  }
0x1a8: {  	[tilespmem:$0x14480] =	vst v2  }
0x1a9: {  	s13 =	sadd.s32 s9, s13;
	[tilespmem:$0x14580] =	vst v3;
	v2, v3, _ =	vpop (xrf1)  }
0x1aa: {  	[tilespmem:s13+$0x19600] =	vst v3  }
0x1ab: {  	v3 =	vld [tilespmem:$0x14390]  }
0x1ac: {  	vm11 =	vne.s32 v2, $0xFFFFFFFF  }
0x1ad: {  	v2 =	vmpcnt.ones.xlane vm11;
	_ =	sdelay $0x1  }
0x1ae: {  	(v2sf) =	vpush v2, $0x0  }
0x1af: {  	v2 =	vxor.u32 $0x80000000, v3  }
0x1b0: {  	(xrf1) =	vsort.ascd.msk.u32 $0xffff, v2, v3;
	_ =	sdelay $0x7  }
0x1b1: {  	v2 =	vld [tilespmem:$0x14190]  }
0x1b2: {  	v3 =	vld [tilespmem:$0x14290];
	_ =	sdelay $0x3  }
0x1b3: {  	[tilespmem:$0x14490] =	vst v2;
	s26 =	spop (v2sf)  }
0x1b4: {  	[tilespmem:$0x14590] =	vst v3;
	s0 =	sadd.s32 s13, s26;
	v2, v3, _ =	vpop (xrf1)  }
0x1b5: {  	[tilespmem:s0+$0x19600] =	vst v3  }
0x1b6: {  	v3 =	vld [tilespmem:$0x143A0]  }
0x1b7: {  	vm12 =	vne.s32 v2, $0xFFFFFFFF  }
0x1b8: {  	v2 =	vmpcnt.ones.xlane vm12;
	_ =	sdelay $0x1  }
0x1b9: {  	(v2sf) =	vpush v2, $0x0  }
0x1ba: {  	v2 =	vxor.u32 $0x80000000, v3  }
0x1bb: {  	(xrf1) =	vsort.ascd.msk.u32 $0xffff, v2, v3;
	_ =	sdelay $0x7  }
0x1bc: {  	v2 =	vld [tilespmem:$0x141A0]  }
0x1bd: {  	v3 =	vld [tilespmem:$0x142A0];
	_ =	sdelay $0x3  }
0x1be: {  	[tilespmem:$0x144A0] =	vst v2;
	s29 =	spop (v2sf)  }
0x1bf: {  	[tilespmem:$0x145A0] =	vst v3;
	s0 =	sadd.s32 s0, s29;
	v2, v3, _ =	vpop (xrf1)  }
0x1c0: {  	[tilespmem:s0+$0x19600] =	vst v3  }
0x1c1: {  	v3 =	vld [tilespmem:$0x143B0]  }
0x1c2: {  	vm13 =	vne.s32 v2, $0xFFFFFFFF  }
0x1c3: {  	v2 =	vmpcnt.ones.xlane vm13;
	_ =	sdelay $0x1  }
0x1c4: {  	(v2sf) =	vpush v2, $0x0  }
0x1c5: {  	v2 =	vxor.u32 $0x80000000, v3  }
0x1c6: {  	(xrf1) =	vsort.ascd.msk.u32 $0xffff, v2, v3;
	_ =	sdelay $0x7  }
0x1c7: {  	v2 =	vld [tilespmem:$0x141B0]  }
0x1c8: {  	v3 =	vld [tilespmem:$0x142B0];
	_ =	sdelay $0x3  }
0x1c9: {  	[tilespmem:$0x144B0] =	vst v2;
	s13 =	spop (v2sf)  }
0x1ca: {  	[tilespmem:$0x145B0] =	vst v3;
	s0 =	sadd.s32 s0, s13;
	v2, v3, _ =	vpop (xrf1)  }
0x1cb: {  	[tilespmem:s0+$0x19600] =	vst v3  }
0x1cc: {  	v3 =	vld [tilespmem:$0x143C0];
	_ =	sdelay $0x4  }
0x1cd: {  	v63 =	vxor.u32 $0x80000000, v3  }
0x1ce: {  	(xrf1) =	vsort.ascd.msk.u32 $0xffff, v63, v3;
	_ =	sdelay $0xc  }
0x1cf: {  	vm14 =	vne.s32 v2, $0xFFFFFFFF  }
0x1d0: {  	v2 =	vmpcnt.ones.xlane vm14;
	v3, v4, _ =	vpop (xrf1)  }
0x1d1: {  	vm15 =	vne.s32 v3, $0xFFFFFFFF  }
0x1d2: {  	(v2sf) =	vpush v2, $0x0;
	v2 =	vmpcnt.ones.xlane vm15;
	_ =	sdelay $0x1  }
0x1d3: {  	(v2sf) =	vpush v2, $0x0;
	_ =	sdelay $0x7  }
0x1d4: {  	v3 =	vld [tilespmem:$0x142C0]  }
0x1d5: {  	v2 =	vld [tilespmem:$0x141C0];
	_ =	sdelay $0x3  }
0x1d6: {  	p0 =	seq.s32 s11, $0x4C4;
	s26 =	spop (v2sf);
	[tilespmem:$0x145C0] =	vst v3  }
.Ltmp3:
0x1d7: {  	s0 =	sadd.s32 s0, s26;
	[tilespmem:$0x144C0] =	vst v2;
	(pc) =	sbr.rel @p0 .LBB2_6-.Ltmp3, $4  }
0x1d8: {  	[tilespmem:s0+$0x19600] =	vst v4;
	s29 =	spop (v2sf)  }
0x1d9: {  	_ =	swait.ge [sflag:s28], $0x2800  }
0x1da: {  	[sflag:s28] =	ssyncset.done $0x0  }
0x1db: {  	s13 =	sadd.s32 s0, s29;
	[sflag:s28] =	ssyncadd.s32 $0xFFFFD800  }
0x1dc: {  	s0 =	sadd.s32 s11, s25  }
0x1dd: {  	[tilespmem:s10], [sflag:$0x2] =	stream.linear.gather [hbm4b:s0+s4], $0x50, $0x200038;
	[tilespmem:$0x1CE80] =	vst v63  }
0x1de: {  	s29 =	sadd.s32 s11, s24;
	s9 =	simm.s32 $0x14180  }
0x1df: {  	[tilespmem:s9], [sflag:$0x2] =	stream.linear.gather [hbm4b:s29+s4], $0x50, $0x200038;
	[tilespmem:$0x1CE80] =	vst v63  }
0x1e0: {  	s26 =	sadd.s32 s11, s23;
	s29 =	simm.s32 $0x14280  }
0x1e1: {  	[tilespmem:s29], [sflag:$0x2] =	stream.linear.gather [hbm4b:s26+s4], $0x50, $0x200038;
	[tilespmem:$0x1CE80] =	vst v63  }
0x1e2: {  	s26 =	sadd.s32 s11, s22;
	s29 =	simm.s32 $0x14380  }
0x1e3: {  	[tilespmem:s29], [sflag:$0x2] =	stream.linear.gather [hbm4b:s26+s4], $0x50, $0x200038;
	[tilespmem:$0x1CE80] =	vst v63  }
.Ltmp4:
0x1e4: {  	_ = 	snop;
	(pc) =	sbr.rel .LBB2_4-.Ltmp4, $4  }
0x1e5: {  	s26 =	simm.s32 $0x14480  }
0x1e6: {  	[spmem:s3] =	stream.indirect.scatter.add.f32 [tilespmem:s18], [sflag:$0x6], $0x80, s26, s15, $0x2000b8;
	[tilespmem:$0x1CE80] =	vst v63  }
0x1e7: {  	s12 =	sadd.s32 $0xA0, s12;
	s11 =	sadd.s32 $0x14, s11;
	s29 =	simm.s32 $0x14580  }
0x1e8: {  	[spmem:s3] =	stream.indirect.scatter.add.f32 [tilespmem:s18], [sflag:$0x6], $0x80, s29, s15, $0x2000b8;
	[tilespmem:$0x1CE80] =	vst v63  }
.LBB2_7:
0x1e9: {  	_ =	sfence.sel $0x180000  }
0x1ea: {  	[bflag:$0x0] =	sbarrier.arrive $0xFFFF  }
0x1eb: {  	_ =	strace $0x90000047  }
0x1ec: {  	s0 =	stileid.u32;
	[bflag:$0x2] =	sbarrier.arrive $0xFFFF  }
0x1ed: {  	p0 =	sne.s32 s0, $0x0;
	s0 =	rddreg [dreg:$0x3]  }
0x1ee: {  	s0 =	sadd.s32 @!p0 $0x100000, s0  }
0x1ef: {  	[sflag:s0] =	ssyncadd.tile.s32 @!p0 $0x1;
	_ =	shalt  }
.Lfunc_end2:
_tile_overlayer_lowered:
.L_overlay_start_2:
0x1f0: {  	(tag) =	ssettag $0x2  }
0x1f1: {  	s0 =	rddreg [dreg:$0x0];
	s2 =	stileid.u32  }
0x1f2: {  	s1 =	rddreg [dreg:$0x1];
	p0 =	sne.s32 s2, $0x0  }
0x1f3: {  	s3 =	rddreg [dreg:$0x2];
	[bflag:$0x3] =	sbarrier.arrive $0xFFFF;
	s2 =	simm.s32 @!p0 $0x1C07  }
0x1f4: {  	[timem:s3], [sflag:s2] =	dma.local @!p0 [hbm:s0], s1  }
0x1f5: {  	s0 =	simm.s32 @!p0 $0x7  }
0x1f6: {  	_ =	swait.ge @!p0 [sflag:s0], s1  }
0x1f7: {  	s1 =	ssub.s32 @!p0 $0x0, s1;
	[sflag:s0] =	ssyncset.done @!p0 $0x0  }
0x1f8: {  	[sflag:s0] =	ssyncadd.s32 @!p0 s1  }
0x1f9: {  	[bflag:$0x3] =	sbarrier.arrive $0xFFFF  }
0x1fa: {  	_ =	shalt  }

</sc_bundles>
